<compile_context>
chip_gen: v7x
topology: tpu7x:2x2x1
jax: 0.10.2.dev20260603
libtpu: 0.0.44.dev20260713+nightly
codegen_flags: <defaults>
</compile_context>

<pallas_src>
import functools

import jax
import jax.numpy as jnp
from jax import lax
from jax.experimental import pallas as pl
from jax.experimental.pallas import tpu as pltpu
from jax.experimental.pallas import tpu_sc as plsc

NC = 2
NS = 16
LANES = 16

C = 192
H = 64
W = 64
NROI = 32
WG = 32
HG = 5
NPTS = NROI * HG * WG
CPW = C // NS


def _sc_body(feat_hbm, bxu, byu, bxd, byd, cxh, cyh, out_hbm,
             bxu_v, byu_v, bxd_v, byd_v, cx_v, cy_v,
             idxa_v, idxb_v, idxc_v, idxd_v,
             wa_v, wb_v, wc_v, wd_v,
             p0_v, p1_v, ps_v, out_v):
    b = lax.axis_index("c")
    s = lax.axis_index("s")
    ch0 = s * CPW

    pltpu.sync_copy(bxu.at[b], bxu_v)
    pltpu.sync_copy(byu.at[b], byu_v)
    pltpu.sync_copy(bxd.at[b], bxd_v)
    pltpu.sync_copy(byd.at[b], byd_v)
    pltpu.sync_copy(cxh.at[b], cx_v)
    pltpu.sync_copy(cyh.at[b], cy_v)

    def axis_terms(g, hi):
        p = (g + 1.0) * (0.5 * (hi - 1.0))
        pi = p.astype(jnp.int32).astype(jnp.float32)
        p0f = jnp.where(pi > p, pi - 1.0, pi)
        frac = p - p0f
        p1f = p0f + 1.0
        v0 = jnp.where((p0f >= 0.0) & (p0f <= hi - 1.0), 1.0, 0.0)
        v1 = jnp.where((p1f >= 0.0) & (p1f <= hi - 1.0), 1.0, 0.0)
        c0 = jnp.clip(p0f, 0.0, hi - 1.0).astype(jnp.int32)
        c1 = jnp.clip(p1f, 0.0, hi - 1.0).astype(jnp.int32)
        return c0, c1, frac, v0, v1

    def pts_body(n, carry):
        for wc in range(2):
            col = pl.ds(wc * LANES, LANES)
            ux = bxu_v[n, col]
            uy = byu_v[n, col]
            dx = bxd_v[n, col]
            dy = byd_v[n, col]
            for h in range(HG):
                if h == HG // 2:
                    gx = cx_v[n, col]
                    gy = cy_v[n, col]
                else:
                    t = h / (HG - 1.0)
                    gx = ux + (dx - ux) * t
                    gy = uy + (dy - uy) * t
                x0, x1, fx, vx0, vx1 = axis_terms(gx, W)
                y0, y1, fy, vy0, vy1 = axis_terms(gy, H)
                ofx = 1.0 - fx
                ofy = 1.0 - fy
                base = n * (HG * WG) + h * WG + wc * LANES
                sl = pl.ds(base, LANES)
                idxa_v[sl] = y0 * W + x0
                idxb_v[sl] = y1 * W + x0
                idxc_v[sl] = y0 * W + x1
                idxd_v[sl] = y1 * W + x1
                wa_v[sl] = ofx * ofy * (vx0 * vy0)
                wb_v[sl] = ofx * fy * (vx0 * vy1)
                wc_v[sl] = fx * ofy * (vx1 * vy0)
                wd_v[sl] = fx * fy * (vx1 * vy1)
        return carry

    lax.fori_loop(0, NROI, pts_body, 0)

    def chan_body(ci, carry):
        ch = ch0 + ci
        row0 = b * C + ch
        pltpu.sync_copy(feat_hbm.at[row0], p0_v)
        pltpu.sync_copy(feat_hbm.at[row0 + NC * C], p1_v)

        def add_body(i, c2):
            sl = pl.ds(i * LANES, LANES)
            ps_v[sl] = p0_v[sl] + p1_v[sl]
            return c2

        lax.fori_loop(0, (H * W) // LANES, add_body, 0)

        def g_body(n, c2):
            for j in range(HG * WG // LANES):
                sl = pl.ds(n * (HG * WG) + j * LANES, LANES)
                va = plsc.load_gather(ps_v, [idxa_v[sl]])
                vb = plsc.load_gather(ps_v, [idxb_v[sl]])
                vc = plsc.load_gather(ps_v, [idxc_v[sl]])
                vd = plsc.load_gather(ps_v, [idxd_v[sl]])
                acc = (va * wa_v[sl] + vb * wb_v[sl]
                       + vc * wc_v[sl] + vd * wd_v[sl])
                out_v[n, pl.ds(j * LANES, LANES)] = acc
            return c2

        lax.fori_loop(0, NROI, g_body, 0)
        pltpu.sync_copy(out_v, out_hbm.at[b, :, ch, :])
        return carry

    lax.fori_loop(0, CPW, chan_body, 0)


@jax.jit
def kernel(features, center_points, boundary_points):
    L, B, _, _, _ = features.shape
    feat2d = features.reshape(L * B * C, H * W)
    bxu = boundary_points[..., 0]
    byu = boundary_points[..., 1]
    bxd = boundary_points[..., 2]
    byd = boundary_points[..., 3]
    cx = center_points[..., 0]
    cy = center_points[..., 1]

    mesh = plsc.VectorSubcoreMesh(core_axis_name="c", subcore_axis_name="s",
                                  num_cores=NC, num_subcores=NS)
    f32 = jnp.float32
    run = pl.kernel(
        _sc_body,
        compiler_params=pltpu.CompilerParams(needs_layout_passes=False),
        out_type=jax.ShapeDtypeStruct((B, NROI, C, HG * WG), f32),
        mesh=mesh,
        scratch_types=[
            pltpu.VMEM((NROI, WG), f32),
            pltpu.VMEM((NROI, WG), f32),
            pltpu.VMEM((NROI, WG), f32),
            pltpu.VMEM((NROI, WG), f32),
            pltpu.VMEM((NROI, WG), f32),
            pltpu.VMEM((NROI, WG), f32),
            pltpu.VMEM((NPTS,), jnp.int32),
            pltpu.VMEM((NPTS,), jnp.int32),
            pltpu.VMEM((NPTS,), jnp.int32),
            pltpu.VMEM((NPTS,), jnp.int32),
            pltpu.VMEM((NPTS,), f32),
            pltpu.VMEM((NPTS,), f32),
            pltpu.VMEM((NPTS,), f32),
            pltpu.VMEM((NPTS,), f32),
            pltpu.VMEM((H * W,), f32),
            pltpu.VMEM((H * W,), f32),
            pltpu.VMEM((H * W,), f32),
            pltpu.VMEM((NROI, HG * WG), f32),
        ],
    )
    out = run(feat2d, bxu, byu, bxd, byd, cx, cy)
    out = out.reshape(B, NROI, C, HG, WG)
    return tuple(out[i] for i in range(B))

# --- scband reference (transcript-rebuilt; emitter-appended) ---
"""Pipeline reference for scband-curved-ro-iextractor-28295244546862 (READ-ONLY COPY).

The authoritative reference and input builder live on the scoring server;
editing this copy changes nothing except your own understanding.
"""

import jax, jax.numpy as jnp
import numpy as np

OUT_HEIGHT = 5
SAMPLE_CENTER = True


def setup_inputs(seed: int = 0) -> dict:
    key = jax.random.key(seed)
    k1, k2, k3 = jax.random.split(key, 3)
    features = jax.random.normal(k1, (2, 2, 192, 64, 64), dtype=jnp.float32)
    center_points = jax.random.uniform(k2, (2, 32, 32, 2), dtype=jnp.float32)
    boundary_points = jax.random.uniform(k3, (2, 32, 32, 4), dtype=jnp.float32)
    return {"features": features, "center_points": center_points, "boundary_points": boundary_points}


def _grid_sample_bilinear(img, grid):
    # img: [N, C, H, W]; grid: [N, Hg, Wg, 2]; align_corners=True, zeros padding
    N, C, H, W = img.shape
    Hg, Wg = grid.shape[1], grid.shape[2]
    gx = grid[..., 0]
    gy = grid[..., 1]
    x = (gx + 1.0) * 0.5 * (W - 1)
    y = (gy + 1.0) * 0.5 * (H - 1)
    x0 = jnp.floor(x)
    x1 = x0 + 1.0
    y0 = jnp.floor(y)
    y1 = y0 + 1.0
    wa = (x1 - x) * (y1 - y)
    wb = (x1 - x) * (y - y0)
    wc = (x - x0) * (y1 - y)
    wd = (x - x0) * (y - y0)
    img_flat = img.reshape(N, C, H * W)

    def gather(xi, yi):
        valid = (xi >= 0) & (xi <= W - 1) & (yi >= 0) & (yi <= H - 1)
        xc = jnp.clip(xi, 0, W - 1).astype(jnp.int32)
        yc = jnp.clip(yi, 0, H - 1).astype(jnp.int32)
        idx = (yc * W + xc).reshape(N, 1, Hg * Wg)
        idx = jnp.broadcast_to(idx, (N, C, Hg * Wg))
        vals = jnp.take_along_axis(img_flat, idx, axis=2).reshape(N, C, Hg, Wg)
        return vals * valid[:, None, :, :].astype(img.dtype)

    Ia = gather(x0, y0)
    Ib = gather(x0, y1)
    Ic = gather(x1, y0)
    Id = gather(x1, y1)
    out = Ia * wa[:, None] + Ib * wb[:, None] + Ic * wc[:, None] + Id * wd[:, None]
    return out


def reference(features, center_points, boundary_points):
    L, B, C, H, W = features.shape
    t = jnp.linspace(0.0, 1.0, OUT_HEIGHT).reshape(1, OUT_HEIGHT, 1, 1)
    roi_feats_list = []
    for b in range(B):
        per_level = []
        for lvl in range(L):
            up = boundary_points[b][:, :, :2]
            down = boundary_points[b][:, :, 2:]
            upts = up[:, None, :, :]
            dpts = down[:, None, :, :]
            sample_points = upts + (dpts - upts) * t
            if SAMPLE_CENTER:
                sample_points = sample_points.at[:, OUT_HEIGHT // 2].set(center_points[b])
            feats = features[lvl, b]
            N = sample_points.shape[0]
            img = jnp.broadcast_to(feats[None], (N, C, H, W))
            per_level.append(_grid_sample_bilinear(img, sample_points))
        roi_feats_list.append(jnp.stack(per_level, axis=0).sum(axis=0))
    return tuple(roi_feats_list)

if __name__ == "__main__":
    import jax
    _d = setup_inputs()
    print(jax.jit(kernel)(*tuple(_d.values())))

</pallas_src>

<mosaic_0001>
#map = affine_map<(d0, d1) -> (0, 0)>
#map1 = affine_map<(d0, d1) -> (0, 0, 0)>
#map2 = affine_map<(d0, d1) -> (0, 0, 0, 0)>
module attributes {stable_mosaic.version = 14 : i64} {
  func.func @_sc_body(%arg0: i32, %arg1: i32, %arg2: memref<768x4096xf32, #tpu.memory_space<hbm>>, %arg3: memref<2x32x32xf32, #tpu.memory_space<hbm>>, %arg4: memref<2x32x32xf32, #tpu.memory_space<hbm>>, %arg5: memref<2x32x32xf32, #tpu.memory_space<hbm>>, %arg6: memref<2x32x32xf32, #tpu.memory_space<hbm>>, %arg7: memref<2x32x32xf32, #tpu.memory_space<hbm>>, %arg8: memref<2x32x32xf32, #tpu.memory_space<hbm>>, %arg9: memref<2x32x192x160xf32, #tpu.memory_space<hbm>>, %arg10: memref<32x32xf32, #tpu.memory_space<vmem>>, %arg11: memref<32x32xf32, #tpu.memory_space<vmem>>, %arg12: memref<32x32xf32, #tpu.memory_space<vmem>>, %arg13: memref<32x32xf32, #tpu.memory_space<vmem>>, %arg14: memref<32x32xf32, #tpu.memory_space<vmem>>, %arg15: memref<32x32xf32, #tpu.memory_space<vmem>>, %arg16: memref<5120xi32, #tpu.memory_space<vmem>>, %arg17: memref<5120xi32, #tpu.memory_space<vmem>>, %arg18: memref<5120xi32, #tpu.memory_space<vmem>>, %arg19: memref<5120xi32, #tpu.memory_space<vmem>>, %arg20: memref<5120xf32, #tpu.memory_space<vmem>>, %arg21: memref<5120xf32, #tpu.memory_space<vmem>>, %arg22: memref<5120xf32, #tpu.memory_space<vmem>>, %arg23: memref<5120xf32, #tpu.memory_space<vmem>>, %arg24: memref<4096xf32, #tpu.memory_space<vmem>>, %arg25: memref<4096xf32, #tpu.memory_space<vmem>>, %arg26: memref<4096xf32, #tpu.memory_space<vmem>>, %arg27: memref<32x160xf32, #tpu.memory_space<vmem>>) attributes {dimension_semantics = [#tpu.dimension_semantics<core_parallel>, #tpu.dimension_semantics<subcore_parallel>], iteration_bounds = array<i64: 2, 16>, scalar_prefetch = 0 : i64, scratch_operands = 18 : i64, tpu.core_type = #tpu.core_type<sc_vector_subcore>, window_params = [{transform_indices = #map}, {transform_indices = #map1}, {transform_indices = #map1}, {transform_indices = #map1}, {transform_indices = #map1}, {transform_indices = #map1}, {transform_indices = #map1}, {transform_indices = #map2}]} {
    %mul3A = arith.constant 12 : i32
    %mul3A_0 = arith.muli %arg1, %mul3A : i32
    "tpu.region"() ({
      %run_scoped3A = tpu.sem_alloc : memref<!tpu.dma_semaphore, #tpu.memory_space<semaphore_mem>>
      %dma_start3A = arith.constant 0 : i32
      %dma_start3A_12 = arith.constant 0 : i32
      %dma_start3A_13 = tpu.memref_slice %arg3[%arg0, %dma_start3A, %dma_start3A_12] : memref<2x32x32xf32, #tpu.memory_space<hbm>> -> memref<1x32x32xf32, #tpu.memory_space<hbm>>
      %dma_start3A_14 = tpu.memref_squeeze %dma_start3A_13 : memref<1x32x32xf32, #tpu.memory_space<hbm>> -> memref<32x32xf32, #tpu.memory_space<hbm>>
      %dma_start3A_15 = arith.constant 0 : i32
      %dma_start3A_16 = arith.constant 0 : i32
      %dma_start3A_17 = tpu.memref_slice %arg3[%arg0, %dma_start3A_15, %dma_start3A_16] : memref<2x32x32xf32, #tpu.memory_space<hbm>> -> memref<1x32x32xf32, #tpu.memory_space<hbm>>
      %dma_start3A_18 = tpu.memref_squeeze %dma_start3A_17 : memref<1x32x32xf32, #tpu.memory_space<hbm>> -> memref<32x32xf32, #tpu.memory_space<hbm>>
      tpu.enqueue_dma source(%dma_start3A_18 : memref<32x32xf32, #tpu.memory_space<hbm>>) target(%arg10 : memref<32x32xf32, #tpu.memory_space<vmem>>) target_semaphore(%run_scoped3A : memref<!tpu.dma_semaphore, #tpu.memory_space<semaphore_mem>>)
      %dma_wait3A = arith.constant 0 : i32
      %dma_wait3A_19 = arith.constant 0 : i32
      %dma_wait3A_20 = tpu.memref_slice %arg3[%arg0, %dma_wait3A, %dma_wait3A_19] : memref<2x32x32xf32, #tpu.memory_space<hbm>> -> memref<1x32x32xf32, #tpu.memory_space<hbm>>
      %dma_wait3A_21 = tpu.memref_squeeze %dma_wait3A_20 : memref<1x32x32xf32, #tpu.memory_space<hbm>> -> memref<32x32xf32, #tpu.memory_space<hbm>>
      %dma_wait3A_22 = arith.constant 0 : i32
      %dma_wait3A_23 = arith.constant 0 : i32
      %dma_wait3A_24 = tpu.memref_slice %arg3[%arg0, %dma_wait3A_22, %dma_wait3A_23] : memref<2x32x32xf32, #tpu.memory_space<hbm>> -> memref<1x32x32xf32, #tpu.memory_space<hbm>>
      %dma_wait3A_25 = tpu.memref_squeeze %dma_wait3A_24 : memref<1x32x32xf32, #tpu.memory_space<hbm>> -> memref<32x32xf32, #tpu.memory_space<hbm>>
      tpu.wait_dma2 semaphore(%run_scoped3A : memref<!tpu.dma_semaphore, #tpu.memory_space<semaphore_mem>>) src(%dma_wait3A_25 : memref<32x32xf32, #tpu.memory_space<hbm>>) dst(%arg10 : memref<32x32xf32, #tpu.memory_space<vmem>>)
      tpu.yield
    }) : () -> ()
    "tpu.region"() ({
      %run_scoped3A = tpu.sem_alloc : memref<!tpu.dma_semaphore, #tpu.memory_space<semaphore_mem>>
      %dma_start3A = arith.constant 0 : i32
      %dma_start3A_12 = arith.constant 0 : i32
      %dma_start3A_13 = tpu.memref_slice %arg4[%arg0, %dma_start3A, %dma_start3A_12] : memref<2x32x32xf32, #tpu.memory_space<hbm>> -> memref<1x32x32xf32, #tpu.memory_space<hbm>>
      %dma_start3A_14 = tpu.memref_squeeze %dma_start3A_13 : memref<1x32x32xf32, #tpu.memory_space<hbm>> -> memref<32x32xf32, #tpu.memory_space<hbm>>
      %dma_start3A_15 = arith.constant 0 : i32
      %dma_start3A_16 = arith.constant 0 : i32
      %dma_start3A_17 = tpu.memref_slice %arg4[%arg0, %dma_start3A_15, %dma_start3A_16] : memref<2x32x32xf32, #tpu.memory_space<hbm>> -> memref<1x32x32xf32, #tpu.memory_space<hbm>>
      %dma_start3A_18 = tpu.memref_squeeze %dma_start3A_17 : memref<1x32x32xf32, #tpu.memory_space<hbm>> -> memref<32x32xf32, #tpu.memory_space<hbm>>
      tpu.enqueue_dma source(%dma_start3A_18 : memref<32x32xf32, #tpu.memory_space<hbm>>) target(%arg11 : memref<32x32xf32, #tpu.memory_space<vmem>>) target_semaphore(%run_scoped3A : memref<!tpu.dma_semaphore, #tpu.memory_space<semaphore_mem>>)
      %dma_wait3A = arith.constant 0 : i32
      %dma_wait3A_19 = arith.constant 0 : i32
      %dma_wait3A_20 = tpu.memref_slice %arg4[%arg0, %dma_wait3A, %dma_wait3A_19] : memref<2x32x32xf32, #tpu.memory_space<hbm>> -> memref<1x32x32xf32, #tpu.memory_space<hbm>>
      %dma_wait3A_21 = tpu.memref_squeeze %dma_wait3A_20 : memref<1x32x32xf32, #tpu.memory_space<hbm>> -> memref<32x32xf32, #tpu.memory_space<hbm>>
      %dma_wait3A_22 = arith.constant 0 : i32
      %dma_wait3A_23 = arith.constant 0 : i32
      %dma_wait3A_24 = tpu.memref_slice %arg4[%arg0, %dma_wait3A_22, %dma_wait3A_23] : memref<2x32x32xf32, #tpu.memory_space<hbm>> -> memref<1x32x32xf32, #tpu.memory_space<hbm>>
      %dma_wait3A_25 = tpu.memref_squeeze %dma_wait3A_24 : memref<1x32x32xf32, #tpu.memory_space<hbm>> -> memref<32x32xf32, #tpu.memory_space<hbm>>
      tpu.wait_dma2 semaphore(%run_scoped3A : memref<!tpu.dma_semaphore, #tpu.memory_space<semaphore_mem>>) src(%dma_wait3A_25 : memref<32x32xf32, #tpu.memory_space<hbm>>) dst(%arg11 : memref<32x32xf32, #tpu.memory_space<vmem>>)
      tpu.yield
    }) : () -> ()
    "tpu.region"() ({
      %run_scoped3A = tpu.sem_alloc : memref<!tpu.dma_semaphore, #tpu.memory_space<semaphore_mem>>
      %dma_start3A = arith.constant 0 : i32
      %dma_start3A_12 = arith.constant 0 : i32
      %dma_start3A_13 = tpu.memref_slice %arg5[%arg0, %dma_start3A, %dma_start3A_12] : memref<2x32x32xf32, #tpu.memory_space<hbm>> -> memref<1x32x32xf32, #tpu.memory_space<hbm>>
      %dma_start3A_14 = tpu.memref_squeeze %dma_start3A_13 : memref<1x32x32xf32, #tpu.memory_space<hbm>> -> memref<32x32xf32, #tpu.memory_space<hbm>>
      %dma_start3A_15 = arith.constant 0 : i32
      %dma_start3A_16 = arith.constant 0 : i32
      %dma_start3A_17 = tpu.memref_slice %arg5[%arg0, %dma_start3A_15, %dma_start3A_16] : memref<2x32x32xf32, #tpu.memory_space<hbm>> -> memref<1x32x32xf32, #tpu.memory_space<hbm>>
      %dma_start3A_18 = tpu.memref_squeeze %dma_start3A_17 : memref<1x32x32xf32, #tpu.memory_space<hbm>> -> memref<32x32xf32, #tpu.memory_space<hbm>>
      tpu.enqueue_dma source(%dma_start3A_18 : memref<32x32xf32, #tpu.memory_space<hbm>>) target(%arg12 : memref<32x32xf32, #tpu.memory_space<vmem>>) target_semaphore(%run_scoped3A : memref<!tpu.dma_semaphore, #tpu.memory_space<semaphore_mem>>)
      %dma_wait3A = arith.constant 0 : i32
      %dma_wait3A_19 = arith.constant 0 : i32
      %dma_wait3A_20 = tpu.memref_slice %arg5[%arg0, %dma_wait3A, %dma_wait3A_19] : memref<2x32x32xf32, #tpu.memory_space<hbm>> -> memref<1x32x32xf32, #tpu.memory_space<hbm>>
      %dma_wait3A_21 = tpu.memref_squeeze %dma_wait3A_20 : memref<1x32x32xf32, #tpu.memory_space<hbm>> -> memref<32x32xf32, #tpu.memory_space<hbm>>
      %dma_wait3A_22 = arith.constant 0 : i32
      %dma_wait3A_23 = arith.constant 0 : i32
      %dma_wait3A_24 = tpu.memref_slice %arg5[%arg0, %dma_wait3A_22, %dma_wait3A_23] : memref<2x32x32xf32, #tpu.memory_space<hbm>> -> memref<1x32x32xf32, #tpu.memory_space<hbm>>
      %dma_wait3A_25 = tpu.memref_squeeze %dma_wait3A_24 : memref<1x32x32xf32, #tpu.memory_space<hbm>> -> memref<32x32xf32, #tpu.memory_space<hbm>>
      tpu.wait_dma2 semaphore(%run_scoped3A : memref<!tpu.dma_semaphore, #tpu.memory_space<semaphore_mem>>) src(%dma_wait3A_25 : memref<32x32xf32, #tpu.memory_space<hbm>>) dst(%arg12 : memref<32x32xf32, #tpu.memory_space<vmem>>)
      tpu.yield
    }) : () -> ()
    "tpu.region"() ({
      %run_scoped3A = tpu.sem_alloc : memref<!tpu.dma_semaphore, #tpu.memory_space<semaphore_mem>>
      %dma_start3A = arith.constant 0 : i32
      %dma_start3A_12 = arith.constant 0 : i32
      %dma_start3A_13 = tpu.memref_slice %arg6[%arg0, %dma_start3A, %dma_start3A_12] : memref<2x32x32xf32, #tpu.memory_space<hbm>> -> memref<1x32x32xf32, #tpu.memory_space<hbm>>
      %dma_start3A_14 = tpu.memref_squeeze %dma_start3A_13 : memref<1x32x32xf32, #tpu.memory_space<hbm>> -> memref<32x32xf32, #tpu.memory_space<hbm>>
      %dma_start3A_15 = arith.constant 0 : i32
      %dma_start3A_16 = arith.constant 0 : i32
      %dma_start3A_17 = tpu.memref_slice %arg6[%arg0, %dma_start3A_15, %dma_start3A_16] : memref<2x32x32xf32, #tpu.memory_space<hbm>> -> memref<1x32x32xf32, #tpu.memory_space<hbm>>
      %dma_start3A_18 = tpu.memref_squeeze %dma_start3A_17 : memref<1x32x32xf32, #tpu.memory_space<hbm>> -> memref<32x32xf32, #tpu.memory_space<hbm>>
      tpu.enqueue_dma source(%dma_start3A_18 : memref<32x32xf32, #tpu.memory_space<hbm>>) target(%arg13 : memref<32x32xf32, #tpu.memory_space<vmem>>) target_semaphore(%run_scoped3A : memref<!tpu.dma_semaphore, #tpu.memory_space<semaphore_mem>>)
      %dma_wait3A = arith.constant 0 : i32
      %dma_wait3A_19 = arith.constant 0 : i32
      %dma_wait3A_20 = tpu.memref_slice %arg6[%arg0, %dma_wait3A, %dma_wait3A_19] : memref<2x32x32xf32, #tpu.memory_space<hbm>> -> memref<1x32x32xf32, #tpu.memory_space<hbm>>
      %dma_wait3A_21 = tpu.memref_squeeze %dma_wait3A_20 : memref<1x32x32xf32, #tpu.memory_space<hbm>> -> memref<32x32xf32, #tpu.memory_space<hbm>>
      %dma_wait3A_22 = arith.constant 0 : i32
      %dma_wait3A_23 = arith.constant 0 : i32
      %dma_wait3A_24 = tpu.memref_slice %arg6[%arg0, %dma_wait3A_22, %dma_wait3A_23] : memref<2x32x32xf32, #tpu.memory_space<hbm>> -> memref<1x32x32xf32, #tpu.memory_space<hbm>>
      %dma_wait3A_25 = tpu.memref_squeeze %dma_wait3A_24 : memref<1x32x32xf32, #tpu.memory_space<hbm>> -> memref<32x32xf32, #tpu.memory_space<hbm>>
      tpu.wait_dma2 semaphore(%run_scoped3A : memref<!tpu.dma_semaphore, #tpu.memory_space<semaphore_mem>>) src(%dma_wait3A_25 : memref<32x32xf32, #tpu.memory_space<hbm>>) dst(%arg13 : memref<32x32xf32, #tpu.memory_space<vmem>>)
      tpu.yield
    }) : () -> ()
    "tpu.region"() ({
      %run_scoped3A = tpu.sem_alloc : memref<!tpu.dma_semaphore, #tpu.memory_space<semaphore_mem>>
      %dma_start3A = arith.constant 0 : i32
      %dma_start3A_12 = arith.constant 0 : i32
      %dma_start3A_13 = tpu.memref_slice %arg7[%arg0, %dma_start3A, %dma_start3A_12] : memref<2x32x32xf32, #tpu.memory_space<hbm>> -> memref<1x32x32xf32, #tpu.memory_space<hbm>>
      %dma_start3A_14 = tpu.memref_squeeze %dma_start3A_13 : memref<1x32x32xf32, #tpu.memory_space<hbm>> -> memref<32x32xf32, #tpu.memory_space<hbm>>
      %dma_start3A_15 = arith.constant 0 : i32
      %dma_start3A_16 = arith.constant 0 : i32
      %dma_start3A_17 = tpu.memref_slice %arg7[%arg0, %dma_start3A_15, %dma_start3A_16] : memref<2x32x32xf32, #tpu.memory_space<hbm>> -> memref<1x32x32xf32, #tpu.memory_space<hbm>>
      %dma_start3A_18 = tpu.memref_squeeze %dma_start3A_17 : memref<1x32x32xf32, #tpu.memory_space<hbm>> -> memref<32x32xf32, #tpu.memory_space<hbm>>
      tpu.enqueue_dma source(%dma_start3A_18 : memref<32x32xf32, #tpu.memory_space<hbm>>) target(%arg14 : memref<32x32xf32, #tpu.memory_space<vmem>>) target_semaphore(%run_scoped3A : memref<!tpu.dma_semaphore, #tpu.memory_space<semaphore_mem>>)
      %dma_wait3A = arith.constant 0 : i32
      %dma_wait3A_19 = arith.constant 0 : i32
      %dma_wait3A_20 = tpu.memref_slice %arg7[%arg0, %dma_wait3A, %dma_wait3A_19] : memref<2x32x32xf32, #tpu.memory_space<hbm>> -> memref<1x32x32xf32, #tpu.memory_space<hbm>>
      %dma_wait3A_21 = tpu.memref_squeeze %dma_wait3A_20 : memref<1x32x32xf32, #tpu.memory_space<hbm>> -> memref<32x32xf32, #tpu.memory_space<hbm>>
      %dma_wait3A_22 = arith.constant 0 : i32
      %dma_wait3A_23 = arith.constant 0 : i32
      %dma_wait3A_24 = tpu.memref_slice %arg7[%arg0, %dma_wait3A_22, %dma_wait3A_23] : memref<2x32x32xf32, #tpu.memory_space<hbm>> -> memref<1x32x32xf32, #tpu.memory_space<hbm>>
      %dma_wait3A_25 = tpu.memref_squeeze %dma_wait3A_24 : memref<1x32x32xf32, #tpu.memory_space<hbm>> -> memref<32x32xf32, #tpu.memory_space<hbm>>
      tpu.wait_dma2 semaphore(%run_scoped3A : memref<!tpu.dma_semaphore, #tpu.memory_space<semaphore_mem>>) src(%dma_wait3A_25 : memref<32x32xf32, #tpu.memory_space<hbm>>) dst(%arg14 : memref<32x32xf32, #tpu.memory_space<vmem>>)
      tpu.yield
    }) : () -> ()
    "tpu.region"() ({
      %run_scoped3A = tpu.sem_alloc : memref<!tpu.dma_semaphore, #tpu.memory_space<semaphore_mem>>
      %dma_start3A = arith.constant 0 : i32
      %dma_start3A_12 = arith.constant 0 : i32
      %dma_start3A_13 = tpu.memref_slice %arg8[%arg0, %dma_start3A, %dma_start3A_12] : memref<2x32x32xf32, #tpu.memory_space<hbm>> -> memref<1x32x32xf32, #tpu.memory_space<hbm>>
      %dma_start3A_14 = tpu.memref_squeeze %dma_start3A_13 : memref<1x32x32xf32, #tpu.memory_space<hbm>> -> memref<32x32xf32, #tpu.memory_space<hbm>>
      %dma_start3A_15 = arith.constant 0 : i32
      %dma_start3A_16 = arith.constant 0 : i32
      %dma_start3A_17 = tpu.memref_slice %arg8[%arg0, %dma_start3A_15, %dma_start3A_16] : memref<2x32x32xf32, #tpu.memory_space<hbm>> -> memref<1x32x32xf32, #tpu.memory_space<hbm>>
      %dma_start3A_18 = tpu.memref_squeeze %dma_start3A_17 : memref<1x32x32xf32, #tpu.memory_space<hbm>> -> memref<32x32xf32, #tpu.memory_space<hbm>>
      tpu.enqueue_dma source(%dma_start3A_18 : memref<32x32xf32, #tpu.memory_space<hbm>>) target(%arg15 : memref<32x32xf32, #tpu.memory_space<vmem>>) target_semaphore(%run_scoped3A : memref<!tpu.dma_semaphore, #tpu.memory_space<semaphore_mem>>)
      %dma_wait3A = arith.constant 0 : i32
      %dma_wait3A_19 = arith.constant 0 : i32
      %dma_wait3A_20 = tpu.memref_slice %arg8[%arg0, %dma_wait3A, %dma_wait3A_19] : memref<2x32x32xf32, #tpu.memory_space<hbm>> -> memref<1x32x32xf32, #tpu.memory_space<hbm>>
      %dma_wait3A_21 = tpu.memref_squeeze %dma_wait3A_20 : memref<1x32x32xf32, #tpu.memory_space<hbm>> -> memref<32x32xf32, #tpu.memory_space<hbm>>
      %dma_wait3A_22 = arith.constant 0 : i32
      %dma_wait3A_23 = arith.constant 0 : i32
      %dma_wait3A_24 = tpu.memref_slice %arg8[%arg0, %dma_wait3A_22, %dma_wait3A_23] : memref<2x32x32xf32, #tpu.memory_space<hbm>> -> memref<1x32x32xf32, #tpu.memory_space<hbm>>
      %dma_wait3A_25 = tpu.memref_squeeze %dma_wait3A_24 : memref<1x32x32xf32, #tpu.memory_space<hbm>> -> memref<32x32xf32, #tpu.memory_space<hbm>>
      tpu.wait_dma2 semaphore(%run_scoped3A : memref<!tpu.dma_semaphore, #tpu.memory_space<semaphore_mem>>) src(%dma_wait3A_25 : memref<32x32xf32, #tpu.memory_space<hbm>>) dst(%arg15 : memref<32x32xf32, #tpu.memory_space<vmem>>)
      tpu.yield
    }) : () -> ()
    %scan3A = arith.constant 0 : i32
    %scan3A_1 = arith.constant 0 : i32
    %scan3A_2 = arith.constant 32 : i32
    %scan3A_3 = arith.addi %scan3A_1, %scan3A_2 : i32
    %scan3A_4 = arith.constant 1 : i32
    scf.for %scan3A_12 = %scan3A_1 to %scan3A_3 step %scan3A_4  : i32 {
      %get3A = arith.index_cast %scan3A_12 : i32 to index
      %get3A_13 = arith.constant 0 : index
      %get3A_14 = tpu.vector_load %arg10[%get3A, %get3A_13] {strides = array<i32>} : memref<32x32xf32, #tpu.memory_space<vmem>>, vector<16xf32>,
      %get3A_15 = arith.index_cast %scan3A_12 : i32 to index
      %get3A_16 = arith.constant 0 : index
      %get3A_17 = tpu.vector_load %arg11[%get3A_15, %get3A_16] {strides = array<i32>} : memref<32x32xf32, #tpu.memory_space<vmem>>, vector<16xf32>,
      %get3A_18 = arith.index_cast %scan3A_12 : i32 to index
      %get3A_19 = arith.constant 0 : index
      %get3A_20 = tpu.vector_load %arg12[%get3A_18, %get3A_19] {strides = array<i32>} : memref<32x32xf32, #tpu.memory_space<vmem>>, vector<16xf32>,
      %get3A_21 = arith.index_cast %scan3A_12 : i32 to index
      %get3A_22 = arith.constant 0 : index
      %get3A_23 = tpu.vector_load %arg13[%get3A_21, %get3A_22] {strides = array<i32>} : memref<32x32xf32, #tpu.memory_space<vmem>>, vector<16xf32>,
      %sub3A = arith.subf %get3A_20, %get3A_14 : vector<16xf32>
      %mul3A_24 = arith.constant 0.000000e+00 : f32
      %mul3A_25 = vector.broadcast %mul3A_24 : f32 to vector<16xf32>
      %mul3A_26 = arith.mulf %sub3A, %mul3A_25 : vector<16xf32>
      %add3A = arith.addf %get3A_14, %mul3A_26 : vector<16xf32>
      %sub3A_27 = arith.subf %get3A_23, %get3A_17 : vector<16xf32>
      %mul3A_28 = arith.constant 0.000000e+00 : f32
      %mul3A_29 = vector.broadcast %mul3A_28 : f32 to vector<16xf32>
      %mul3A_30 = arith.mulf %sub3A_27, %mul3A_29 : vector<16xf32>
      %add3A_31 = arith.addf %get3A_17, %mul3A_30 : vector<16xf32>
      %add3A_32 = arith.constant 1.000000e+00 : f32
      %add3A_33 = vector.broadcast %add3A_32 : f32 to vector<16xf32>
      %add3A_34 = arith.addf %add3A, %add3A_33 : vector<16xf32>
      %mul3A_35 = arith.constant 3.150000e+01 : f32
      %mul3A_36 = vector.broadcast %mul3A_35 : f32 to vector<16xf32>
      %mul3A_37 = arith.mulf %add3A_34, %mul3A_36 : vector<16xf32>
      %convert_element_type3A = arith.fptosi %mul3A_37 : vector<16xf32> to vector<16xi32>
      %convert_element_type3A_38 = arith.sitofp %convert_element_type3A : vector<16xi32> to vector<16xf32>
      %gt3A = arith.cmpf ogt, %convert_element_type3A_38, %mul3A_37 : vector<16xf32>
      %sub3A_39 = arith.constant 1.000000e+00 : f32
      %sub3A_40 = vector.broadcast %sub3A_39 : f32 to vector<16xf32>
      %sub3A_41 = arith.subf %convert_element_type3A_38, %sub3A_40 : vector<16xf32>
      %select_n3A = arith.select %gt3A, %sub3A_41, %convert_element_type3A_38 : vector<16xi1>, vector<16xf32>
      %sub3A_42 = arith.subf %mul3A_37, %select_n3A : vector<16xf32>
      %add3A_43 = arith.constant 1.000000e+00 : f32
      %add3A_44 = vector.broadcast %add3A_43 : f32 to vector<16xf32>
      %add3A_45 = arith.addf %select_n3A, %add3A_44 : vector<16xf32>
      %ge3A = arith.constant 0.000000e+00 : f32
      %ge3A_46 = vector.broadcast %ge3A : f32 to vector<16xf32>
      %ge3A_47 = arith.cmpf oge, %select_n3A, %ge3A_46 : vector<16xf32>
      %le3A = arith.constant 6.300000e+01 : f32
      %le3A_48 = vector.broadcast %le3A : f32 to vector<16xf32>
      %le3A_49 = arith.cmpf ole, %select_n3A, %le3A_48 : vector<16xf32>
      %and3A = arith.andi %ge3A_47, %le3A_49 : vector<16xi1>
      %jit3A = arith.constant 1.000000e+00 : f32
      %jit3A_50 = arith.constant 0.000000e+00 : f32
      %broadcast_in_dim3A = vector.broadcast %jit3A : f32 to vector<16xf32>
      %broadcast_in_dim3A_51 = vector.broadcast %jit3A_50 : f32 to vector<16xf32>
      %select_n3A_52 = arith.select %and3A, %broadcast_in_dim3A, %broadcast_in_dim3A_51 : vector<16xi1>, vector<16xf32>
      %ge3A_53 = arith.constant 0.000000e+00 : f32
      %ge3A_54 = vector.broadcast %ge3A_53 : f32 to vector<16xf32>
      %ge3A_55 = arith.cmpf oge, %add3A_45, %ge3A_54 : vector<16xf32>
      %le3A_56 = arith.constant 6.300000e+01 : f32
      %le3A_57 = vector.broadcast %le3A_56 : f32 to vector<16xf32>
      %le3A_58 = arith.cmpf ole, %add3A_45, %le3A_57 : vector<16xf32>
      %and3A_59 = arith.andi %ge3A_55, %le3A_58 : vector<16xi1>
      %jit3A_60 = arith.constant 1.000000e+00 : f32
      %jit3A_61 = arith.constant 0.000000e+00 : f32
      %broadcast_in_dim3A_62 = vector.broadcast %jit3A_60 : f32 to vector<16xf32>
      %broadcast_in_dim3A_63 = vector.broadcast %jit3A_61 : f32 to vector<16xf32>
      %select_n3A_64 = arith.select %and3A_59, %broadcast_in_dim3A_62, %broadcast_in_dim3A_63 : vector<16xi1>, vector<16xf32>
      %jit3A_65 = arith.constant 0.000000e+00 : f32
      %jit3A_66 = arith.constant 6.300000e+01 : f32
      %max3A = vector.broadcast %jit3A_65 : f32 to vector<16xf32>
      %max3A_67 = arith.maximumf %max3A, %select_n3A : vector<16xf32>
      %min3A = vector.broadcast %jit3A_66 : f32 to vector<16xf32>
      %min3A_68 = arith.minimumf %min3A, %max3A_67 : vector<16xf32>
      %convert_element_type3A_69 = arith.fptosi %min3A_68 : vector<16xf32> to vector<16xi32>
      %jit3A_70 = arith.constant 0.000000e+00 : f32
      %jit3A_71 = arith.constant 6.300000e+01 : f32
      %max3A_72 = vector.broadcast %jit3A_70 : f32 to vector<16xf32>
      %max3A_73 = arith.maximumf %max3A_72, %add3A_45 : vector<16xf32>
      %min3A_74 = vector.broadcast %jit3A_71 : f32 to vector<16xf32>
      %min3A_75 = arith.minimumf %min3A_74, %max3A_73 : vector<16xf32>
      %convert_element_type3A_76 = arith.fptosi %min3A_75 : vector<16xf32> to vector<16xi32>
      %add3A_77 = arith.constant 1.000000e+00 : f32
      %add3A_78 = vector.broadcast %add3A_77 : f32 to vector<16xf32>
      %add3A_79 = arith.addf %add3A_31, %add3A_78 : vector<16xf32>
      %mul3A_80 = arith.constant 3.150000e+01 : f32
      %mul3A_81 = vector.broadcast %mul3A_80 : f32 to vector<16xf32>
      %mul3A_82 = arith.mulf %add3A_79, %mul3A_81 : vector<16xf32>
      %convert_element_type3A_83 = arith.fptosi %mul3A_82 : vector<16xf32> to vector<16xi32>
      %convert_element_type3A_84 = arith.sitofp %convert_element_type3A_83 : vector<16xi32> to vector<16xf32>
      %gt3A_85 = arith.cmpf ogt, %convert_element_type3A_84, %mul3A_82 : vector<16xf32>
      %sub3A_86 = arith.constant 1.000000e+00 : f32
      %sub3A_87 = vector.broadcast %sub3A_86 : f32 to vector<16xf32>
      %sub3A_88 = arith.subf %convert_element_type3A_84, %sub3A_87 : vector<16xf32>
      %select_n3A_89 = arith.select %gt3A_85, %sub3A_88, %convert_element_type3A_84 : vector<16xi1>, vector<16xf32>
      %sub3A_90 = arith.subf %mul3A_82, %select_n3A_89 : vector<16xf32>
      %add3A_91 = arith.constant 1.000000e+00 : f32
      %add3A_92 = vector.broadcast %add3A_91 : f32 to vector<16xf32>
      %add3A_93 = arith.addf %select_n3A_89, %add3A_92 : vector<16xf32>
      %ge3A_94 = arith.constant 0.000000e+00 : f32
      %ge3A_95 = vector.broadcast %ge3A_94 : f32 to vector<16xf32>
      %ge3A_96 = arith.cmpf oge, %select_n3A_89, %ge3A_95 : vector<16xf32>
      %le3A_97 = arith.constant 6.300000e+01 : f32
      %le3A_98 = vector.broadcast %le3A_97 : f32 to vector<16xf32>
      %le3A_99 = arith.cmpf ole, %select_n3A_89, %le3A_98 : vector<16xf32>
      %and3A_100 = arith.andi %ge3A_96, %le3A_99 : vector<16xi1>
      %jit3A_101 = arith.constant 1.000000e+00 : f32
      %jit3A_102 = arith.constant 0.000000e+00 : f32
      %broadcast_in_dim3A_103 = vector.broadcast %jit3A_101 : f32 to vector<16xf32>
      %broadcast_in_dim3A_104 = vector.broadcast %jit3A_102 : f32 to vector<16xf32>
      %select_n3A_105 = arith.select %and3A_100, %broadcast_in_dim3A_103, %broadcast_in_dim3A_104 : vector<16xi1>, vector<16xf32>
      %ge3A_106 = arith.constant 0.000000e+00 : f32
      %ge3A_107 = vector.broadcast %ge3A_106 : f32 to vector<16xf32>
      %ge3A_108 = arith.cmpf oge, %add3A_93, %ge3A_107 : vector<16xf32>
      %le3A_109 = arith.constant 6.300000e+01 : f32
      %le3A_110 = vector.broadcast %le3A_109 : f32 to vector<16xf32>
      %le3A_111 = arith.cmpf ole, %add3A_93, %le3A_110 : vector<16xf32>
      %and3A_112 = arith.andi %ge3A_108, %le3A_111 : vector<16xi1>
      %jit3A_113 = arith.constant 1.000000e+00 : f32
      %jit3A_114 = arith.constant 0.000000e+00 : f32
      %broadcast_in_dim3A_115 = vector.broadcast %jit3A_113 : f32 to vector<16xf32>
      %broadcast_in_dim3A_116 = vector.broadcast %jit3A_114 : f32 to vector<16xf32>
      %select_n3A_117 = arith.select %and3A_112, %broadcast_in_dim3A_115, %broadcast_in_dim3A_116 : vector<16xi1>, vector<16xf32>
      %jit3A_118 = arith.constant 0.000000e+00 : f32
      %jit3A_119 = arith.constant 6.300000e+01 : f32
      %max3A_120 = vector.broadcast %jit3A_118 : f32 to vector<16xf32>
      %max3A_121 = arith.maximumf %max3A_120, %select_n3A_89 : vector<16xf32>
      %min3A_122 = vector.broadcast %jit3A_119 : f32 to vector<16xf32>
      %min3A_123 = arith.minimumf %min3A_122, %max3A_121 : vector<16xf32>
      %convert_element_type3A_124 = arith.fptosi %min3A_123 : vector<16xf32> to vector<16xi32>
      %jit3A_125 = arith.constant 0.000000e+00 : f32
      %jit3A_126 = arith.constant 6.300000e+01 : f32
      %max3A_127 = vector.broadcast %jit3A_125 : f32 to vector<16xf32>
      %max3A_128 = arith.maximumf %max3A_127, %add3A_93 : vector<16xf32>
      %min3A_129 = vector.broadcast %jit3A_126 : f32 to vector<16xf32>
      %min3A_130 = arith.minimumf %min3A_129, %max3A_128 : vector<16xf32>
      %convert_element_type3A_131 = arith.fptosi %min3A_130 : vector<16xf32> to vector<16xi32>
      %sub3A_132 = arith.constant 1.000000e+00 : f32
      %sub3A_133 = vector.broadcast %sub3A_132 : f32 to vector<16xf32>
      %sub3A_134 = arith.subf %sub3A_133, %sub3A_42 : vector<16xf32>
      %sub3A_135 = arith.constant 1.000000e+00 : f32
      %sub3A_136 = vector.broadcast %sub3A_135 : f32 to vector<16xf32>
      %sub3A_137 = arith.subf %sub3A_136, %sub3A_90 : vector<16xf32>
      %mul3A_138 = arith.constant 160 : i32
      %mul3A_139 = arith.muli %scan3A_12, %mul3A_138 : i32
      %add3A_140 = arith.constant 0 : i32
      %add3A_141 = arith.addi %mul3A_139, %add3A_140 : i32
      %add3A_142 = arith.constant 0 : i32
      %add3A_143 = arith.addi %add3A_141, %add3A_142 : i32
      %mul3A_144 = arith.constant 64 : i32
      %mul3A_145 = vector.broadcast %mul3A_144 : i32 to vector<16xi32>
      %mul3A_146 = arith.muli %convert_element_type3A_124, %mul3A_145 : vector<16xi32>
      %add3A_147 = arith.addi %mul3A_146, %convert_element_type3A_69 : vector<16xi32>
      %swap3A = arith.index_cast %add3A_143 : i32 to index
      %swap3A_148 = tpu.vector_load %arg16[%swap3A] {strides = array<i32>} : memref<5120xi32, #tpu.memory_space<vmem>>, vector<16xi32>,
      tpu.vector_store %arg16[%swap3A], %add3A_147 {strides = array<i32>} : memref<5120xi32, #tpu.memory_space<vmem>>, vector<16xi32>,
      %mul3A_149 = arith.constant 64 : i32
      %mul3A_150 = vector.broadcast %mul3A_149 : i32 to vector<16xi32>
      %mul3A_151 = arith.muli %convert_element_type3A_131, %mul3A_150 : vector<16xi32>
      %add3A_152 = arith.addi %mul3A_151, %convert_element_type3A_69 : vector<16xi32>
      %swap3A_153 = arith.index_cast %add3A_143 : i32 to index
      %swap3A_154 = tpu.vector_load %arg17[%swap3A_153] {strides = array<i32>} : memref<5120xi32, #tpu.memory_space<vmem>>, vector<16xi32>,
      tpu.vector_store %arg17[%swap3A_153], %add3A_152 {strides = array<i32>} : memref<5120xi32, #tpu.memory_space<vmem>>, vector<16xi32>,
      %mul3A_155 = arith.constant 64 : i32
      %mul3A_156 = vector.broadcast %mul3A_155 : i32 to vector<16xi32>
      %mul3A_157 = arith.muli %convert_element_type3A_124, %mul3A_156 : vector<16xi32>
      %add3A_158 = arith.addi %mul3A_157, %convert_element_type3A_76 : vector<16xi32>
      %swap3A_159 = arith.index_cast %add3A_143 : i32 to index
      %swap3A_160 = tpu.vector_load %arg18[%swap3A_159] {strides = array<i32>} : memref<5120xi32, #tpu.memory_space<vmem>>, vector<16xi32>,
      tpu.vector_store %arg18[%swap3A_159], %add3A_158 {strides = array<i32>} : memref<5120xi32, #tpu.memory_space<vmem>>, vector<16xi32>,
      %mul3A_161 = arith.constant 64 : i32
      %mul3A_162 = vector.broadcast %mul3A_161 : i32 to vector<16xi32>
      %mul3A_163 = arith.muli %convert_element_type3A_131, %mul3A_162 : vector<16xi32>
      %add3A_164 = arith.addi %mul3A_163, %convert_element_type3A_76 : vector<16xi32>
      %swap3A_165 = arith.index_cast %add3A_143 : i32 to index
      %swap3A_166 = tpu.vector_load %arg19[%swap3A_165] {strides = array<i32>} : memref<5120xi32, #tpu.memory_space<vmem>>, vector<16xi32>,
      tpu.vector_store %arg19[%swap3A_165], %add3A_164 {strides = array<i32>} : memref<5120xi32, #tpu.memory_space<vmem>>, vector<16xi32>,
      %mul3A_167 = arith.mulf %sub3A_134, %sub3A_137 : vector<16xf32>
      %mul3A_168 = arith.mulf %select_n3A_52, %select_n3A_105 : vector<16xf32>
      %mul3A_169 = arith.mulf %mul3A_167, %mul3A_168 : vector<16xf32>
      %swap3A_170 = arith.index_cast %add3A_143 : i32 to index
      %swap3A_171 = tpu.vector_load %arg20[%swap3A_170] {strides = array<i32>} : memref<5120xf32, #tpu.memory_space<vmem>>, vector<16xf32>,
      tpu.vector_store %arg20[%swap3A_170], %mul3A_169 {strides = array<i32>} : memref<5120xf32, #tpu.memory_space<vmem>>, vector<16xf32>,
      %mul3A_172 = arith.mulf %sub3A_134, %sub3A_90 : vector<16xf32>
      %mul3A_173 = arith.mulf %select_n3A_52, %select_n3A_117 : vector<16xf32>
      %mul3A_174 = arith.mulf %mul3A_172, %mul3A_173 : vector<16xf32>
      %swap3A_175 = arith.index_cast %add3A_143 : i32 to index
      %swap3A_176 = tpu.vector_load %arg21[%swap3A_175] {strides = array<i32>} : memref<5120xf32, #tpu.memory_space<vmem>>, vector<16xf32>,
      tpu.vector_store %arg21[%swap3A_175], %mul3A_174 {strides = array<i32>} : memref<5120xf32, #tpu.memory_space<vmem>>, vector<16xf32>,
      %mul3A_177 = arith.mulf %sub3A_42, %sub3A_137 : vector<16xf32>
      %mul3A_178 = arith.mulf %select_n3A_64, %select_n3A_105 : vector<16xf32>
      %mul3A_179 = arith.mulf %mul3A_177, %mul3A_178 : vector<16xf32>
      %swap3A_180 = arith.index_cast %add3A_143 : i32 to index
      %swap3A_181 = tpu.vector_load %arg22[%swap3A_180] {strides = array<i32>} : memref<5120xf32, #tpu.memory_space<vmem>>, vector<16xf32>,
      tpu.vector_store %arg22[%swap3A_180], %mul3A_179 {strides = array<i32>} : memref<5120xf32, #tpu.memory_space<vmem>>, vector<16xf32>,
      %mul3A_182 = arith.mulf %sub3A_42, %sub3A_90 : vector<16xf32>
      %mul3A_183 = arith.mulf %select_n3A_64, %select_n3A_117 : vector<16xf32>
      %mul3A_184 = arith.mulf %mul3A_182, %mul3A_183 : vector<16xf32>
      %swap3A_185 = arith.index_cast %add3A_143 : i32 to index
      %swap3A_186 = tpu.vector_load %arg23[%swap3A_185] {strides = array<i32>} : memref<5120xf32, #tpu.memory_space<vmem>>, vector<16xf32>,
      tpu.vector_store %arg23[%swap3A_185], %mul3A_184 {strides = array<i32>} : memref<5120xf32, #tpu.memory_space<vmem>>, vector<16xf32>,
      %sub3A_187 = arith.subf %get3A_20, %get3A_14 : vector<16xf32>
      %mul3A_188 = arith.constant 2.500000e-01 : f32
      %mul3A_189 = vector.broadcast %mul3A_188 : f32 to vector<16xf32>
      %mul3A_190 = arith.mulf %sub3A_187, %mul3A_189 : vector<16xf32>
      %add3A_191 = arith.addf %get3A_14, %mul3A_190 : vector<16xf32>
      %sub3A_192 = arith.subf %get3A_23, %get3A_17 : vector<16xf32>
      %mul3A_193 = arith.constant 2.500000e-01 : f32
      %mul3A_194 = vector.broadcast %mul3A_193 : f32 to vector<16xf32>
      %mul3A_195 = arith.mulf %sub3A_192, %mul3A_194 : vector<16xf32>
      %add3A_196 = arith.addf %get3A_17, %mul3A_195 : vector<16xf32>
      %add3A_197 = arith.constant 1.000000e+00 : f32
      %add3A_198 = vector.broadcast %add3A_197 : f32 to vector<16xf32>
      %add3A_199 = arith.addf %add3A_191, %add3A_198 : vector<16xf32>
      %mul3A_200 = arith.constant 3.150000e+01 : f32
      %mul3A_201 = vector.broadcast %mul3A_200 : f32 to vector<16xf32>
      %mul3A_202 = arith.mulf %add3A_199, %mul3A_201 : vector<16xf32>
      %convert_element_type3A_203 = arith.fptosi %mul3A_202 : vector<16xf32> to vector<16xi32>
      %convert_element_type3A_204 = arith.sitofp %convert_element_type3A_203 : vector<16xi32> to vector<16xf32>
      %gt3A_205 = arith.cmpf ogt, %convert_element_type3A_204, %mul3A_202 : vector<16xf32>
      %sub3A_206 = arith.constant 1.000000e+00 : f32
      %sub3A_207 = vector.broadcast %sub3A_206 : f32 to vector<16xf32>
      %sub3A_208 = arith.subf %convert_element_type3A_204, %sub3A_207 : vector<16xf32>
      %select_n3A_209 = arith.select %gt3A_205, %sub3A_208, %convert_element_type3A_204 : vector<16xi1>, vector<16xf32>
      %sub3A_210 = arith.subf %mul3A_202, %select_n3A_209 : vector<16xf32>
      %add3A_211 = arith.constant 1.000000e+00 : f32
      %add3A_212 = vector.broadcast %add3A_211 : f32 to vector<16xf32>
      %add3A_213 = arith.addf %select_n3A_209, %add3A_212 : vector<16xf32>
      %ge3A_214 = arith.constant 0.000000e+00 : f32
      %ge3A_215 = vector.broadcast %ge3A_214 : f32 to vector<16xf32>
      %ge3A_216 = arith.cmpf oge, %select_n3A_209, %ge3A_215 : vector<16xf32>
      %le3A_217 = arith.constant 6.300000e+01 : f32
      %le3A_218 = vector.broadcast %le3A_217 : f32 to vector<16xf32>
      %le3A_219 = arith.cmpf ole, %select_n3A_209, %le3A_218 : vector<16xf32>
      %and3A_220 = arith.andi %ge3A_216, %le3A_219 : vector<16xi1>
      %jit3A_221 = arith.constant 1.000000e+00 : f32
      %jit3A_222 = arith.constant 0.000000e+00 : f32
      %broadcast_in_dim3A_223 = vector.broadcast %jit3A_221 : f32 to vector<16xf32>
      %broadcast_in_dim3A_224 = vector.broadcast %jit3A_222 : f32 to vector<16xf32>
      %select_n3A_225 = arith.select %and3A_220, %broadcast_in_dim3A_223, %broadcast_in_dim3A_224 : vector<16xi1>, vector<16xf32>
      %ge3A_226 = arith.constant 0.000000e+00 : f32
      %ge3A_227 = vector.broadcast %ge3A_226 : f32 to vector<16xf32>
      %ge3A_228 = arith.cmpf oge, %add3A_213, %ge3A_227 : vector<16xf32>
      %le3A_229 = arith.constant 6.300000e+01 : f32
      %le3A_230 = vector.broadcast %le3A_229 : f32 to vector<16xf32>
      %le3A_231 = arith.cmpf ole, %add3A_213, %le3A_230 : vector<16xf32>
      %and3A_232 = arith.andi %ge3A_228, %le3A_231 : vector<16xi1>
      %jit3A_233 = arith.constant 1.000000e+00 : f32
      %jit3A_234 = arith.constant 0.000000e+00 : f32
      %broadcast_in_dim3A_235 = vector.broadcast %jit3A_233 : f32 to vector<16xf32>
      %broadcast_in_dim3A_236 = vector.broadcast %jit3A_234 : f32 to vector<16xf32>
      %select_n3A_237 = arith.select %and3A_232, %broadcast_in_dim3A_235, %broadcast_in_dim3A_236 : vector<16xi1>, vector<16xf32>
      %jit3A_238 = arith.constant 0.000000e+00 : f32
      %jit3A_239 = arith.constant 6.300000e+01 : f32
      %max3A_240 = vector.broadcast %jit3A_238 : f32 to vector<16xf32>
      %max3A_241 = arith.maximumf %max3A_240, %select_n3A_209 : vector<16xf32>
      %min3A_242 = vector.broadcast %jit3A_239 : f32 to vector<16xf32>
      %min3A_243 = arith.minimumf %min3A_242, %max3A_241 : vector<16xf32>
      %convert_element_type3A_244 = arith.fptosi %min3A_243 : vector<16xf32> to vector<16xi32>
      %jit3A_245 = arith.constant 0.000000e+00 : f32
      %jit3A_246 = arith.constant 6.300000e+01 : f32
      %max3A_247 = vector.broadcast %jit3A_245 : f32 to vector<16xf32>
      %max3A_248 = arith.maximumf %max3A_247, %add3A_213 : vector<16xf32>
      %min3A_249 = vector.broadcast %jit3A_246 : f32 to vector<16xf32>
      %min3A_250 = arith.minimumf %min3A_249, %max3A_248 : vector<16xf32>
      %convert_element_type3A_251 = arith.fptosi %min3A_250 : vector<16xf32> to vector<16xi32>
      %add3A_252 = arith.constant 1.000000e+00 : f32
      %add3A_253 = vector.broadcast %add3A_252 : f32 to vector<16xf32>
      %add3A_254 = arith.addf %add3A_196, %add3A_253 : vector<16xf32>
      %mul3A_255 = arith.constant 3.150000e+01 : f32
      %mul3A_256 = vector.broadcast %mul3A_255 : f32 to vector<16xf32>
      %mul3A_257 = arith.mulf %add3A_254, %mul3A_256 : vector<16xf32>
      %convert_element_type3A_258 = arith.fptosi %mul3A_257 : vector<16xf32> to vector<16xi32>
      %convert_element_type3A_259 = arith.sitofp %convert_element_type3A_258 : vector<16xi32> to vector<16xf32>
      %gt3A_260 = arith.cmpf ogt, %convert_element_type3A_259, %mul3A_257 : vector<16xf32>
      %sub3A_261 = arith.constant 1.000000e+00 : f32
      %sub3A_262 = vector.broadcast %sub3A_261 : f32 to vector<16xf32>
      %sub3A_263 = arith.subf %convert_element_type3A_259, %sub3A_262 : vector<16xf32>
      %select_n3A_264 = arith.select %gt3A_260, %sub3A_263, %convert_element_type3A_259 : vector<16xi1>, vector<16xf32>
      %sub3A_265 = arith.subf %mul3A_257, %select_n3A_264 : vector<16xf32>
      %add3A_266 = arith.constant 1.000000e+00 : f32
      %add3A_267 = vector.broadcast %add3A_266 : f32 to vector<16xf32>
      %add3A_268 = arith.addf %select_n3A_264, %add3A_267 : vector<16xf32>
      %ge3A_269 = arith.constant 0.000000e+00 : f32
      %ge3A_270 = vector.broadcast %ge3A_269 : f32 to vector<16xf32>
      %ge3A_271 = arith.cmpf oge, %select_n3A_264, %ge3A_270 : vector<16xf32>
      %le3A_272 = arith.constant 6.300000e+01 : f32
      %le3A_273 = vector.broadcast %le3A_272 : f32 to vector<16xf32>
      %le3A_274 = arith.cmpf ole, %select_n3A_264, %le3A_273 : vector<16xf32>
      %and3A_275 = arith.andi %ge3A_271, %le3A_274 : vector<16xi1>
      %jit3A_276 = arith.constant 1.000000e+00 : f32
      %jit3A_277 = arith.constant 0.000000e+00 : f32
      %broadcast_in_dim3A_278 = vector.broadcast %jit3A_276 : f32 to vector<16xf32>
      %broadcast_in_dim3A_279 = vector.broadcast %jit3A_277 : f32 to vector<16xf32>
      %select_n3A_280 = arith.select %and3A_275, %broadcast_in_dim3A_278, %broadcast_in_dim3A_279 : vector<16xi1>, vector<16xf32>
      %ge3A_281 = arith.constant 0.000000e+00 : f32
      %ge3A_282 = vector.broadcast %ge3A_281 : f32 to vector<16xf32>
      %ge3A_283 = arith.cmpf oge, %add3A_268, %ge3A_282 : vector<16xf32>
      %le3A_284 = arith.constant 6.300000e+01 : f32
      %le3A_285 = vector.broadcast %le3A_284 : f32 to vector<16xf32>
      %le3A_286 = arith.cmpf ole, %add3A_268, %le3A_285 : vector<16xf32>
      %and3A_287 = arith.andi %ge3A_283, %le3A_286 : vector<16xi1>
      %jit3A_288 = arith.constant 1.000000e+00 : f32
      %jit3A_289 = arith.constant 0.000000e+00 : f32
      %broadcast_in_dim3A_290 = vector.broadcast %jit3A_288 : f32 to vector<16xf32>
      %broadcast_in_dim3A_291 = vector.broadcast %jit3A_289 : f32 to vector<16xf32>
      %select_n3A_292 = arith.select %and3A_287, %broadcast_in_dim3A_290, %broadcast_in_dim3A_291 : vector<16xi1>, vector<16xf32>
      %jit3A_293 = arith.constant 0.000000e+00 : f32
      %jit3A_294 = arith.constant 6.300000e+01 : f32
      %max3A_295 = vector.broadcast %jit3A_293 : f32 to vector<16xf32>
      %max3A_296 = arith.maximumf %max3A_295, %select_n3A_264 : vector<16xf32>
      %min3A_297 = vector.broadcast %jit3A_294 : f32 to vector<16xf32>
      %min3A_298 = arith.minimumf %min3A_297, %max3A_296 : vector<16xf32>
      %convert_element_type3A_299 = arith.fptosi %min3A_298 : vector<16xf32> to vector<16xi32>
      %jit3A_300 = arith.constant 0.000000e+00 : f32
      %jit3A_301 = arith.constant 6.300000e+01 : f32
      %max3A_302 = vector.broadcast %jit3A_300 : f32 to vector<16xf32>
      %max3A_303 = arith.maximumf %max3A_302, %add3A_268 : vector<16xf32>
      %min3A_304 = vector.broadcast %jit3A_301 : f32 to vector<16xf32>
      %min3A_305 = arith.minimumf %min3A_304, %max3A_303 : vector<16xf32>
      %convert_element_type3A_306 = arith.fptosi %min3A_305 : vector<16xf32> to vector<16xi32>
      %sub3A_307 = arith.constant 1.000000e+00 : f32
      %sub3A_308 = vector.broadcast %sub3A_307 : f32 to vector<16xf32>
      %sub3A_309 = arith.subf %sub3A_308, %sub3A_210 : vector<16xf32>
      %sub3A_310 = arith.constant 1.000000e+00 : f32
      %sub3A_311 = vector.broadcast %sub3A_310 : f32 to vector<16xf32>
      %sub3A_312 = arith.subf %sub3A_311, %sub3A_265 : vector<16xf32>
      %mul3A_313 = arith.constant 160 : i32
      %mul3A_314 = arith.muli %scan3A_12, %mul3A_313 : i32
      %add3A_315 = arith.constant 32 : i32
      %add3A_316 = arith.addi %mul3A_314, %add3A_315 : i32
      %add3A_317 = arith.constant 0 : i32
      %add3A_318 = arith.addi %add3A_316, %add3A_317 : i32
      %mul3A_319 = arith.constant 64 : i32
      %mul3A_320 = vector.broadcast %mul3A_319 : i32 to vector<16xi32>
      %mul3A_321 = arith.muli %convert_element_type3A_299, %mul3A_320 : vector<16xi32>
      %add3A_322 = arith.addi %mul3A_321, %convert_element_type3A_244 : vector<16xi32>
      %swap3A_323 = arith.index_cast %add3A_318 : i32 to index
      %swap3A_324 = tpu.vector_load %arg16[%swap3A_323] {strides = array<i32>} : memref<5120xi32, #tpu.memory_space<vmem>>, vector<16xi32>,
      tpu.vector_store %arg16[%swap3A_323], %add3A_322 {strides = array<i32>} : memref<5120xi32, #tpu.memory_space<vmem>>, vector<16xi32>,
      %mul3A_325 = arith.constant 64 : i32
      %mul3A_326 = vector.broadcast %mul3A_325 : i32 to vector<16xi32>
      %mul3A_327 = arith.muli %convert_element_type3A_306, %mul3A_326 : vector<16xi32>
      %add3A_328 = arith.addi %mul3A_327, %convert_element_type3A_244 : vector<16xi32>
      %swap3A_329 = arith.index_cast %add3A_318 : i32 to index
      %swap3A_330 = tpu.vector_load %arg17[%swap3A_329] {strides = array<i32>} : memref<5120xi32, #tpu.memory_space<vmem>>, vector<16xi32>,
      tpu.vector_store %arg17[%swap3A_329], %add3A_328 {strides = array<i32>} : memref<5120xi32, #tpu.memory_space<vmem>>, vector<16xi32>,
      %mul3A_331 = arith.constant 64 : i32
      %mul3A_332 = vector.broadcast %mul3A_331 : i32 to vector<16xi32>
      %mul3A_333 = arith.muli %convert_element_type3A_299, %mul3A_332 : vector<16xi32>
      %add3A_334 = arith.addi %mul3A_333, %convert_element_type3A_251 : vector<16xi32>
      %swap3A_335 = arith.index_cast %add3A_318 : i32 to index
      %swap3A_336 = tpu.vector_load %arg18[%swap3A_335] {strides = array<i32>} : memref<5120xi32, #tpu.memory_space<vmem>>, vector<16xi32>,
      tpu.vector_store %arg18[%swap3A_335], %add3A_334 {strides = array<i32>} : memref<5120xi32, #tpu.memory_space<vmem>>, vector<16xi32>,
      %mul3A_337 = arith.constant 64 : i32
      %mul3A_338 = vector.broadcast %mul3A_337 : i32 to vector<16xi32>
      %mul3A_339 = arith.muli %convert_element_type3A_306, %mul3A_338 : vector<16xi32>
      %add3A_340 = arith.addi %mul3A_339, %convert_element_type3A_251 : vector<16xi32>
      %swap3A_341 = arith.index_cast %add3A_318 : i32 to index
      %swap3A_342 = tpu.vector_load %arg19[%swap3A_341] {strides = array<i32>} : memref<5120xi32, #tpu.memory_space<vmem>>, vector<16xi32>,
      tpu.vector_store %arg19[%swap3A_341], %add3A_340 {strides = array<i32>} : memref<5120xi32, #tpu.memory_space<vmem>>, vector<16xi32>,
      %mul3A_343 = arith.mulf %sub3A_309, %sub3A_312 : vector<16xf32>
      %mul3A_344 = arith.mulf %select_n3A_225, %select_n3A_280 : vector<16xf32>
      %mul3A_345 = arith.mulf %mul3A_343, %mul3A_344 : vector<16xf32>
      %swap3A_346 = arith.index_cast %add3A_318 : i32 to index
      %swap3A_347 = tpu.vector_load %arg20[%swap3A_346] {strides = array<i32>} : memref<5120xf32, #tpu.memory_space<vmem>>, vector<16xf32>,
      tpu.vector_store %arg20[%swap3A_346], %mul3A_345 {strides = array<i32>} : memref<5120xf32, #tpu.memory_space<vmem>>, vector<16xf32>,
      %mul3A_348 = arith.mulf %sub3A_309, %sub3A_265 : vector<16xf32>
      %mul3A_349 = arith.mulf %select_n3A_225, %select_n3A_292 : vector<16xf32>
      %mul3A_350 = arith.mulf %mul3A_348, %mul3A_349 : vector<16xf32>
      %swap3A_351 = arith.index_cast %add3A_318 : i32 to index
      %swap3A_352 = tpu.vector_load %arg21[%swap3A_351] {strides = array<i32>} : memref<5120xf32, #tpu.memory_space<vmem>>, vector<16xf32>,
      tpu.vector_store %arg21[%swap3A_351], %mul3A_350 {strides = array<i32>} : memref<5120xf32, #tpu.memory_space<vmem>>, vector<16xf32>,
      %mul3A_353 = arith.mulf %sub3A_210, %sub3A_312 : vector<16xf32>
      %mul3A_354 = arith.mulf %select_n3A_237, %select_n3A_280 : vector<16xf32>
      %mul3A_355 = arith.mulf %mul3A_353, %mul3A_354 : vector<16xf32>
      %swap3A_356 = arith.index_cast %add3A_318 : i32 to index
      %swap3A_357 = tpu.vector_load %arg22[%swap3A_356] {strides = array<i32>} : memref<5120xf32, #tpu.memory_space<vmem>>, vector<16xf32>,
      tpu.vector_store %arg22[%swap3A_356], %mul3A_355 {strides = array<i32>} : memref<5120xf32, #tpu.memory_space<vmem>>, vector<16xf32>,
      %mul3A_358 = arith.mulf %sub3A_210, %sub3A_265 : vector<16xf32>
      %mul3A_359 = arith.mulf %select_n3A_237, %select_n3A_292 : vector<16xf32>
      %mul3A_360 = arith.mulf %mul3A_358, %mul3A_359 : vector<16xf32>
      %swap3A_361 = arith.index_cast %add3A_318 : i32 to index
      %swap3A_362 = tpu.vector_load %arg23[%swap3A_361] {strides = array<i32>} : memref<5120xf32, #tpu.memory_space<vmem>>, vector<16xf32>,
      tpu.vector_store %arg23[%swap3A_361], %mul3A_360 {strides = array<i32>} : memref<5120xf32, #tpu.memory_space<vmem>>, vector<16xf32>,
      %get3A_363 = arith.index_cast %scan3A_12 : i32 to index
      %get3A_364 = arith.constant 0 : index
      %get3A_365 = tpu.vector_load %arg14[%get3A_363, %get3A_364] {strides = array<i32>} : memref<32x32xf32, #tpu.memory_space<vmem>>, vector<16xf32>,
      %get3A_366 = arith.index_cast %scan3A_12 : i32 to index
      %get3A_367 = arith.constant 0 : index
      %get3A_368 = tpu.vector_load %arg15[%get3A_366, %get3A_367] {strides = array<i32>} : memref<32x32xf32, #tpu.memory_space<vmem>>, vector<16xf32>,
      %add3A_369 = arith.constant 1.000000e+00 : f32
      %add3A_370 = vector.broadcast %add3A_369 : f32 to vector<16xf32>
      %add3A_371 = arith.addf %get3A_365, %add3A_370 : vector<16xf32>
      %mul3A_372 = arith.constant 3.150000e+01 : f32
      %mul3A_373 = vector.broadcast %mul3A_372 : f32 to vector<16xf32>
      %mul3A_374 = arith.mulf %add3A_371, %mul3A_373 : vector<16xf32>
      %convert_element_type3A_375 = arith.fptosi %mul3A_374 : vector<16xf32> to vector<16xi32>
      %convert_element_type3A_376 = arith.sitofp %convert_element_type3A_375 : vector<16xi32> to vector<16xf32>
      %gt3A_377 = arith.cmpf ogt, %convert_element_type3A_376, %mul3A_374 : vector<16xf32>
      %sub3A_378 = arith.constant 1.000000e+00 : f32
      %sub3A_379 = vector.broadcast %sub3A_378 : f32 to vector<16xf32>
      %sub3A_380 = arith.subf %convert_element_type3A_376, %sub3A_379 : vector<16xf32>
      %select_n3A_381 = arith.select %gt3A_377, %sub3A_380, %convert_element_type3A_376 : vector<16xi1>, vector<16xf32>
      %sub3A_382 = arith.subf %mul3A_374, %select_n3A_381 : vector<16xf32>
      %add3A_383 = arith.constant 1.000000e+00 : f32
      %add3A_384 = vector.broadcast %add3A_383 : f32 to vector<16xf32>
      %add3A_385 = arith.addf %select_n3A_381, %add3A_384 : vector<16xf32>
      %ge3A_386 = arith.constant 0.000000e+00 : f32
      %ge3A_387 = vector.broadcast %ge3A_386 : f32 to vector<16xf32>
      %ge3A_388 = arith.cmpf oge, %select_n3A_381, %ge3A_387 : vector<16xf32>
      %le3A_389 = arith.constant 6.300000e+01 : f32
      %le3A_390 = vector.broadcast %le3A_389 : f32 to vector<16xf32>
      %le3A_391 = arith.cmpf ole, %select_n3A_381, %le3A_390 : vector<16xf32>
      %and3A_392 = arith.andi %ge3A_388, %le3A_391 : vector<16xi1>
      %jit3A_393 = arith.constant 1.000000e+00 : f32
      %jit3A_394 = arith.constant 0.000000e+00 : f32
      %broadcast_in_dim3A_395 = vector.broadcast %jit3A_393 : f32 to vector<16xf32>
      %broadcast_in_dim3A_396 = vector.broadcast %jit3A_394 : f32 to vector<16xf32>
      %select_n3A_397 = arith.select %and3A_392, %broadcast_in_dim3A_395, %broadcast_in_dim3A_396 : vector<16xi1>, vector<16xf32>
      %ge3A_398 = arith.constant 0.000000e+00 : f32
      %ge3A_399 = vector.broadcast %ge3A_398 : f32 to vector<16xf32>
      %ge3A_400 = arith.cmpf oge, %add3A_385, %ge3A_399 : vector<16xf32>
      %le3A_401 = arith.constant 6.300000e+01 : f32
      %le3A_402 = vector.broadcast %le3A_401 : f32 to vector<16xf32>
      %le3A_403 = arith.cmpf ole, %add3A_385, %le3A_402 : vector<16xf32>
      %and3A_404 = arith.andi %ge3A_400, %le3A_403 : vector<16xi1>
      %jit3A_405 = arith.constant 1.000000e+00 : f32
      %jit3A_406 = arith.constant 0.000000e+00 : f32
      %broadcast_in_dim3A_407 = vector.broadcast %jit3A_405 : f32 to vector<16xf32>
      %broadcast_in_dim3A_408 = vector.broadcast %jit3A_406 : f32 to vector<16xf32>
      %select_n3A_409 = arith.select %and3A_404, %broadcast_in_dim3A_407, %broadcast_in_dim3A_408 : vector<16xi1>, vector<16xf32>
      %jit3A_410 = arith.constant 0.000000e+00 : f32
      %jit3A_411 = arith.constant 6.300000e+01 : f32
      %max3A_412 = vector.broadcast %jit3A_410 : f32 to vector<16xf32>
      %max3A_413 = arith.maximumf %max3A_412, %select_n3A_381 : vector<16xf32>
      %min3A_414 = vector.broadcast %jit3A_411 : f32 to vector<16xf32>
      %min3A_415 = arith.minimumf %min3A_414, %max3A_413 : vector<16xf32>
      %convert_element_type3A_416 = arith.fptosi %min3A_415 : vector<16xf32> to vector<16xi32>
      %jit3A_417 = arith.constant 0.000000e+00 : f32
      %jit3A_418 = arith.constant 6.300000e+01 : f32
      %max3A_419 = vector.broadcast %jit3A_417 : f32 to vector<16xf32>
      %max3A_420 = arith.maximumf %max3A_419, %add3A_385 : vector<16xf32>
      %min3A_421 = vector.broadcast %jit3A_418 : f32 to vector<16xf32>
      %min3A_422 = arith.minimumf %min3A_421, %max3A_420 : vector<16xf32>
      %convert_element_type3A_423 = arith.fptosi %min3A_422 : vector<16xf32> to vector<16xi32>
      %add3A_424 = arith.constant 1.000000e+00 : f32
      %add3A_425 = vector.broadcast %add3A_424 : f32 to vector<16xf32>
      %add3A_426 = arith.addf %get3A_368, %add3A_425 : vector<16xf32>
      %mul3A_427 = arith.constant 3.150000e+01 : f32
      %mul3A_428 = vector.broadcast %mul3A_427 : f32 to vector<16xf32>
      %mul3A_429 = arith.mulf %add3A_426, %mul3A_428 : vector<16xf32>
      %convert_element_type3A_430 = arith.fptosi %mul3A_429 : vector<16xf32> to vector<16xi32>
      %convert_element_type3A_431 = arith.sitofp %convert_element_type3A_430 : vector<16xi32> to vector<16xf32>
      %gt3A_432 = arith.cmpf ogt, %convert_element_type3A_431, %mul3A_429 : vector<16xf32>
      %sub3A_433 = arith.constant 1.000000e+00 : f32
      %sub3A_434 = vector.broadcast %sub3A_433 : f32 to vector<16xf32>
      %sub3A_435 = arith.subf %convert_element_type3A_431, %sub3A_434 : vector<16xf32>
      %select_n3A_436 = arith.select %gt3A_432, %sub3A_435, %convert_element_type3A_431 : vector<16xi1>, vector<16xf32>
      %sub3A_437 = arith.subf %mul3A_429, %select_n3A_436 : vector<16xf32>
      %add3A_438 = arith.constant 1.000000e+00 : f32
      %add3A_439 = vector.broadcast %add3A_438 : f32 to vector<16xf32>
      %add3A_440 = arith.addf %select_n3A_436, %add3A_439 : vector<16xf32>
      %ge3A_441 = arith.constant 0.000000e+00 : f32
      %ge3A_442 = vector.broadcast %ge3A_441 : f32 to vector<16xf32>
      %ge3A_443 = arith.cmpf oge, %select_n3A_436, %ge3A_442 : vector<16xf32>
      %le3A_444 = arith.constant 6.300000e+01 : f32
      %le3A_445 = vector.broadcast %le3A_444 : f32 to vector<16xf32>
      %le3A_446 = arith.cmpf ole, %select_n3A_436, %le3A_445 : vector<16xf32>
      %and3A_447 = arith.andi %ge3A_443, %le3A_446 : vector<16xi1>
      %jit3A_448 = arith.constant 1.000000e+00 : f32
      %jit3A_449 = arith.constant 0.000000e+00 : f32
      %broadcast_in_dim3A_450 = vector.broadcast %jit3A_448 : f32 to vector<16xf32>
      %broadcast_in_dim3A_451 = vector.broadcast %jit3A_449 : f32 to vector<16xf32>
      %select_n3A_452 = arith.select %and3A_447, %broadcast_in_dim3A_450, %broadcast_in_dim3A_451 : vector<16xi1>, vector<16xf32>
      %ge3A_453 = arith.constant 0.000000e+00 : f32
      %ge3A_454 = vector.broadcast %ge3A_453 : f32 to vector<16xf32>
      %ge3A_455 = arith.cmpf oge, %add3A_440, %ge3A_454 : vector<16xf32>
      %le3A_456 = arith.constant 6.300000e+01 : f32
      %le3A_457 = vector.broadcast %le3A_456 : f32 to vector<16xf32>
      %le3A_458 = arith.cmpf ole, %add3A_440, %le3A_457 : vector<16xf32>
      %and3A_459 = arith.andi %ge3A_455, %le3A_458 : vector<16xi1>
      %jit3A_460 = arith.constant 1.000000e+00 : f32
      %jit3A_461 = arith.constant 0.000000e+00 : f32
      %broadcast_in_dim3A_462 = vector.broadcast %jit3A_460 : f32 to vector<16xf32>
      %broadcast_in_dim3A_463 = vector.broadcast %jit3A_461 : f32 to vector<16xf32>
      %select_n3A_464 = arith.select %and3A_459, %broadcast_in_dim3A_462, %broadcast_in_dim3A_463 : vector<16xi1>, vector<16xf32>
      %jit3A_465 = arith.constant 0.000000e+00 : f32
      %jit3A_466 = arith.constant 6.300000e+01 : f32
      %max3A_467 = vector.broadcast %jit3A_465 : f32 to vector<16xf32>
      %max3A_468 = arith.maximumf %max3A_467, %select_n3A_436 : vector<16xf32>
      %min3A_469 = vector.broadcast %jit3A_466 : f32 to vector<16xf32>
      %min3A_470 = arith.minimumf %min3A_469, %max3A_468 : vector<16xf32>
      %convert_element_type3A_471 = arith.fptosi %min3A_470 : vector<16xf32> to vector<16xi32>
      %jit3A_472 = arith.constant 0.000000e+00 : f32
      %jit3A_473 = arith.constant 6.300000e+01 : f32
      %max3A_474 = vector.broadcast %jit3A_472 : f32 to vector<16xf32>
      %max3A_475 = arith.maximumf %max3A_474, %add3A_440 : vector<16xf32>
      %min3A_476 = vector.broadcast %jit3A_473 : f32 to vector<16xf32>
      %min3A_477 = arith.minimumf %min3A_476, %max3A_475 : vector<16xf32>
      %convert_element_type3A_478 = arith.fptosi %min3A_477 : vector<16xf32> to vector<16xi32>
      %sub3A_479 = arith.constant 1.000000e+00 : f32
      %sub3A_480 = vector.broadcast %sub3A_479 : f32 to vector<16xf32>
      %sub3A_481 = arith.subf %sub3A_480, %sub3A_382 : vector<16xf32>
      %sub3A_482 = arith.constant 1.000000e+00 : f32
      %sub3A_483 = vector.broadcast %sub3A_482 : f32 to vector<16xf32>
      %sub3A_484 = arith.subf %sub3A_483, %sub3A_437 : vector<16xf32>
      %mul3A_485 = arith.constant 160 : i32
      %mul3A_486 = arith.muli %scan3A_12, %mul3A_485 : i32
      %add3A_487 = arith.constant 64 : i32
      %add3A_488 = arith.addi %mul3A_486, %add3A_487 : i32
      %add3A_489 = arith.constant 0 : i32
      %add3A_490 = arith.addi %add3A_488, %add3A_489 : i32
      %mul3A_491 = arith.constant 64 : i32
      %mul3A_492 = vector.broadcast %mul3A_491 : i32 to vector<16xi32>
      %mul3A_493 = arith.muli %convert_element_type3A_471, %mul3A_492 : vector<16xi32>
      %add3A_494 = arith.addi %mul3A_493, %convert_element_type3A_416 : vector<16xi32>
      %swap3A_495 = arith.index_cast %add3A_490 : i32 to index
      %swap3A_496 = tpu.vector_load %arg16[%swap3A_495] {strides = array<i32>} : memref<5120xi32, #tpu.memory_space<vmem>>, vector<16xi32>,
      tpu.vector_store %arg16[%swap3A_495], %add3A_494 {strides = array<i32>} : memref<5120xi32, #tpu.memory_space<vmem>>, vector<16xi32>,
      %mul3A_497 = arith.constant 64 : i32
      %mul3A_498 = vector.broadcast %mul3A_497 : i32 to vector<16xi32>
      %mul3A_499 = arith.muli %convert_element_type3A_478, %mul3A_498 : vector<16xi32>
      %add3A_500 = arith.addi %mul3A_499, %convert_element_type3A_416 : vector<16xi32>
      %swap3A_501 = arith.index_cast %add3A_490 : i32 to index
      %swap3A_502 = tpu.vector_load %arg17[%swap3A_501] {strides = array<i32>} : memref<5120xi32, #tpu.memory_space<vmem>>, vector<16xi32>,
      tpu.vector_store %arg17[%swap3A_501], %add3A_500 {strides = array<i32>} : memref<5120xi32, #tpu.memory_space<vmem>>, vector<16xi32>,
      %mul3A_503 = arith.constant 64 : i32
      %mul3A_504 = vector.broadcast %mul3A_503 : i32 to vector<16xi32>
      %mul3A_505 = arith.muli %convert_element_type3A_471, %mul3A_504 : vector<16xi32>
      %add3A_506 = arith.addi %mul3A_505, %convert_element_type3A_423 : vector<16xi32>
      %swap3A_507 = arith.index_cast %add3A_490 : i32 to index
      %swap3A_508 = tpu.vector_load %arg18[%swap3A_507] {strides = array<i32>} : memref<5120xi32, #tpu.memory_space<vmem>>, vector<16xi32>,
      tpu.vector_store %arg18[%swap3A_507], %add3A_506 {strides = array<i32>} : memref<5120xi32, #tpu.memory_space<vmem>>, vector<16xi32>,
      %mul3A_509 = arith.constant 64 : i32
      %mul3A_510 = vector.broadcast %mul3A_509 : i32 to vector<16xi32>
      %mul3A_511 = arith.muli %convert_element_type3A_478, %mul3A_510 : vector<16xi32>
      %add3A_512 = arith.addi %mul3A_511, %convert_element_type3A_423 : vector<16xi32>
      %swap3A_513 = arith.index_cast %add3A_490 : i32 to index
      %swap3A_514 = tpu.vector_load %arg19[%swap3A_513] {strides = array<i32>} : memref<5120xi32, #tpu.memory_space<vmem>>, vector<16xi32>,
      tpu.vector_store %arg19[%swap3A_513], %add3A_512 {strides = array<i32>} : memref<5120xi32, #tpu.memory_space<vmem>>, vector<16xi32>,
      %mul3A_515 = arith.mulf %sub3A_481, %sub3A_484 : vector<16xf32>
      %mul3A_516 = arith.mulf %select_n3A_397, %select_n3A_452 : vector<16xf32>
      %mul3A_517 = arith.mulf %mul3A_515, %mul3A_516 : vector<16xf32>
      %swap3A_518 = arith.index_cast %add3A_490 : i32 to index
      %swap3A_519 = tpu.vector_load %arg20[%swap3A_518] {strides = array<i32>} : memref<5120xf32, #tpu.memory_space<vmem>>, vector<16xf32>,
      tpu.vector_store %arg20[%swap3A_518], %mul3A_517 {strides = array<i32>} : memref<5120xf32, #tpu.memory_space<vmem>>, vector<16xf32>,
      %mul3A_520 = arith.mulf %sub3A_481, %sub3A_437 : vector<16xf32>
      %mul3A_521 = arith.mulf %select_n3A_397, %select_n3A_464 : vector<16xf32>
      %mul3A_522 = arith.mulf %mul3A_520, %mul3A_521 : vector<16xf32>
      %swap3A_523 = arith.index_cast %add3A_490 : i32 to index
      %swap3A_524 = tpu.vector_load %arg21[%swap3A_523] {strides = array<i32>} : memref<5120xf32, #tpu.memory_space<vmem>>, vector<16xf32>,
      tpu.vector_store %arg21[%swap3A_523], %mul3A_522 {strides = array<i32>} : memref<5120xf32, #tpu.memory_space<vmem>>, vector<16xf32>,
      %mul3A_525 = arith.mulf %sub3A_382, %sub3A_484 : vector<16xf32>
      %mul3A_526 = arith.mulf %select_n3A_409, %select_n3A_452 : vector<16xf32>
      %mul3A_527 = arith.mulf %mul3A_525, %mul3A_526 : vector<16xf32>
      %swap3A_528 = arith.index_cast %add3A_490 : i32 to index
      %swap3A_529 = tpu.vector_load %arg22[%swap3A_528] {strides = array<i32>} : memref<5120xf32, #tpu.memory_space<vmem>>, vector<16xf32>,
      tpu.vector_store %arg22[%swap3A_528], %mul3A_527 {strides = array<i32>} : memref<5120xf32, #tpu.memory_space<vmem>>, vector<16xf32>,
      %mul3A_530 = arith.mulf %sub3A_382, %sub3A_437 : vector<16xf32>
      %mul3A_531 = arith.mulf %select_n3A_409, %select_n3A_464 : vector<16xf32>
      %mul3A_532 = arith.mulf %mul3A_530, %mul3A_531 : vector<16xf32>
      %swap3A_533 = arith.index_cast %add3A_490 : i32 to index
      %swap3A_534 = tpu.vector_load %arg23[%swap3A_533] {strides = array<i32>} : memref<5120xf32, #tpu.memory_space<vmem>>, vector<16xf32>,
      tpu.vector_store %arg23[%swap3A_533], %mul3A_532 {strides = array<i32>} : memref<5120xf32, #tpu.memory_space<vmem>>, vector<16xf32>,
      %sub3A_535 = arith.subf %get3A_20, %get3A_14 : vector<16xf32>
      %mul3A_536 = arith.constant 7.500000e-01 : f32
      %mul3A_537 = vector.broadcast %mul3A_536 : f32 to vector<16xf32>
      %mul3A_538 = arith.mulf %sub3A_535, %mul3A_537 : vector<16xf32>
      %add3A_539 = arith.addf %get3A_14, %mul3A_538 : vector<16xf32>
      %sub3A_540 = arith.subf %get3A_23, %get3A_17 : vector<16xf32>
      %mul3A_541 = arith.constant 7.500000e-01 : f32
      %mul3A_542 = vector.broadcast %mul3A_541 : f32 to vector<16xf32>
      %mul3A_543 = arith.mulf %sub3A_540, %mul3A_542 : vector<16xf32>
      %add3A_544 = arith.addf %get3A_17, %mul3A_543 : vector<16xf32>
      %add3A_545 = arith.constant 1.000000e+00 : f32
      %add3A_546 = vector.broadcast %add3A_545 : f32 to vector<16xf32>
      %add3A_547 = arith.addf %add3A_539, %add3A_546 : vector<16xf32>
      %mul3A_548 = arith.constant 3.150000e+01 : f32
      %mul3A_549 = vector.broadcast %mul3A_548 : f32 to vector<16xf32>
      %mul3A_550 = arith.mulf %add3A_547, %mul3A_549 : vector<16xf32>
      %convert_element_type3A_551 = arith.fptosi %mul3A_550 : vector<16xf32> to vector<16xi32>
      %convert_element_type3A_552 = arith.sitofp %convert_element_type3A_551 : vector<16xi32> to vector<16xf32>
      %gt3A_553 = arith.cmpf ogt, %convert_element_type3A_552, %mul3A_550 : vector<16xf32>
      %sub3A_554 = arith.constant 1.000000e+00 : f32
      %sub3A_555 = vector.broadcast %sub3A_554 : f32 to vector<16xf32>
      %sub3A_556 = arith.subf %convert_element_type3A_552, %sub3A_555 : vector<16xf32>
      %select_n3A_557 = arith.select %gt3A_553, %sub3A_556, %convert_element_type3A_552 : vector<16xi1>, vector<16xf32>
      %sub3A_558 = arith.subf %mul3A_550, %select_n3A_557 : vector<16xf32>
      %add3A_559 = arith.constant 1.000000e+00 : f32
      %add3A_560 = vector.broadcast %add3A_559 : f32 to vector<16xf32>
      %add3A_561 = arith.addf %select_n3A_557, %add3A_560 : vector<16xf32>
      %ge3A_562 = arith.constant 0.000000e+00 : f32
      %ge3A_563 = vector.broadcast %ge3A_562 : f32 to vector<16xf32>
      %ge3A_564 = arith.cmpf oge, %select_n3A_557, %ge3A_563 : vector<16xf32>
      %le3A_565 = arith.constant 6.300000e+01 : f32
      %le3A_566 = vector.broadcast %le3A_565 : f32 to vector<16xf32>
      %le3A_567 = arith.cmpf ole, %select_n3A_557, %le3A_566 : vector<16xf32>
      %and3A_568 = arith.andi %ge3A_564, %le3A_567 : vector<16xi1>
      %jit3A_569 = arith.constant 1.000000e+00 : f32
      %jit3A_570 = arith.constant 0.000000e+00 : f32
      %broadcast_in_dim3A_571 = vector.broadcast %jit3A_569 : f32 to vector<16xf32>
      %broadcast_in_dim3A_572 = vector.broadcast %jit3A_570 : f32 to vector<16xf32>
      %select_n3A_573 = arith.select %and3A_568, %broadcast_in_dim3A_571, %broadcast_in_dim3A_572 : vector<16xi1>, vector<16xf32>
      %ge3A_574 = arith.constant 0.000000e+00 : f32
      %ge3A_575 = vector.broadcast %ge3A_574 : f32 to vector<16xf32>
      %ge3A_576 = arith.cmpf oge, %add3A_561, %ge3A_575 : vector<16xf32>
      %le3A_577 = arith.constant 6.300000e+01 : f32
      %le3A_578 = vector.broadcast %le3A_577 : f32 to vector<16xf32>
      %le3A_579 = arith.cmpf ole, %add3A_561, %le3A_578 : vector<16xf32>
      %and3A_580 = arith.andi %ge3A_576, %le3A_579 : vector<16xi1>
      %jit3A_581 = arith.constant 1.000000e+00 : f32
      %jit3A_582 = arith.constant 0.000000e+00 : f32
      %broadcast_in_dim3A_583 = vector.broadcast %jit3A_581 : f32 to vector<16xf32>
      %broadcast_in_dim3A_584 = vector.broadcast %jit3A_582 : f32 to vector<16xf32>
      %select_n3A_585 = arith.select %and3A_580, %broadcast_in_dim3A_583, %broadcast_in_dim3A_584 : vector<16xi1>, vector<16xf32>
      %jit3A_586 = arith.constant 0.000000e+00 : f32
      %jit3A_587 = arith.constant 6.300000e+01 : f32
      %max3A_588 = vector.broadcast %jit3A_586 : f32 to vector<16xf32>
      %max3A_589 = arith.maximumf %max3A_588, %select_n3A_557 : vector<16xf32>
      %min3A_590 = vector.broadcast %jit3A_587 : f32 to vector<16xf32>
      %min3A_591 = arith.minimumf %min3A_590, %max3A_589 : vector<16xf32>
      %convert_element_type3A_592 = arith.fptosi %min3A_591 : vector<16xf32> to vector<16xi32>
      %jit3A_593 = arith.constant 0.000000e+00 : f32
      %jit3A_594 = arith.constant 6.300000e+01 : f32
      %max3A_595 = vector.broadcast %jit3A_593 : f32 to vector<16xf32>
      %max3A_596 = arith.maximumf %max3A_595, %add3A_561 : vector<16xf32>
      %min3A_597 = vector.broadcast %jit3A_594 : f32 to vector<16xf32>
      %min3A_598 = arith.minimumf %min3A_597, %max3A_596 : vector<16xf32>
      %convert_element_type3A_599 = arith.fptosi %min3A_598 : vector<16xf32> to vector<16xi32>
      %add3A_600 = arith.constant 1.000000e+00 : f32
      %add3A_601 = vector.broadcast %add3A_600 : f32 to vector<16xf32>
      %add3A_602 = arith.addf %add3A_544, %add3A_601 : vector<16xf32>
      %mul3A_603 = arith.constant 3.150000e+01 : f32
      %mul3A_604 = vector.broadcast %mul3A_603 : f32 to vector<16xf32>
      %mul3A_605 = arith.mulf %add3A_602, %mul3A_604 : vector<16xf32>
      %convert_element_type3A_606 = arith.fptosi %mul3A_605 : vector<16xf32> to vector<16xi32>
      %convert_element_type3A_607 = arith.sitofp %convert_element_type3A_606 : vector<16xi32> to vector<16xf32>
      %gt3A_608 = arith.cmpf ogt, %convert_element_type3A_607, %mul3A_605 : vector<16xf32>
      %sub3A_609 = arith.constant 1.000000e+00 : f32
      %sub3A_610 = vector.broadcast %sub3A_609 : f32 to vector<16xf32>
      %sub3A_611 = arith.subf %convert_element_type3A_607, %sub3A_610 : vector<16xf32>
      %select_n3A_612 = arith.select %gt3A_608, %sub3A_611, %convert_element_type3A_607 : vector<16xi1>, vector<16xf32>
      %sub3A_613 = arith.subf %mul3A_605, %select_n3A_612 : vector<16xf32>
      %add3A_614 = arith.constant 1.000000e+00 : f32
      %add3A_615 = vector.broadcast %add3A_614 : f32 to vector<16xf32>
      %add3A_616 = arith.addf %select_n3A_612, %add3A_615 : vector<16xf32>
      %ge3A_617 = arith.constant 0.000000e+00 : f32
      %ge3A_618 = vector.broadcast %ge3A_617 : f32 to vector<16xf32>
      %ge3A_619 = arith.cmpf oge, %select_n3A_612, %ge3A_618 : vector<16xf32>
      %le3A_620 = arith.constant 6.300000e+01 : f32
      %le3A_621 = vector.broadcast %le3A_620 : f32 to vector<16xf32>
      %le3A_622 = arith.cmpf ole, %select_n3A_612, %le3A_621 : vector<16xf32>
      %and3A_623 = arith.andi %ge3A_619, %le3A_622 : vector<16xi1>
      %jit3A_624 = arith.constant 1.000000e+00 : f32
      %jit3A_625 = arith.constant 0.000000e+00 : f32
      %broadcast_in_dim3A_626 = vector.broadcast %jit3A_624 : f32 to vector<16xf32>
      %broadcast_in_dim3A_627 = vector.broadcast %jit3A_625 : f32 to vector<16xf32>
      %select_n3A_628 = arith.select %and3A_623, %broadcast_in_dim3A_626, %broadcast_in_dim3A_627 : vector<16xi1>, vector<16xf32>
      %ge3A_629 = arith.constant 0.000000e+00 : f32
      %ge3A_630 = vector.broadcast %ge3A_629 : f32 to vector<16xf32>
      %ge3A_631 = arith.cmpf oge, %add3A_616, %ge3A_630 : vector<16xf32>
      %le3A_632 = arith.constant 6.300000e+01 : f32
      %le3A_633 = vector.broadcast %le3A_632 : f32 to vector<16xf32>
      %le3A_634 = arith.cmpf ole, %add3A_616, %le3A_633 : vector<16xf32>
      %and3A_635 = arith.andi %ge3A_631, %le3A_634 : vector<16xi1>
      %jit3A_636 = arith.constant 1.000000e+00 : f32
      %jit3A_637 = arith.constant 0.000000e+00 : f32
      %broadcast_in_dim3A_638 = vector.broadcast %jit3A_636 : f32 to vector<16xf32>
      %broadcast_in_dim3A_639 = vector.broadcast %jit3A_637 : f32 to vector<16xf32>
      %select_n3A_640 = arith.select %and3A_635, %broadcast_in_dim3A_638, %broadcast_in_dim3A_639 : vector<16xi1>, vector<16xf32>
      %jit3A_641 = arith.constant 0.000000e+00 : f32
      %jit3A_642 = arith.constant 6.300000e+01 : f32
      %max3A_643 = vector.broadcast %jit3A_641 : f32 to vector<16xf32>
      %max3A_644 = arith.maximumf %max3A_643, %select_n3A_612 : vector<16xf32>
      %min3A_645 = vector.broadcast %jit3A_642 : f32 to vector<16xf32>
      %min3A_646 = arith.minimumf %min3A_645, %max3A_644 : vector<16xf32>
      %convert_element_type3A_647 = arith.fptosi %min3A_646 : vector<16xf32> to vector<16xi32>
      %jit3A_648 = arith.constant 0.000000e+00 : f32
      %jit3A_649 = arith.constant 6.300000e+01 : f32
      %max3A_650 = vector.broadcast %jit3A_648 : f32 to vector<16xf32>
      %max3A_651 = arith.maximumf %max3A_650, %add3A_616 : vector<16xf32>
      %min3A_652 = vector.broadcast %jit3A_649 : f32 to vector<16xf32>
      %min3A_653 = arith.minimumf %min3A_652, %max3A_651 : vector<16xf32>
      %convert_element_type3A_654 = arith.fptosi %min3A_653 : vector<16xf32> to vector<16xi32>
      %sub3A_655 = arith.constant 1.000000e+00 : f32
      %sub3A_656 = vector.broadcast %sub3A_655 : f32 to vector<16xf32>
      %sub3A_657 = arith.subf %sub3A_656, %sub3A_558 : vector<16xf32>
      %sub3A_658 = arith.constant 1.000000e+00 : f32
      %sub3A_659 = vector.broadcast %sub3A_658 : f32 to vector<16xf32>
      %sub3A_660 = arith.subf %sub3A_659, %sub3A_613 : vector<16xf32>
      %mul3A_661 = arith.constant 160 : i32
      %mul3A_662 = arith.muli %scan3A_12, %mul3A_661 : i32
      %add3A_663 = arith.constant 96 : i32
      %add3A_664 = arith.addi %mul3A_662, %add3A_663 : i32
      %add3A_665 = arith.constant 0 : i32
      %add3A_666 = arith.addi %add3A_664, %add3A_665 : i32
      %mul3A_667 = arith.constant 64 : i32
      %mul3A_668 = vector.broadcast %mul3A_667 : i32 to vector<16xi32>
      %mul3A_669 = arith.muli %convert_element_type3A_647, %mul3A_668 : vector<16xi32>
      %add3A_670 = arith.addi %mul3A_669, %convert_element_type3A_592 : vector<16xi32>
      %swap3A_671 = arith.index_cast %add3A_666 : i32 to index
      %swap3A_672 = tpu.vector_load %arg16[%swap3A_671] {strides = array<i32>} : memref<5120xi32, #tpu.memory_space<vmem>>, vector<16xi32>,
      tpu.vector_store %arg16[%swap3A_671], %add3A_670 {strides = array<i32>} : memref<5120xi32, #tpu.memory_space<vmem>>, vector<16xi32>,
      %mul3A_673 = arith.constant 64 : i32
      %mul3A_674 = vector.broadcast %mul3A_673 : i32 to vector<16xi32>
      %mul3A_675 = arith.muli %convert_element_type3A_654, %mul3A_674 : vector<16xi32>
      %add3A_676 = arith.addi %mul3A_675, %convert_element_type3A_592 : vector<16xi32>
      %swap3A_677 = arith.index_cast %add3A_666 : i32 to index
      %swap3A_678 = tpu.vector_load %arg17[%swap3A_677] {strides = array<i32>} : memref<5120xi32, #tpu.memory_space<vmem>>, vector<16xi32>,
      tpu.vector_store %arg17[%swap3A_677], %add3A_676 {strides = array<i32>} : memref<5120xi32, #tpu.memory_space<vmem>>, vector<16xi32>,
      %mul3A_679 = arith.constant 64 : i32
      %mul3A_680 = vector.broadcast %mul3A_679 : i32 to vector<16xi32>
      %mul3A_681 = arith.muli %convert_element_type3A_647, %mul3A_680 : vector<16xi32>
      %add3A_682 = arith.addi %mul3A_681, %convert_element_type3A_599 : vector<16xi32>
      %swap3A_683 = arith.index_cast %add3A_666 : i32 to index
      %swap3A_684 = tpu.vector_load %arg18[%swap3A_683] {strides = array<i32>} : memref<5120xi32, #tpu.memory_space<vmem>>, vector<16xi32>,
      tpu.vector_store %arg18[%swap3A_683], %add3A_682 {strides = array<i32>} : memref<5120xi32, #tpu.memory_space<vmem>>, vector<16xi32>,
      %mul3A_685 = arith.constant 64 : i32
      %mul3A_686 = vector.broadcast %mul3A_685 : i32 to vector<16xi32>
      %mul3A_687 = arith.muli %convert_element_type3A_654, %mul3A_686 : vector<16xi32>
      %add3A_688 = arith.addi %mul3A_687, %convert_element_type3A_599 : vector<16xi32>
      %swap3A_689 = arith.index_cast %add3A_666 : i32 to index
      %swap3A_690 = tpu.vector_load %arg19[%swap3A_689] {strides = array<i32>} : memref<5120xi32, #tpu.memory_space<vmem>>, vector<16xi32>,
      tpu.vector_store %arg19[%swap3A_689], %add3A_688 {strides = array<i32>} : memref<5120xi32, #tpu.memory_space<vmem>>, vector<16xi32>,
      %mul3A_691 = arith.mulf %sub3A_657, %sub3A_660 : vector<16xf32>
      %mul3A_692 = arith.mulf %select_n3A_573, %select_n3A_628 : vector<16xf32>
      %mul3A_693 = arith.mulf %mul3A_691, %mul3A_692 : vector<16xf32>
      %swap3A_694 = arith.index_cast %add3A_666 : i32 to index
      %swap3A_695 = tpu.vector_load %arg20[%swap3A_694] {strides = array<i32>} : memref<5120xf32, #tpu.memory_space<vmem>>, vector<16xf32>,
      tpu.vector_store %arg20[%swap3A_694], %mul3A_693 {strides = array<i32>} : memref<5120xf32, #tpu.memory_space<vmem>>, vector<16xf32>,
      %mul3A_696 = arith.mulf %sub3A_657, %sub3A_613 : vector<16xf32>
      %mul3A_697 = arith.mulf %select_n3A_573, %select_n3A_640 : vector<16xf32>
      %mul3A_698 = arith.mulf %mul3A_696, %mul3A_697 : vector<16xf32>
      %swap3A_699 = arith.index_cast %add3A_666 : i32 to index
      %swap3A_700 = tpu.vector_load %arg21[%swap3A_699] {strides = array<i32>} : memref<5120xf32, #tpu.memory_space<vmem>>, vector<16xf32>,
      tpu.vector_store %arg21[%swap3A_699], %mul3A_698 {strides = array<i32>} : memref<5120xf32, #tpu.memory_space<vmem>>, vector<16xf32>,
      %mul3A_701 = arith.mulf %sub3A_558, %sub3A_660 : vector<16xf32>
      %mul3A_702 = arith.mulf %select_n3A_585, %select_n3A_628 : vector<16xf32>
      %mul3A_703 = arith.mulf %mul3A_701, %mul3A_702 : vector<16xf32>
      %swap3A_704 = arith.index_cast %add3A_666 : i32 to index
      %swap3A_705 = tpu.vector_load %arg22[%swap3A_704] {strides = array<i32>} : memref<5120xf32, #tpu.memory_space<vmem>>, vector<16xf32>,
      tpu.vector_store %arg22[%swap3A_704], %mul3A_703 {strides = array<i32>} : memref<5120xf32, #tpu.memory_space<vmem>>, vector<16xf32>,
      %mul3A_706 = arith.mulf %sub3A_558, %sub3A_613 : vector<16xf32>
      %mul3A_707 = arith.mulf %select_n3A_585, %select_n3A_640 : vector<16xf32>
      %mul3A_708 = arith.mulf %mul3A_706, %mul3A_707 : vector<16xf32>
      %swap3A_709 = arith.index_cast %add3A_666 : i32 to index
      %swap3A_710 = tpu.vector_load %arg23[%swap3A_709] {strides = array<i32>} : memref<5120xf32, #tpu.memory_space<vmem>>, vector<16xf32>,
      tpu.vector_store %arg23[%swap3A_709], %mul3A_708 {strides = array<i32>} : memref<5120xf32, #tpu.memory_space<vmem>>, vector<16xf32>,
      %sub3A_711 = arith.subf %get3A_20, %get3A_14 : vector<16xf32>
      %mul3A_712 = arith.constant 1.000000e+00 : f32
      %mul3A_713 = vector.broadcast %mul3A_712 : f32 to vector<16xf32>
      %mul3A_714 = arith.mulf %sub3A_711, %mul3A_713 : vector<16xf32>
      %add3A_715 = arith.addf %get3A_14, %mul3A_714 : vector<16xf32>
      %sub3A_716 = arith.subf %get3A_23, %get3A_17 : vector<16xf32>
      %mul3A_717 = arith.constant 1.000000e+00 : f32
      %mul3A_718 = vector.broadcast %mul3A_717 : f32 to vector<16xf32>
      %mul3A_719 = arith.mulf %sub3A_716, %mul3A_718 : vector<16xf32>
      %add3A_720 = arith.addf %get3A_17, %mul3A_719 : vector<16xf32>
      %add3A_721 = arith.constant 1.000000e+00 : f32
      %add3A_722 = vector.broadcast %add3A_721 : f32 to vector<16xf32>
      %add3A_723 = arith.addf %add3A_715, %add3A_722 : vector<16xf32>
      %mul3A_724 = arith.constant 3.150000e+01 : f32
      %mul3A_725 = vector.broadcast %mul3A_724 : f32 to vector<16xf32>
      %mul3A_726 = arith.mulf %add3A_723, %mul3A_725 : vector<16xf32>
      %convert_element_type3A_727 = arith.fptosi %mul3A_726 : vector<16xf32> to vector<16xi32>
      %convert_element_type3A_728 = arith.sitofp %convert_element_type3A_727 : vector<16xi32> to vector<16xf32>
      %gt3A_729 = arith.cmpf ogt, %convert_element_type3A_728, %mul3A_726 : vector<16xf32>
      %sub3A_730 = arith.constant 1.000000e+00 : f32
      %sub3A_731 = vector.broadcast %sub3A_730 : f32 to vector<16xf32>
      %sub3A_732 = arith.subf %convert_element_type3A_728, %sub3A_731 : vector<16xf32>
      %select_n3A_733 = arith.select %gt3A_729, %sub3A_732, %convert_element_type3A_728 : vector<16xi1>, vector<16xf32>
      %sub3A_734 = arith.subf %mul3A_726, %select_n3A_733 : vector<16xf32>
      %add3A_735 = arith.constant 1.000000e+00 : f32
      %add3A_736 = vector.broadcast %add3A_735 : f32 to vector<16xf32>
      %add3A_737 = arith.addf %select_n3A_733, %add3A_736 : vector<16xf32>
      %ge3A_738 = arith.constant 0.000000e+00 : f32
      %ge3A_739 = vector.broadcast %ge3A_738 : f32 to vector<16xf32>
      %ge3A_740 = arith.cmpf oge, %select_n3A_733, %ge3A_739 : vector<16xf32>
      %le3A_741 = arith.constant 6.300000e+01 : f32
      %le3A_742 = vector.broadcast %le3A_741 : f32 to vector<16xf32>
      %le3A_743 = arith.cmpf ole, %select_n3A_733, %le3A_742 : vector<16xf32>
      %and3A_744 = arith.andi %ge3A_740, %le3A_743 : vector<16xi1>
      %jit3A_745 = arith.constant 1.000000e+00 : f32
      %jit3A_746 = arith.constant 0.000000e+00 : f32
      %broadcast_in_dim3A_747 = vector.broadcast %jit3A_745 : f32 to vector<16xf32>
      %broadcast_in_dim3A_748 = vector.broadcast %jit3A_746 : f32 to vector<16xf32>
      %select_n3A_749 = arith.select %and3A_744, %broadcast_in_dim3A_747, %broadcast_in_dim3A_748 : vector<16xi1>, vector<16xf32>
      %ge3A_750 = arith.constant 0.000000e+00 : f32
      %ge3A_751 = vector.broadcast %ge3A_750 : f32 to vector<16xf32>
      %ge3A_752 = arith.cmpf oge, %add3A_737, %ge3A_751 : vector<16xf32>
      %le3A_753 = arith.constant 6.300000e+01 : f32
      %le3A_754 = vector.broadcast %le3A_753 : f32 to vector<16xf32>
      %le3A_755 = arith.cmpf ole, %add3A_737, %le3A_754 : vector<16xf32>
      %and3A_756 = arith.andi %ge3A_752, %le3A_755 : vector<16xi1>
      %jit3A_757 = arith.constant 1.000000e+00 : f32
      %jit3A_758 = arith.constant 0.000000e+00 : f32
      %broadcast_in_dim3A_759 = vector.broadcast %jit3A_757 : f32 to vector<16xf32>
      %broadcast_in_dim3A_760 = vector.broadcast %jit3A_758 : f32 to vector<16xf32>
      %select_n3A_761 = arith.select %and3A_756, %broadcast_in_dim3A_759, %broadcast_in_dim3A_760 : vector<16xi1>, vector<16xf32>
      %jit3A_762 = arith.constant 0.000000e+00 : f32
      %jit3A_763 = arith.constant 6.300000e+01 : f32
      %max3A_764 = vector.broadcast %jit3A_762 : f32 to vector<16xf32>
      %max3A_765 = arith.maximumf %max3A_764, %select_n3A_733 : vector<16xf32>
      %min3A_766 = vector.broadcast %jit3A_763 : f32 to vector<16xf32>
      %min3A_767 = arith.minimumf %min3A_766, %max3A_765 : vector<16xf32>
      %convert_element_type3A_768 = arith.fptosi %min3A_767 : vector<16xf32> to vector<16xi32>
      %jit3A_769 = arith.constant 0.000000e+00 : f32
      %jit3A_770 = arith.constant 6.300000e+01 : f32
      %max3A_771 = vector.broadcast %jit3A_769 : f32 to vector<16xf32>
      %max3A_772 = arith.maximumf %max3A_771, %add3A_737 : vector<16xf32>
      %min3A_773 = vector.broadcast %jit3A_770 : f32 to vector<16xf32>
      %min3A_774 = arith.minimumf %min3A_773, %max3A_772 : vector<16xf32>
      %convert_element_type3A_775 = arith.fptosi %min3A_774 : vector<16xf32> to vector<16xi32>
      %add3A_776 = arith.constant 1.000000e+00 : f32
      %add3A_777 = vector.broadcast %add3A_776 : f32 to vector<16xf32>
      %add3A_778 = arith.addf %add3A_720, %add3A_777 : vector<16xf32>
      %mul3A_779 = arith.constant 3.150000e+01 : f32
      %mul3A_780 = vector.broadcast %mul3A_779 : f32 to vector<16xf32>
      %mul3A_781 = arith.mulf %add3A_778, %mul3A_780 : vector<16xf32>
      %convert_element_type3A_782 = arith.fptosi %mul3A_781 : vector<16xf32> to vector<16xi32>
      %convert_element_type3A_783 = arith.sitofp %convert_element_type3A_782 : vector<16xi32> to vector<16xf32>
      %gt3A_784 = arith.cmpf ogt, %convert_element_type3A_783, %mul3A_781 : vector<16xf32>
      %sub3A_785 = arith.constant 1.000000e+00 : f32
      %sub3A_786 = vector.broadcast %sub3A_785 : f32 to vector<16xf32>
      %sub3A_787 = arith.subf %convert_element_type3A_783, %sub3A_786 : vector<16xf32>
      %select_n3A_788 = arith.select %gt3A_784, %sub3A_787, %convert_element_type3A_783 : vector<16xi1>, vector<16xf32>
      %sub3A_789 = arith.subf %mul3A_781, %select_n3A_788 : vector<16xf32>
      %add3A_790 = arith.constant 1.000000e+00 : f32
      %add3A_791 = vector.broadcast %add3A_790 : f32 to vector<16xf32>
      %add3A_792 = arith.addf %select_n3A_788, %add3A_791 : vector<16xf32>
      %ge3A_793 = arith.constant 0.000000e+00 : f32
      %ge3A_794 = vector.broadcast %ge3A_793 : f32 to vector<16xf32>
      %ge3A_795 = arith.cmpf oge, %select_n3A_788, %ge3A_794 : vector<16xf32>
      %le3A_796 = arith.constant 6.300000e+01 : f32
      %le3A_797 = vector.broadcast %le3A_796 : f32 to vector<16xf32>
      %le3A_798 = arith.cmpf ole, %select_n3A_788, %le3A_797 : vector<16xf32>
      %and3A_799 = arith.andi %ge3A_795, %le3A_798 : vector<16xi1>
      %jit3A_800 = arith.constant 1.000000e+00 : f32
      %jit3A_801 = arith.constant 0.000000e+00 : f32
      %broadcast_in_dim3A_802 = vector.broadcast %jit3A_800 : f32 to vector<16xf32>
      %broadcast_in_dim3A_803 = vector.broadcast %jit3A_801 : f32 to vector<16xf32>
      %select_n3A_804 = arith.select %and3A_799, %broadcast_in_dim3A_802, %broadcast_in_dim3A_803 : vector<16xi1>, vector<16xf32>
      %ge3A_805 = arith.constant 0.000000e+00 : f32
      %ge3A_806 = vector.broadcast %ge3A_805 : f32 to vector<16xf32>
      %ge3A_807 = arith.cmpf oge, %add3A_792, %ge3A_806 : vector<16xf32>
      %le3A_808 = arith.constant 6.300000e+01 : f32
      %le3A_809 = vector.broadcast %le3A_808 : f32 to vector<16xf32>
      %le3A_810 = arith.cmpf ole, %add3A_792, %le3A_809 : vector<16xf32>
      %and3A_811 = arith.andi %ge3A_807, %le3A_810 : vector<16xi1>
      %jit3A_812 = arith.constant 1.000000e+00 : f32
      %jit3A_813 = arith.constant 0.000000e+00 : f32
      %broadcast_in_dim3A_814 = vector.broadcast %jit3A_812 : f32 to vector<16xf32>
      %broadcast_in_dim3A_815 = vector.broadcast %jit3A_813 : f32 to vector<16xf32>
      %select_n3A_816 = arith.select %and3A_811, %broadcast_in_dim3A_814, %broadcast_in_dim3A_815 : vector<16xi1>, vector<16xf32>
      %jit3A_817 = arith.constant 0.000000e+00 : f32
      %jit3A_818 = arith.constant 6.300000e+01 : f32
      %max3A_819 = vector.broadcast %jit3A_817 : f32 to vector<16xf32>
      %max3A_820 = arith.maximumf %max3A_819, %select_n3A_788 : vector<16xf32>
      %min3A_821 = vector.broadcast %jit3A_818 : f32 to vector<16xf32>
      %min3A_822 = arith.minimumf %min3A_821, %max3A_820 : vector<16xf32>
      %convert_element_type3A_823 = arith.fptosi %min3A_822 : vector<16xf32> to vector<16xi32>
      %jit3A_824 = arith.constant 0.000000e+00 : f32
      %jit3A_825 = arith.constant 6.300000e+01 : f32
      %max3A_826 = vector.broadcast %jit3A_824 : f32 to vector<16xf32>
      %max3A_827 = arith.maximumf %max3A_826, %add3A_792 : vector<16xf32>
      %min3A_828 = vector.broadcast %jit3A_825 : f32 to vector<16xf32>
      %min3A_829 = arith.minimumf %min3A_828, %max3A_827 : vector<16xf32>
      %convert_element_type3A_830 = arith.fptosi %min3A_829 : vector<16xf32> to vector<16xi32>
      %sub3A_831 = arith.constant 1.000000e+00 : f32
      %sub3A_832 = vector.broadcast %sub3A_831 : f32 to vector<16xf32>
      %sub3A_833 = arith.subf %sub3A_832, %sub3A_734 : vector<16xf32>
      %sub3A_834 = arith.constant 1.000000e+00 : f32
      %sub3A_835 = vector.broadcast %sub3A_834 : f32 to vector<16xf32>
      %sub3A_836 = arith.subf %sub3A_835, %sub3A_789 : vector<16xf32>
      %mul3A_837 = arith.constant 160 : i32
      %mul3A_838 = arith.muli %scan3A_12, %mul3A_837 : i32
      %add3A_839 = arith.constant 128 : i32
      %add3A_840 = arith.addi %mul3A_838, %add3A_839 : i32
      %add3A_841 = arith.constant 0 : i32
      %add3A_842 = arith.addi %add3A_840, %add3A_841 : i32
      %mul3A_843 = arith.constant 64 : i32
      %mul3A_844 = vector.broadcast %mul3A_843 : i32 to vector<16xi32>
      %mul3A_845 = arith.muli %convert_element_type3A_823, %mul3A_844 : vector<16xi32>
      %add3A_846 = arith.addi %mul3A_845, %convert_element_type3A_768 : vector<16xi32>
      %swap3A_847 = arith.index_cast %add3A_842 : i32 to index
      %swap3A_848 = tpu.vector_load %arg16[%swap3A_847] {strides = array<i32>} : memref<5120xi32, #tpu.memory_space<vmem>>, vector<16xi32>,
      tpu.vector_store %arg16[%swap3A_847], %add3A_846 {strides = array<i32>} : memref<5120xi32, #tpu.memory_space<vmem>>, vector<16xi32>,
      %mul3A_849 = arith.constant 64 : i32
      %mul3A_850 = vector.broadcast %mul3A_849 : i32 to vector<16xi32>
      %mul3A_851 = arith.muli %convert_element_type3A_830, %mul3A_850 : vector<16xi32>
      %add3A_852 = arith.addi %mul3A_851, %convert_element_type3A_768 : vector<16xi32>
      %swap3A_853 = arith.index_cast %add3A_842 : i32 to index
      %swap3A_854 = tpu.vector_load %arg17[%swap3A_853] {strides = array<i32>} : memref<5120xi32, #tpu.memory_space<vmem>>, vector<16xi32>,
      tpu.vector_store %arg17[%swap3A_853], %add3A_852 {strides = array<i32>} : memref<5120xi32, #tpu.memory_space<vmem>>, vector<16xi32>,
      %mul3A_855 = arith.constant 64 : i32
      %mul3A_856 = vector.broadcast %mul3A_855 : i32 to vector<16xi32>
      %mul3A_857 = arith.muli %convert_element_type3A_823, %mul3A_856 : vector<16xi32>
      %add3A_858 = arith.addi %mul3A_857, %convert_element_type3A_775 : vector<16xi32>
      %swap3A_859 = arith.index_cast %add3A_842 : i32 to index
      %swap3A_860 = tpu.vector_load %arg18[%swap3A_859] {strides = array<i32>} : memref<5120xi32, #tpu.memory_space<vmem>>, vector<16xi32>,
      tpu.vector_store %arg18[%swap3A_859], %add3A_858 {strides = array<i32>} : memref<5120xi32, #tpu.memory_space<vmem>>, vector<16xi32>,
      %mul3A_861 = arith.constant 64 : i32
      %mul3A_862 = vector.broadcast %mul3A_861 : i32 to vector<16xi32>
      %mul3A_863 = arith.muli %convert_element_type3A_830, %mul3A_862 : vector<16xi32>
      %add3A_864 = arith.addi %mul3A_863, %convert_element_type3A_775 : vector<16xi32>
      %swap3A_865 = arith.index_cast %add3A_842 : i32 to index
      %swap3A_866 = tpu.vector_load %arg19[%swap3A_865] {strides = array<i32>} : memref<5120xi32, #tpu.memory_space<vmem>>, vector<16xi32>,
      tpu.vector_store %arg19[%swap3A_865], %add3A_864 {strides = array<i32>} : memref<5120xi32, #tpu.memory_space<vmem>>, vector<16xi32>,
      %mul3A_867 = arith.mulf %sub3A_833, %sub3A_836 : vector<16xf32>
      %mul3A_868 = arith.mulf %select_n3A_749, %select_n3A_804 : vector<16xf32>
      %mul3A_869 = arith.mulf %mul3A_867, %mul3A_868 : vector<16xf32>
      %swap3A_870 = arith.index_cast %add3A_842 : i32 to index
      %swap3A_871 = tpu.vector_load %arg20[%swap3A_870] {strides = array<i32>} : memref<5120xf32, #tpu.memory_space<vmem>>, vector<16xf32>,
      tpu.vector_store %arg20[%swap3A_870], %mul3A_869 {strides = array<i32>} : memref<5120xf32, #tpu.memory_space<vmem>>, vector<16xf32>,
      %mul3A_872 = arith.mulf %sub3A_833, %sub3A_789 : vector<16xf32>
      %mul3A_873 = arith.mulf %select_n3A_749, %select_n3A_816 : vector<16xf32>
      %mul3A_874 = arith.mulf %mul3A_872, %mul3A_873 : vector<16xf32>
      %swap3A_875 = arith.index_cast %add3A_842 : i32 to index
      %swap3A_876 = tpu.vector_load %arg21[%swap3A_875] {strides = array<i32>} : memref<5120xf32, #tpu.memory_space<vmem>>, vector<16xf32>,
      tpu.vector_store %arg21[%swap3A_875], %mul3A_874 {strides = array<i32>} : memref<5120xf32, #tpu.memory_space<vmem>>, vector<16xf32>,
      %mul3A_877 = arith.mulf %sub3A_734, %sub3A_836 : vector<16xf32>
      %mul3A_878 = arith.mulf %select_n3A_761, %select_n3A_804 : vector<16xf32>
      %mul3A_879 = arith.mulf %mul3A_877, %mul3A_878 : vector<16xf32>
      %swap3A_880 = arith.index_cast %add3A_842 : i32 to index
      %swap3A_881 = tpu.vector_load %arg22[%swap3A_880] {strides = array<i32>} : memref<5120xf32, #tpu.memory_space<vmem>>, vector<16xf32>,
      tpu.vector_store %arg22[%swap3A_880], %mul3A_879 {strides = array<i32>} : memref<5120xf32, #tpu.memory_space<vmem>>, vector<16xf32>,
      %mul3A_882 = arith.mulf %sub3A_734, %sub3A_789 : vector<16xf32>
      %mul3A_883 = arith.mulf %select_n3A_761, %select_n3A_816 : vector<16xf32>
      %mul3A_884 = arith.mulf %mul3A_882, %mul3A_883 : vector<16xf32>
      %swap3A_885 = arith.index_cast %add3A_842 : i32 to index
      %swap3A_886 = tpu.vector_load %arg23[%swap3A_885] {strides = array<i32>} : memref<5120xf32, #tpu.memory_space<vmem>>, vector<16xf32>,
      tpu.vector_store %arg23[%swap3A_885], %mul3A_884 {strides = array<i32>} : memref<5120xf32, #tpu.memory_space<vmem>>, vector<16xf32>,
      %get3A_887 = arith.index_cast %scan3A_12 : i32 to index
      %get3A_888 = arith.constant 16 : index
      %get3A_889 = tpu.vector_load %arg10[%get3A_887, %get3A_888] {strides = array<i32>} : memref<32x32xf32, #tpu.memory_space<vmem>>, vector<16xf32>,
      %get3A_890 = arith.index_cast %scan3A_12 : i32 to index
      %get3A_891 = arith.constant 16 : index
      %get3A_892 = tpu.vector_load %arg11[%get3A_890, %get3A_891] {strides = array<i32>} : memref<32x32xf32, #tpu.memory_space<vmem>>, vector<16xf32>,
      %get3A_893 = arith.index_cast %scan3A_12 : i32 to index
      %get3A_894 = arith.constant 16 : index
      %get3A_895 = tpu.vector_load %arg12[%get3A_893, %get3A_894] {strides = array<i32>} : memref<32x32xf32, #tpu.memory_space<vmem>>, vector<16xf32>,
      %get3A_896 = arith.index_cast %scan3A_12 : i32 to index
      %get3A_897 = arith.constant 16 : index
      %get3A_898 = tpu.vector_load %arg13[%get3A_896, %get3A_897] {strides = array<i32>} : memref<32x32xf32, #tpu.memory_space<vmem>>, vector<16xf32>,
      %sub3A_899 = arith.subf %get3A_895, %get3A_889 : vector<16xf32>
      %mul3A_900 = arith.constant 0.000000e+00 : f32
      %mul3A_901 = vector.broadcast %mul3A_900 : f32 to vector<16xf32>
      %mul3A_902 = arith.mulf %sub3A_899, %mul3A_901 : vector<16xf32>
      %add3A_903 = arith.addf %get3A_889, %mul3A_902 : vector<16xf32>
      %sub3A_904 = arith.subf %get3A_898, %get3A_892 : vector<16xf32>
      %mul3A_905 = arith.constant 0.000000e+00 : f32
      %mul3A_906 = vector.broadcast %mul3A_905 : f32 to vector<16xf32>
      %mul3A_907 = arith.mulf %sub3A_904, %mul3A_906 : vector<16xf32>
      %add3A_908 = arith.addf %get3A_892, %mul3A_907 : vector<16xf32>
      %add3A_909 = arith.constant 1.000000e+00 : f32
      %add3A_910 = vector.broadcast %add3A_909 : f32 to vector<16xf32>
      %add3A_911 = arith.addf %add3A_903, %add3A_910 : vector<16xf32>
      %mul3A_912 = arith.constant 3.150000e+01 : f32
      %mul3A_913 = vector.broadcast %mul3A_912 : f32 to vector<16xf32>
      %mul3A_914 = arith.mulf %add3A_911, %mul3A_913 : vector<16xf32>
      %convert_element_type3A_915 = arith.fptosi %mul3A_914 : vector<16xf32> to vector<16xi32>
      %convert_element_type3A_916 = arith.sitofp %convert_element_type3A_915 : vector<16xi32> to vector<16xf32>
      %gt3A_917 = arith.cmpf ogt, %convert_element_type3A_916, %mul3A_914 : vector<16xf32>
      %sub3A_918 = arith.constant 1.000000e+00 : f32
      %sub3A_919 = vector.broadcast %sub3A_918 : f32 to vector<16xf32>
      %sub3A_920 = arith.subf %convert_element_type3A_916, %sub3A_919 : vector<16xf32>
      %select_n3A_921 = arith.select %gt3A_917, %sub3A_920, %convert_element_type3A_916 : vector<16xi1>, vector<16xf32>
      %sub3A_922 = arith.subf %mul3A_914, %select_n3A_921 : vector<16xf32>
      %add3A_923 = arith.constant 1.000000e+00 : f32
      %add3A_924 = vector.broadcast %add3A_923 : f32 to vector<16xf32>
      %add3A_925 = arith.addf %select_n3A_921, %add3A_924 : vector<16xf32>
      %ge3A_926 = arith.constant 0.000000e+00 : f32
      %ge3A_927 = vector.broadcast %ge3A_926 : f32 to vector<16xf32>
      %ge3A_928 = arith.cmpf oge, %select_n3A_921, %ge3A_927 : vector<16xf32>
      %le3A_929 = arith.constant 6.300000e+01 : f32
      %le3A_930 = vector.broadcast %le3A_929 : f32 to vector<16xf32>
      %le3A_931 = arith.cmpf ole, %select_n3A_921, %le3A_930 : vector<16xf32>
      %and3A_932 = arith.andi %ge3A_928, %le3A_931 : vector<16xi1>
      %jit3A_933 = arith.constant 1.000000e+00 : f32
      %jit3A_934 = arith.constant 0.000000e+00 : f32
      %broadcast_in_dim3A_935 = vector.broadcast %jit3A_933 : f32 to vector<16xf32>
      %broadcast_in_dim3A_936 = vector.broadcast %jit3A_934 : f32 to vector<16xf32>
      %select_n3A_937 = arith.select %and3A_932, %broadcast_in_dim3A_935, %broadcast_in_dim3A_936 : vector<16xi1>, vector<16xf32>
      %ge3A_938 = arith.constant 0.000000e+00 : f32
      %ge3A_939 = vector.broadcast %ge3A_938 : f32 to vector<16xf32>
      %ge3A_940 = arith.cmpf oge, %add3A_925, %ge3A_939 : vector<16xf32>
      %le3A_941 = arith.constant 6.300000e+01 : f32
      %le3A_942 = vector.broadcast %le3A_941 : f32 to vector<16xf32>
      %le3A_943 = arith.cmpf ole, %add3A_925, %le3A_942 : vector<16xf32>
      %and3A_944 = arith.andi %ge3A_940, %le3A_943 : vector<16xi1>
      %jit3A_945 = arith.constant 1.000000e+00 : f32
      %jit3A_946 = arith.constant 0.000000e+00 : f32
      %broadcast_in_dim3A_947 = vector.broadcast %jit3A_945 : f32 to vector<16xf32>
      %broadcast_in_dim3A_948 = vector.broadcast %jit3A_946 : f32 to vector<16xf32>
      %select_n3A_949 = arith.select %and3A_944, %broadcast_in_dim3A_947, %broadcast_in_dim3A_948 : vector<16xi1>, vector<16xf32>
      %jit3A_950 = arith.constant 0.000000e+00 : f32
      %jit3A_951 = arith.constant 6.300000e+01 : f32
      %max3A_952 = vector.broadcast %jit3A_950 : f32 to vector<16xf32>
      %max3A_953 = arith.maximumf %max3A_952, %select_n3A_921 : vector<16xf32>
      %min3A_954 = vector.broadcast %jit3A_951 : f32 to vector<16xf32>
      %min3A_955 = arith.minimumf %min3A_954, %max3A_953 : vector<16xf32>
      %convert_element_type3A_956 = arith.fptosi %min3A_955 : vector<16xf32> to vector<16xi32>
      %jit3A_957 = arith.constant 0.000000e+00 : f32
      %jit3A_958 = arith.constant 6.300000e+01 : f32
      %max3A_959 = vector.broadcast %jit3A_957 : f32 to vector<16xf32>
      %max3A_960 = arith.maximumf %max3A_959, %add3A_925 : vector<16xf32>
      %min3A_961 = vector.broadcast %jit3A_958 : f32 to vector<16xf32>
      %min3A_962 = arith.minimumf %min3A_961, %max3A_960 : vector<16xf32>
      %convert_element_type3A_963 = arith.fptosi %min3A_962 : vector<16xf32> to vector<16xi32>
      %add3A_964 = arith.constant 1.000000e+00 : f32
      %add3A_965 = vector.broadcast %add3A_964 : f32 to vector<16xf32>
      %add3A_966 = arith.addf %add3A_908, %add3A_965 : vector<16xf32>
      %mul3A_967 = arith.constant 3.150000e+01 : f32
      %mul3A_968 = vector.broadcast %mul3A_967 : f32 to vector<16xf32>
      %mul3A_969 = arith.mulf %add3A_966, %mul3A_968 : vector<16xf32>
      %convert_element_type3A_970 = arith.fptosi %mul3A_969 : vector<16xf32> to vector<16xi32>
      %convert_element_type3A_971 = arith.sitofp %convert_element_type3A_970 : vector<16xi32> to vector<16xf32>
      %gt3A_972 = arith.cmpf ogt, %convert_element_type3A_971, %mul3A_969 : vector<16xf32>
      %sub3A_973 = arith.constant 1.000000e+00 : f32
      %sub3A_974 = vector.broadcast %sub3A_973 : f32 to vector<16xf32>
      %sub3A_975 = arith.subf %convert_element_type3A_971, %sub3A_974 : vector<16xf32>
      %select_n3A_976 = arith.select %gt3A_972, %sub3A_975, %convert_element_type3A_971 : vector<16xi1>, vector<16xf32>
      %sub3A_977 = arith.subf %mul3A_969, %select_n3A_976 : vector<16xf32>
      %add3A_978 = arith.constant 1.000000e+00 : f32
      %add3A_979 = vector.broadcast %add3A_978 : f32 to vector<16xf32>
      %add3A_980 = arith.addf %select_n3A_976, %add3A_979 : vector<16xf32>
      %ge3A_981 = arith.constant 0.000000e+00 : f32
      %ge3A_982 = vector.broadcast %ge3A_981 : f32 to vector<16xf32>
      %ge3A_983 = arith.cmpf oge, %select_n3A_976, %ge3A_982 : vector<16xf32>
      %le3A_984 = arith.constant 6.300000e+01 : f32
      %le3A_985 = vector.broadcast %le3A_984 : f32 to vector<16xf32>
      %le3A_986 = arith.cmpf ole, %select_n3A_976, %le3A_985 : vector<16xf32>
      %and3A_987 = arith.andi %ge3A_983, %le3A_986 : vector<16xi1>
      %jit3A_988 = arith.constant 1.000000e+00 : f32
      %jit3A_989 = arith.constant 0.000000e+00 : f32
      %broadcast_in_dim3A_990 = vector.broadcast %jit3A_988 : f32 to vector<16xf32>
      %broadcast_in_dim3A_991 = vector.broadcast %jit3A_989 : f32 to vector<16xf32>
      %select_n3A_992 = arith.select %and3A_987, %broadcast_in_dim3A_990, %broadcast_in_dim3A_991 : vector<16xi1>, vector<16xf32>
      %ge3A_993 = arith.constant 0.000000e+00 : f32
      %ge3A_994 = vector.broadcast %ge3A_993 : f32 to vector<16xf32>
      %ge3A_995 = arith.cmpf oge, %add3A_980, %ge3A_994 : vector<16xf32>
      %le3A_996 = arith.constant 6.300000e+01 : f32
      %le3A_997 = vector.broadcast %le3A_996 : f32 to vector<16xf32>
      %le3A_998 = arith.cmpf ole, %add3A_980, %le3A_997 : vector<16xf32>
      %and3A_999 = arith.andi %ge3A_995, %le3A_998 : vector<16xi1>
      %jit3A_1000 = arith.constant 1.000000e+00 : f32
      %jit3A_1001 = arith.constant 0.000000e+00 : f32
      %broadcast_in_dim3A_1002 = vector.broadcast %jit3A_1000 : f32 to vector<16xf32>
      %broadcast_in_dim3A_1003 = vector.broadcast %jit3A_1001 : f32 to vector<16xf32>
      %select_n3A_1004 = arith.select %and3A_999, %broadcast_in_dim3A_1002, %broadcast_in_dim3A_1003 : vector<16xi1>, vector<16xf32>
      %jit3A_1005 = arith.constant 0.000000e+00 : f32
      %jit3A_1006 = arith.constant 6.300000e+01 : f32
      %max3A_1007 = vector.broadcast %jit3A_1005 : f32 to vector<16xf32>
      %max3A_1008 = arith.maximumf %max3A_1007, %select_n3A_976 : vector<16xf32>
      %min3A_1009 = vector.broadcast %jit3A_1006 : f32 to vector<16xf32>
      %min3A_1010 = arith.minimumf %min3A_1009, %max3A_1008 : vector<16xf32>
      %convert_element_type3A_1011 = arith.fptosi %min3A_1010 : vector<16xf32> to vector<16xi32>
      %jit3A_1012 = arith.constant 0.000000e+00 : f32
      %jit3A_1013 = arith.constant 6.300000e+01 : f32
      %max3A_1014 = vector.broadcast %jit3A_1012 : f32 to vector<16xf32>
      %max3A_1015 = arith.maximumf %max3A_1014, %add3A_980 : vector<16xf32>
      %min3A_1016 = vector.broadcast %jit3A_1013 : f32 to vector<16xf32>
      %min3A_1017 = arith.minimumf %min3A_1016, %max3A_1015 : vector<16xf32>
      %convert_element_type3A_1018 = arith.fptosi %min3A_1017 : vector<16xf32> to vector<16xi32>
      %sub3A_1019 = arith.constant 1.000000e+00 : f32
      %sub3A_1020 = vector.broadcast %sub3A_1019 : f32 to vector<16xf32>
      %sub3A_1021 = arith.subf %sub3A_1020, %sub3A_922 : vector<16xf32>
      %sub3A_1022 = arith.constant 1.000000e+00 : f32
      %sub3A_1023 = vector.broadcast %sub3A_1022 : f32 to vector<16xf32>
      %sub3A_1024 = arith.subf %sub3A_1023, %sub3A_977 : vector<16xf32>
      %mul3A_1025 = arith.constant 160 : i32
      %mul3A_1026 = arith.muli %scan3A_12, %mul3A_1025 : i32
      %add3A_1027 = arith.constant 0 : i32
      %add3A_1028 = arith.addi %mul3A_1026, %add3A_1027 : i32
      %add3A_1029 = arith.constant 16 : i32
      %add3A_1030 = arith.addi %add3A_1028, %add3A_1029 : i32
      %mul3A_1031 = arith.constant 64 : i32
      %mul3A_1032 = vector.broadcast %mul3A_1031 : i32 to vector<16xi32>
      %mul3A_1033 = arith.muli %convert_element_type3A_1011, %mul3A_1032 : vector<16xi32>
      %add3A_1034 = arith.addi %mul3A_1033, %convert_element_type3A_956 : vector<16xi32>
      %swap3A_1035 = arith.index_cast %add3A_1030 : i32 to index
      %swap3A_1036 = tpu.vector_load %arg16[%swap3A_1035] {strides = array<i32>} : memref<5120xi32, #tpu.memory_space<vmem>>, vector<16xi32>,
      tpu.vector_store %arg16[%swap3A_1035], %add3A_1034 {strides = array<i32>} : memref<5120xi32, #tpu.memory_space<vmem>>, vector<16xi32>,
      %mul3A_1037 = arith.constant 64 : i32
      %mul3A_1038 = vector.broadcast %mul3A_1037 : i32 to vector<16xi32>
      %mul3A_1039 = arith.muli %convert_element_type3A_1018, %mul3A_1038 : vector<16xi32>
      %add3A_1040 = arith.addi %mul3A_1039, %convert_element_type3A_956 : vector<16xi32>
      %swap3A_1041 = arith.index_cast %add3A_1030 : i32 to index
      %swap3A_1042 = tpu.vector_load %arg17[%swap3A_1041] {strides = array<i32>} : memref<5120xi32, #tpu.memory_space<vmem>>, vector<16xi32>,
      tpu.vector_store %arg17[%swap3A_1041], %add3A_1040 {strides = array<i32>} : memref<5120xi32, #tpu.memory_space<vmem>>, vector<16xi32>,
      %mul3A_1043 = arith.constant 64 : i32
      %mul3A_1044 = vector.broadcast %mul3A_1043 : i32 to vector<16xi32>
      %mul3A_1045 = arith.muli %convert_element_type3A_1011, %mul3A_1044 : vector<16xi32>
      %add3A_1046 = arith.addi %mul3A_1045, %convert_element_type3A_963 : vector<16xi32>
      %swap3A_1047 = arith.index_cast %add3A_1030 : i32 to index
      %swap3A_1048 = tpu.vector_load %arg18[%swap3A_1047] {strides = array<i32>} : memref<5120xi32, #tpu.memory_space<vmem>>, vector<16xi32>,
      tpu.vector_store %arg18[%swap3A_1047], %add3A_1046 {strides = array<i32>} : memref<5120xi32, #tpu.memory_space<vmem>>, vector<16xi32>,
      %mul3A_1049 = arith.constant 64 : i32
      %mul3A_1050 = vector.broadcast %mul3A_1049 : i32 to vector<16xi32>
      %mul3A_1051 = arith.muli %convert_element_type3A_1018, %mul3A_1050 : vector<16xi32>
      %add3A_1052 = arith.addi %mul3A_1051, %convert_element_type3A_963 : vector<16xi32>
      %swap3A_1053 = arith.index_cast %add3A_1030 : i32 to index
      %swap3A_1054 = tpu.vector_load %arg19[%swap3A_1053] {strides = array<i32>} : memref<5120xi32, #tpu.memory_space<vmem>>, vector<16xi32>,
      tpu.vector_store %arg19[%swap3A_1053], %add3A_1052 {strides = array<i32>} : memref<5120xi32, #tpu.memory_space<vmem>>, vector<16xi32>,
      %mul3A_1055 = arith.mulf %sub3A_1021, %sub3A_1024 : vector<16xf32>
      %mul3A_1056 = arith.mulf %select_n3A_937, %select_n3A_992 : vector<16xf32>
      %mul3A_1057 = arith.mulf %mul3A_1055, %mul3A_1056 : vector<16xf32>
      %swap3A_1058 = arith.index_cast %add3A_1030 : i32 to index
      %swap3A_1059 = tpu.vector_load %arg20[%swap3A_1058] {strides = array<i32>} : memref<5120xf32, #tpu.memory_space<vmem>>, vector<16xf32>,
      tpu.vector_store %arg20[%swap3A_1058], %mul3A_1057 {strides = array<i32>} : memref<5120xf32, #tpu.memory_space<vmem>>, vector<16xf32>,
      %mul3A_1060 = arith.mulf %sub3A_1021, %sub3A_977 : vector<16xf32>
      %mul3A_1061 = arith.mulf %select_n3A_937, %select_n3A_1004 : vector<16xf32>
      %mul3A_1062 = arith.mulf %mul3A_1060, %mul3A_1061 : vector<16xf32>
      %swap3A_1063 = arith.index_cast %add3A_1030 : i32 to index
      %swap3A_1064 = tpu.vector_load %arg21[%swap3A_1063] {strides = array<i32>} : memref<5120xf32, #tpu.memory_space<vmem>>, vector<16xf32>,
      tpu.vector_store %arg21[%swap3A_1063], %mul3A_1062 {strides = array<i32>} : memref<5120xf32, #tpu.memory_space<vmem>>, vector<16xf32>,
      %mul3A_1065 = arith.mulf %sub3A_922, %sub3A_1024 : vector<16xf32>
      %mul3A_1066 = arith.mulf %select_n3A_949, %select_n3A_992 : vector<16xf32>
      %mul3A_1067 = arith.mulf %mul3A_1065, %mul3A_1066 : vector<16xf32>
      %swap3A_1068 = arith.index_cast %add3A_1030 : i32 to index
      %swap3A_1069 = tpu.vector_load %arg22[%swap3A_1068] {strides = array<i32>} : memref<5120xf32, #tpu.memory_space<vmem>>, vector<16xf32>,
      tpu.vector_store %arg22[%swap3A_1068], %mul3A_1067 {strides = array<i32>} : memref<5120xf32, #tpu.memory_space<vmem>>, vector<16xf32>,
      %mul3A_1070 = arith.mulf %sub3A_922, %sub3A_977 : vector<16xf32>
      %mul3A_1071 = arith.mulf %select_n3A_949, %select_n3A_1004 : vector<16xf32>
      %mul3A_1072 = arith.mulf %mul3A_1070, %mul3A_1071 : vector<16xf32>
      %swap3A_1073 = arith.index_cast %add3A_1030 : i32 to index
      %swap3A_1074 = tpu.vector_load %arg23[%swap3A_1073] {strides = array<i32>} : memref<5120xf32, #tpu.memory_space<vmem>>, vector<16xf32>,
      tpu.vector_store %arg23[%swap3A_1073], %mul3A_1072 {strides = array<i32>} : memref<5120xf32, #tpu.memory_space<vmem>>, vector<16xf32>,
      %sub3A_1075 = arith.subf %get3A_895, %get3A_889 : vector<16xf32>
      %mul3A_1076 = arith.constant 2.500000e-01 : f32
      %mul3A_1077 = vector.broadcast %mul3A_1076 : f32 to vector<16xf32>
      %mul3A_1078 = arith.mulf %sub3A_1075, %mul3A_1077 : vector<16xf32>
      %add3A_1079 = arith.addf %get3A_889, %mul3A_1078 : vector<16xf32>
      %sub3A_1080 = arith.subf %get3A_898, %get3A_892 : vector<16xf32>
      %mul3A_1081 = arith.constant 2.500000e-01 : f32
      %mul3A_1082 = vector.broadcast %mul3A_1081 : f32 to vector<16xf32>
      %mul3A_1083 = arith.mulf %sub3A_1080, %mul3A_1082 : vector<16xf32>
      %add3A_1084 = arith.addf %get3A_892, %mul3A_1083 : vector<16xf32>
      %add3A_1085 = arith.constant 1.000000e+00 : f32
      %add3A_1086 = vector.broadcast %add3A_1085 : f32 to vector<16xf32>
      %add3A_1087 = arith.addf %add3A_1079, %add3A_1086 : vector<16xf32>
      %mul3A_1088 = arith.constant 3.150000e+01 : f32
      %mul3A_1089 = vector.broadcast %mul3A_1088 : f32 to vector<16xf32>
      %mul3A_1090 = arith.mulf %add3A_1087, %mul3A_1089 : vector<16xf32>
      %convert_element_type3A_1091 = arith.fptosi %mul3A_1090 : vector<16xf32> to vector<16xi32>
      %convert_element_type3A_1092 = arith.sitofp %convert_element_type3A_1091 : vector<16xi32> to vector<16xf32>
      %gt3A_1093 = arith.cmpf ogt, %convert_element_type3A_1092, %mul3A_1090 : vector<16xf32>
      %sub3A_1094 = arith.constant 1.000000e+00 : f32
      %sub3A_1095 = vector.broadcast %sub3A_1094 : f32 to vector<16xf32>
      %sub3A_1096 = arith.subf %convert_element_type3A_1092, %sub3A_1095 : vector<16xf32>
      %select_n3A_1097 = arith.select %gt3A_1093, %sub3A_1096, %convert_element_type3A_1092 : vector<16xi1>, vector<16xf32>
      %sub3A_1098 = arith.subf %mul3A_1090, %select_n3A_1097 : vector<16xf32>
      %add3A_1099 = arith.constant 1.000000e+00 : f32
      %add3A_1100 = vector.broadcast %add3A_1099 : f32 to vector<16xf32>
      %add3A_1101 = arith.addf %select_n3A_1097, %add3A_1100 : vector<16xf32>
      %ge3A_1102 = arith.constant 0.000000e+00 : f32
      %ge3A_1103 = vector.broadcast %ge3A_1102 : f32 to vector<16xf32>
      %ge3A_1104 = arith.cmpf oge, %select_n3A_1097, %ge3A_1103 : vector<16xf32>
      %le3A_1105 = arith.constant 6.300000e+01 : f32
      %le3A_1106 = vector.broadcast %le3A_1105 : f32 to vector<16xf32>
      %le3A_1107 = arith.cmpf ole, %select_n3A_1097, %le3A_1106 : vector<16xf32>
      %and3A_1108 = arith.andi %ge3A_1104, %le3A_1107 : vector<16xi1>
      %jit3A_1109 = arith.constant 1.000000e+00 : f32
      %jit3A_1110 = arith.constant 0.000000e+00 : f32
      %broadcast_in_dim3A_1111 = vector.broadcast %jit3A_1109 : f32 to vector<16xf32>
      %broadcast_in_dim3A_1112 = vector.broadcast %jit3A_1110 : f32 to vector<16xf32>
      %select_n3A_1113 = arith.select %and3A_1108, %broadcast_in_dim3A_1111, %broadcast_in_dim3A_1112 : vector<16xi1>, vector<16xf32>
      %ge3A_1114 = arith.constant 0.000000e+00 : f32
      %ge3A_1115 = vector.broadcast %ge3A_1114 : f32 to vector<16xf32>
      %ge3A_1116 = arith.cmpf oge, %add3A_1101, %ge3A_1115 : vector<16xf32>
      %le3A_1117 = arith.constant 6.300000e+01 : f32
      %le3A_1118 = vector.broadcast %le3A_1117 : f32 to vector<16xf32>
      %le3A_1119 = arith.cmpf ole, %add3A_1101, %le3A_1118 : vector<16xf32>
      %and3A_1120 = arith.andi %ge3A_1116, %le3A_1119 : vector<16xi1>
      %jit3A_1121 = arith.constant 1.000000e+00 : f32
      %jit3A_1122 = arith.constant 0.000000e+00 : f32
      %broadcast_in_dim3A_1123 = vector.broadcast %jit3A_1121 : f32 to vector<16xf32>
      %broadcast_in_dim3A_1124 = vector.broadcast %jit3A_1122 : f32 to vector<16xf32>
      %select_n3A_1125 = arith.select %and3A_1120, %broadcast_in_dim3A_1123, %broadcast_in_dim3A_1124 : vector<16xi1>, vector<16xf32>
      %jit3A_1126 = arith.constant 0.000000e+00 : f32
      %jit3A_1127 = arith.constant 6.300000e+01 : f32
      %max3A_1128 = vector.broadcast %jit3A_1126 : f32 to vector<16xf32>
      %max3A_1129 = arith.maximumf %max3A_1128, %select_n3A_1097 : vector<16xf32>
      %min3A_1130 = vector.broadcast %jit3A_1127 : f32 to vector<16xf32>
      %min3A_1131 = arith.minimumf %min3A_1130, %max3A_1129 : vector<16xf32>
      %convert_element_type3A_1132 = arith.fptosi %min3A_1131 : vector<16xf32> to vector<16xi32>
      %jit3A_1133 = arith.constant 0.000000e+00 : f32
      %jit3A_1134 = arith.constant 6.300000e+01 : f32
      %max3A_1135 = vector.broadcast %jit3A_1133 : f32 to vector<16xf32>
      %max3A_1136 = arith.maximumf %max3A_1135, %add3A_1101 : vector<16xf32>
      %min3A_1137 = vector.broadcast %jit3A_1134 : f32 to vector<16xf32>
      %min3A_1138 = arith.minimumf %min3A_1137, %max3A_1136 : vector<16xf32>
      %convert_element_type3A_1139 = arith.fptosi %min3A_1138 : vector<16xf32> to vector<16xi32>
      %add3A_1140 = arith.constant 1.000000e+00 : f32
      %add3A_1141 = vector.broadcast %add3A_1140 : f32 to vector<16xf32>
      %add3A_1142 = arith.addf %add3A_1084, %add3A_1141 : vector<16xf32>
      %mul3A_1143 = arith.constant 3.150000e+01 : f32
      %mul3A_1144 = vector.broadcast %mul3A_1143 : f32 to vector<16xf32>
      %mul3A_1145 = arith.mulf %add3A_1142, %mul3A_1144 : vector<16xf32>
      %convert_element_type3A_1146 = arith.fptosi %mul3A_1145 : vector<16xf32> to vector<16xi32>
      %convert_element_type3A_1147 = arith.sitofp %convert_element_type3A_1146 : vector<16xi32> to vector<16xf32>
      %gt3A_1148 = arith.cmpf ogt, %convert_element_type3A_1147, %mul3A_1145 : vector<16xf32>
      %sub3A_1149 = arith.constant 1.000000e+00 : f32
      %sub3A_1150 = vector.broadcast %sub3A_1149 : f32 to vector<16xf32>
      %sub3A_1151 = arith.subf %convert_element_type3A_1147, %sub3A_1150 : vector<16xf32>
      %select_n3A_1152 = arith.select %gt3A_1148, %sub3A_1151, %convert_element_type3A_1147 : vector<16xi1>, vector<16xf32>
      %sub3A_1153 = arith.subf %mul3A_1145, %select_n3A_1152 : vector<16xf32>
      %add3A_1154 = arith.constant 1.000000e+00 : f32
      %add3A_1155 = vector.broadcast %add3A_1154 : f32 to vector<16xf32>
      %add3A_1156 = arith.addf %select_n3A_1152, %add3A_1155 : vector<16xf32>
      %ge3A_1157 = arith.constant 0.000000e+00 : f32
      %ge3A_1158 = vector.broadcast %ge3A_1157 : f32 to vector<16xf32>
      %ge3A_1159 = arith.cmpf oge, %select_n3A_1152, %ge3A_1158 : vector<16xf32>
      %le3A_1160 = arith.constant 6.300000e+01 : f32
      %le3A_1161 = vector.broadcast %le3A_1160 : f32 to vector<16xf32>
      %le3A_1162 = arith.cmpf ole, %select_n3A_1152, %le3A_1161 : vector<16xf32>
      %and3A_1163 = arith.andi %ge3A_1159, %le3A_1162 : vector<16xi1>
      %jit3A_1164 = arith.constant 1.000000e+00 : f32
      %jit3A_1165 = arith.constant 0.000000e+00 : f32
      %broadcast_in_dim3A_1166 = vector.broadcast %jit3A_1164 : f32 to vector<16xf32>
      %broadcast_in_dim3A_1167 = vector.broadcast %jit3A_1165 : f32 to vector<16xf32>
      %select_n3A_1168 = arith.select %and3A_1163, %broadcast_in_dim3A_1166, %broadcast_in_dim3A_1167 : vector<16xi1>, vector<16xf32>
      %ge3A_1169 = arith.constant 0.000000e+00 : f32
      %ge3A_1170 = vector.broadcast %ge3A_1169 : f32 to vector<16xf32>
      %ge3A_1171 = arith.cmpf oge, %add3A_1156, %ge3A_1170 : vector<16xf32>
      %le3A_1172 = arith.constant 6.300000e+01 : f32
      %le3A_1173 = vector.broadcast %le3A_1172 : f32 to vector<16xf32>
      %le3A_1174 = arith.cmpf ole, %add3A_1156, %le3A_1173 : vector<16xf32>
      %and3A_1175 = arith.andi %ge3A_1171, %le3A_1174 : vector<16xi1>
      %jit3A_1176 = arith.constant 1.000000e+00 : f32
      %jit3A_1177 = arith.constant 0.000000e+00 : f32
      %broadcast_in_dim3A_1178 = vector.broadcast %jit3A_1176 : f32 to vector<16xf32>
      %broadcast_in_dim3A_1179 = vector.broadcast %jit3A_1177 : f32 to vector<16xf32>
      %select_n3A_1180 = arith.select %and3A_1175, %broadcast_in_dim3A_1178, %broadcast_in_dim3A_1179 : vector<16xi1>, vector<16xf32>
      %jit3A_1181 = arith.constant 0.000000e+00 : f32
      %jit3A_1182 = arith.constant 6.300000e+01 : f32
      %max3A_1183 = vector.broadcast %jit3A_1181 : f32 to vector<16xf32>
      %max3A_1184 = arith.maximumf %max3A_1183, %select_n3A_1152 : vector<16xf32>
      %min3A_1185 = vector.broadcast %jit3A_1182 : f32 to vector<16xf32>
      %min3A_1186 = arith.minimumf %min3A_1185, %max3A_1184 : vector<16xf32>
      %convert_element_type3A_1187 = arith.fptosi %min3A_1186 : vector<16xf32> to vector<16xi32>
      %jit3A_1188 = arith.constant 0.000000e+00 : f32
      %jit3A_1189 = arith.constant 6.300000e+01 : f32
      %max3A_1190 = vector.broadcast %jit3A_1188 : f32 to vector<16xf32>
      %max3A_1191 = arith.maximumf %max3A_1190, %add3A_1156 : vector<16xf32>
      %min3A_1192 = vector.broadcast %jit3A_1189 : f32 to vector<16xf32>
      %min3A_1193 = arith.minimumf %min3A_1192, %max3A_1191 : vector<16xf32>
      %convert_element_type3A_1194 = arith.fptosi %min3A_1193 : vector<16xf32> to vector<16xi32>
      %sub3A_1195 = arith.constant 1.000000e+00 : f32
      %sub3A_1196 = vector.broadcast %sub3A_1195 : f32 to vector<16xf32>
      %sub3A_1197 = arith.subf %sub3A_1196, %sub3A_1098 : vector<16xf32>
      %sub3A_1198 = arith.constant 1.000000e+00 : f32
      %sub3A_1199 = vector.broadcast %sub3A_1198 : f32 to vector<16xf32>
      %sub3A_1200 = arith.subf %sub3A_1199, %sub3A_1153 : vector<16xf32>
      %mul3A_1201 = arith.constant 160 : i32
      %mul3A_1202 = arith.muli %scan3A_12, %mul3A_1201 : i32
      %add3A_1203 = arith.constant 32 : i32
      %add3A_1204 = arith.addi %mul3A_1202, %add3A_1203 : i32
      %add3A_1205 = arith.constant 16 : i32
      %add3A_1206 = arith.addi %add3A_1204, %add3A_1205 : i32
      %mul3A_1207 = arith.constant 64 : i32
      %mul3A_1208 = vector.broadcast %mul3A_1207 : i32 to vector<16xi32>
      %mul3A_1209 = arith.muli %convert_element_type3A_1187, %mul3A_1208 : vector<16xi32>
      %add3A_1210 = arith.addi %mul3A_1209, %convert_element_type3A_1132 : vector<16xi32>
      %swap3A_1211 = arith.index_cast %add3A_1206 : i32 to index
      %swap3A_1212 = tpu.vector_load %arg16[%swap3A_1211] {strides = array<i32>} : memref<5120xi32, #tpu.memory_space<vmem>>, vector<16xi32>,
      tpu.vector_store %arg16[%swap3A_1211], %add3A_1210 {strides = array<i32>} : memref<5120xi32, #tpu.memory_space<vmem>>, vector<16xi32>,
      %mul3A_1213 = arith.constant 64 : i32
      %mul3A_1214 = vector.broadcast %mul3A_1213 : i32 to vector<16xi32>
      %mul3A_1215 = arith.muli %convert_element_type3A_1194, %mul3A_1214 : vector<16xi32>
      %add3A_1216 = arith.addi %mul3A_1215, %convert_element_type3A_1132 : vector<16xi32>
      %swap3A_1217 = arith.index_cast %add3A_1206 : i32 to index
      %swap3A_1218 = tpu.vector_load %arg17[%swap3A_1217] {strides = array<i32>} : memref<5120xi32, #tpu.memory_space<vmem>>, vector<16xi32>,
      tpu.vector_store %arg17[%swap3A_1217], %add3A_1216 {strides = array<i32>} : memref<5120xi32, #tpu.memory_space<vmem>>, vector<16xi32>,
      %mul3A_1219 = arith.constant 64 : i32
      %mul3A_1220 = vector.broadcast %mul3A_1219 : i32 to vector<16xi32>
      %mul3A_1221 = arith.muli %convert_element_type3A_1187, %mul3A_1220 : vector<16xi32>
      %add3A_1222 = arith.addi %mul3A_1221, %convert_element_type3A_1139 : vector<16xi32>
      %swap3A_1223 = arith.index_cast %add3A_1206 : i32 to index
      %swap3A_1224 = tpu.vector_load %arg18[%swap3A_1223] {strides = array<i32>} : memref<5120xi32, #tpu.memory_space<vmem>>, vector<16xi32>,
      tpu.vector_store %arg18[%swap3A_1223], %add3A_1222 {strides = array<i32>} : memref<5120xi32, #tpu.memory_space<vmem>>, vector<16xi32>,
      %mul3A_1225 = arith.constant 64 : i32
      %mul3A_1226 = vector.broadcast %mul3A_1225 : i32 to vector<16xi32>
      %mul3A_1227 = arith.muli %convert_element_type3A_1194, %mul3A_1226 : vector<16xi32>
      %add3A_1228 = arith.addi %mul3A_1227, %convert_element_type3A_1139 : vector<16xi32>
      %swap3A_1229 = arith.index_cast %add3A_1206 : i32 to index
      %swap3A_1230 = tpu.vector_load %arg19[%swap3A_1229] {strides = array<i32>} : memref<5120xi32, #tpu.memory_space<vmem>>, vector<16xi32>,
      tpu.vector_store %arg19[%swap3A_1229], %add3A_1228 {strides = array<i32>} : memref<5120xi32, #tpu.memory_space<vmem>>, vector<16xi32>,
      %mul3A_1231 = arith.mulf %sub3A_1197, %sub3A_1200 : vector<16xf32>
      %mul3A_1232 = arith.mulf %select_n3A_1113, %select_n3A_1168 : vector<16xf32>
      %mul3A_1233 = arith.mulf %mul3A_1231, %mul3A_1232 : vector<16xf32>
      %swap3A_1234 = arith.index_cast %add3A_1206 : i32 to index
      %swap3A_1235 = tpu.vector_load %arg20[%swap3A_1234] {strides = array<i32>} : memref<5120xf32, #tpu.memory_space<vmem>>, vector<16xf32>,
      tpu.vector_store %arg20[%swap3A_1234], %mul3A_1233 {strides = array<i32>} : memref<5120xf32, #tpu.memory_space<vmem>>, vector<16xf32>,
      %mul3A_1236 = arith.mulf %sub3A_1197, %sub3A_1153 : vector<16xf32>
      %mul3A_1237 = arith.mulf %select_n3A_1113, %select_n3A_1180 : vector<16xf32>
      %mul3A_1238 = arith.mulf %mul3A_1236, %mul3A_1237 : vector<16xf32>
      %swap3A_1239 = arith.index_cast %add3A_1206 : i32 to index
      %swap3A_1240 = tpu.vector_load %arg21[%swap3A_1239] {strides = array<i32>} : memref<5120xf32, #tpu.memory_space<vmem>>, vector<16xf32>,
      tpu.vector_store %arg21[%swap3A_1239], %mul3A_1238 {strides = array<i32>} : memref<5120xf32, #tpu.memory_space<vmem>>, vector<16xf32>,
      %mul3A_1241 = arith.mulf %sub3A_1098, %sub3A_1200 : vector<16xf32>
      %mul3A_1242 = arith.mulf %select_n3A_1125, %select_n3A_1168 : vector<16xf32>
      %mul3A_1243 = arith.mulf %mul3A_1241, %mul3A_1242 : vector<16xf32>
      %swap3A_1244 = arith.index_cast %add3A_1206 : i32 to index
      %swap3A_1245 = tpu.vector_load %arg22[%swap3A_1244] {strides = array<i32>} : memref<5120xf32, #tpu.memory_space<vmem>>, vector<16xf32>,
      tpu.vector_store %arg22[%swap3A_1244], %mul3A_1243 {strides = array<i32>} : memref<5120xf32, #tpu.memory_space<vmem>>, vector<16xf32>,
      %mul3A_1246 = arith.mulf %sub3A_1098, %sub3A_1153 : vector<16xf32>
      %mul3A_1247 = arith.mulf %select_n3A_1125, %select_n3A_1180 : vector<16xf32>
      %mul3A_1248 = arith.mulf %mul3A_1246, %mul3A_1247 : vector<16xf32>
      %swap3A_1249 = arith.index_cast %add3A_1206 : i32 to index
      %swap3A_1250 = tpu.vector_load %arg23[%swap3A_1249] {strides = array<i32>} : memref<5120xf32, #tpu.memory_space<vmem>>, vector<16xf32>,
      tpu.vector_store %arg23[%swap3A_1249], %mul3A_1248 {strides = array<i32>} : memref<5120xf32, #tpu.memory_space<vmem>>, vector<16xf32>,
      %get3A_1251 = arith.index_cast %scan3A_12 : i32 to index
      %get3A_1252 = arith.constant 16 : index
      %get3A_1253 = tpu.vector_load %arg14[%get3A_1251, %get3A_1252] {strides = array<i32>} : memref<32x32xf32, #tpu.memory_space<vmem>>, vector<16xf32>,
      %get3A_1254 = arith.index_cast %scan3A_12 : i32 to index
      %get3A_1255 = arith.constant 16 : index
      %get3A_1256 = tpu.vector_load %arg15[%get3A_1254, %get3A_1255] {strides = array<i32>} : memref<32x32xf32, #tpu.memory_space<vmem>>, vector<16xf32>,
      %add3A_1257 = arith.constant 1.000000e+00 : f32
      %add3A_1258 = vector.broadcast %add3A_1257 : f32 to vector<16xf32>
      %add3A_1259 = arith.addf %get3A_1253, %add3A_1258 : vector<16xf32>
      %mul3A_1260 = arith.constant 3.150000e+01 : f32
      %mul3A_1261 = vector.broadcast %mul3A_1260 : f32 to vector<16xf32>
      %mul3A_1262 = arith.mulf %add3A_1259, %mul3A_1261 : vector<16xf32>
      %convert_element_type3A_1263 = arith.fptosi %mul3A_1262 : vector<16xf32> to vector<16xi32>
      %convert_element_type3A_1264 = arith.sitofp %convert_element_type3A_1263 : vector<16xi32> to vector<16xf32>
      %gt3A_1265 = arith.cmpf ogt, %convert_element_type3A_1264, %mul3A_1262 : vector<16xf32>
      %sub3A_1266 = arith.constant 1.000000e+00 : f32
      %sub3A_1267 = vector.broadcast %sub3A_1266 : f32 to vector<16xf32>
      %sub3A_1268 = arith.subf %convert_element_type3A_1264, %sub3A_1267 : vector<16xf32>
      %select_n3A_1269 = arith.select %gt3A_1265, %sub3A_1268, %convert_element_type3A_1264 : vector<16xi1>, vector<16xf32>
      %sub3A_1270 = arith.subf %mul3A_1262, %select_n3A_1269 : vector<16xf32>
      %add3A_1271 = arith.constant 1.000000e+00 : f32
      %add3A_1272 = vector.broadcast %add3A_1271 : f32 to vector<16xf32>
      %add3A_1273 = arith.addf %select_n3A_1269, %add3A_1272 : vector<16xf32>
      %ge3A_1274 = arith.constant 0.000000e+00 : f32
      %ge3A_1275 = vector.broadcast %ge3A_1274 : f32 to vector<16xf32>
      %ge3A_1276 = arith.cmpf oge, %select_n3A_1269, %ge3A_1275 : vector<16xf32>
      %le3A_1277 = arith.constant 6.300000e+01 : f32
      %le3A_1278 = vector.broadcast %le3A_1277 : f32 to vector<16xf32>
      %le3A_1279 = arith.cmpf ole, %select_n3A_1269, %le3A_1278 : vector<16xf32>
      %and3A_1280 = arith.andi %ge3A_1276, %le3A_1279 : vector<16xi1>
      %jit3A_1281 = arith.constant 1.000000e+00 : f32
      %jit3A_1282 = arith.constant 0.000000e+00 : f32
      %broadcast_in_dim3A_1283 = vector.broadcast %jit3A_1281 : f32 to vector<16xf32>
      %broadcast_in_dim3A_1284 = vector.broadcast %jit3A_1282 : f32 to vector<16xf32>
      %select_n3A_1285 = arith.select %and3A_1280, %broadcast_in_dim3A_1283, %broadcast_in_dim3A_1284 : vector<16xi1>, vector<16xf32>
      %ge3A_1286 = arith.constant 0.000000e+00 : f32
      %ge3A_1287 = vector.broadcast %ge3A_1286 : f32 to vector<16xf32>
      %ge3A_1288 = arith.cmpf oge, %add3A_1273, %ge3A_1287 : vector<16xf32>
      %le3A_1289 = arith.constant 6.300000e+01 : f32
      %le3A_1290 = vector.broadcast %le3A_1289 : f32 to vector<16xf32>
      %le3A_1291 = arith.cmpf ole, %add3A_1273, %le3A_1290 : vector<16xf32>
      %and3A_1292 = arith.andi %ge3A_1288, %le3A_1291 : vector<16xi1>
      %jit3A_1293 = arith.constant 1.000000e+00 : f32
      %jit3A_1294 = arith.constant 0.000000e+00 : f32
      %broadcast_in_dim3A_1295 = vector.broadcast %jit3A_1293 : f32 to vector<16xf32>
      %broadcast_in_dim3A_1296 = vector.broadcast %jit3A_1294 : f32 to vector<16xf32>
      %select_n3A_1297 = arith.select %and3A_1292, %broadcast_in_dim3A_1295, %broadcast_in_dim3A_1296 : vector<16xi1>, vector<16xf32>
      %jit3A_1298 = arith.constant 0.000000e+00 : f32
      %jit3A_1299 = arith.constant 6.300000e+01 : f32
      %max3A_1300 = vector.broadcast %jit3A_1298 : f32 to vector<16xf32>
      %max3A_1301 = arith.maximumf %max3A_1300, %select_n3A_1269 : vector<16xf32>
      %min3A_1302 = vector.broadcast %jit3A_1299 : f32 to vector<16xf32>
      %min3A_1303 = arith.minimumf %min3A_1302, %max3A_1301 : vector<16xf32>
      %convert_element_type3A_1304 = arith.fptosi %min3A_1303 : vector<16xf32> to vector<16xi32>
      %jit3A_1305 = arith.constant 0.000000e+00 : f32
      %jit3A_1306 = arith.constant 6.300000e+01 : f32
      %max3A_1307 = vector.broadcast %jit3A_1305 : f32 to vector<16xf32>
      %max3A_1308 = arith.maximumf %max3A_1307, %add3A_1273 : vector<16xf32>
      %min3A_1309 = vector.broadcast %jit3A_1306 : f32 to vector<16xf32>
      %min3A_1310 = arith.minimumf %min3A_1309, %max3A_1308 : vector<16xf32>
      %convert_element_type3A_1311 = arith.fptosi %min3A_1310 : vector<16xf32> to vector<16xi32>
      %add3A_1312 = arith.constant 1.000000e+00 : f32
      %add3A_1313 = vector.broadcast %add3A_1312 : f32 to vector<16xf32>
      %add3A_1314 = arith.addf %get3A_1256, %add3A_1313 : vector<16xf32>
      %mul3A_1315 = arith.constant 3.150000e+01 : f32
      %mul3A_1316 = vector.broadcast %mul3A_1315 : f32 to vector<16xf32>
      %mul3A_1317 = arith.mulf %add3A_1314, %mul3A_1316 : vector<16xf32>
      %convert_element_type3A_1318 = arith.fptosi %mul3A_1317 : vector<16xf32> to vector<16xi32>
      %convert_element_type3A_1319 = arith.sitofp %convert_element_type3A_1318 : vector<16xi32> to vector<16xf32>
      %gt3A_1320 = arith.cmpf ogt, %convert_element_type3A_1319, %mul3A_1317 : vector<16xf32>
      %sub3A_1321 = arith.constant 1.000000e+00 : f32
      %sub3A_1322 = vector.broadcast %sub3A_1321 : f32 to vector<16xf32>
      %sub3A_1323 = arith.subf %convert_element_type3A_1319, %sub3A_1322 : vector<16xf32>
      %select_n3A_1324 = arith.select %gt3A_1320, %sub3A_1323, %convert_element_type3A_1319 : vector<16xi1>, vector<16xf32>
      %sub3A_1325 = arith.subf %mul3A_1317, %select_n3A_1324 : vector<16xf32>
      %add3A_1326 = arith.constant 1.000000e+00 : f32
      %add3A_1327 = vector.broadcast %add3A_1326 : f32 to vector<16xf32>
      %add3A_1328 = arith.addf %select_n3A_1324, %add3A_1327 : vector<16xf32>
      %ge3A_1329 = arith.constant 0.000000e+00 : f32
      %ge3A_1330 = vector.broadcast %ge3A_1329 : f32 to vector<16xf32>
      %ge3A_1331 = arith.cmpf oge, %select_n3A_1324, %ge3A_1330 : vector<16xf32>
      %le3A_1332 = arith.constant 6.300000e+01 : f32
      %le3A_1333 = vector.broadcast %le3A_1332 : f32 to vector<16xf32>
      %le3A_1334 = arith.cmpf ole, %select_n3A_1324, %le3A_1333 : vector<16xf32>
      %and3A_1335 = arith.andi %ge3A_1331, %le3A_1334 : vector<16xi1>
      %jit3A_1336 = arith.constant 1.000000e+00 : f32
      %jit3A_1337 = arith.constant 0.000000e+00 : f32
      %broadcast_in_dim3A_1338 = vector.broadcast %jit3A_1336 : f32 to vector<16xf32>
      %broadcast_in_dim3A_1339 = vector.broadcast %jit3A_1337 : f32 to vector<16xf32>
      %select_n3A_1340 = arith.select %and3A_1335, %broadcast_in_dim3A_1338, %broadcast_in_dim3A_1339 : vector<16xi1>, vector<16xf32>
      %ge3A_1341 = arith.constant 0.000000e+00 : f32
      %ge3A_1342 = vector.broadcast %ge3A_1341 : f32 to vector<16xf32>
      %ge3A_1343 = arith.cmpf oge, %add3A_1328, %ge3A_1342 : vector<16xf32>
      %le3A_1344 = arith.constant 6.300000e+01 : f32
      %le3A_1345 = vector.broadcast %le3A_1344 : f32 to vector<16xf32>
      %le3A_1346 = arith.cmpf ole, %add3A_1328, %le3A_1345 : vector<16xf32>
      %and3A_1347 = arith.andi %ge3A_1343, %le3A_1346 : vector<16xi1>
      %jit3A_1348 = arith.constant 1.000000e+00 : f32
      %jit3A_1349 = arith.constant 0.000000e+00 : f32
      %broadcast_in_dim3A_1350 = vector.broadcast %jit3A_1348 : f32 to vector<16xf32>
      %broadcast_in_dim3A_1351 = vector.broadcast %jit3A_1349 : f32 to vector<16xf32>
      %select_n3A_1352 = arith.select %and3A_1347, %broadcast_in_dim3A_1350, %broadcast_in_dim3A_1351 : vector<16xi1>, vector<16xf32>
      %jit3A_1353 = arith.constant 0.000000e+00 : f32
      %jit3A_1354 = arith.constant 6.300000e+01 : f32
      %max3A_1355 = vector.broadcast %jit3A_1353 : f32 to vector<16xf32>
      %max3A_1356 = arith.maximumf %max3A_1355, %select_n3A_1324 : vector<16xf32>
      %min3A_1357 = vector.broadcast %jit3A_1354 : f32 to vector<16xf32>
      %min3A_1358 = arith.minimumf %min3A_1357, %max3A_1356 : vector<16xf32>
      %convert_element_type3A_1359 = arith.fptosi %min3A_1358 : vector<16xf32> to vector<16xi32>
      %jit3A_1360 = arith.constant 0.000000e+00 : f32
      %jit3A_1361 = arith.constant 6.300000e+01 : f32
      %max3A_1362 = vector.broadcast %jit3A_1360 : f32 to vector<16xf32>
      %max3A_1363 = arith.maximumf %max3A_1362, %add3A_1328 : vector<16xf32>
      %min3A_1364 = vector.broadcast %jit3A_1361 : f32 to vector<16xf32>
      %min3A_1365 = arith.minimumf %min3A_1364, %max3A_1363 : vector<16xf32>
      %convert_element_type3A_1366 = arith.fptosi %min3A_1365 : vector<16xf32> to vector<16xi32>
      %sub3A_1367 = arith.constant 1.000000e+00 : f32
      %sub3A_1368 = vector.broadcast %sub3A_1367 : f32 to vector<16xf32>
      %sub3A_1369 = arith.subf %sub3A_1368, %sub3A_1270 : vector<16xf32>
      %sub3A_1370 = arith.constant 1.000000e+00 : f32
      %sub3A_1371 = vector.broadcast %sub3A_1370 : f32 to vector<16xf32>
      %sub3A_1372 = arith.subf %sub3A_1371, %sub3A_1325 : vector<16xf32>
      %mul3A_1373 = arith.constant 160 : i32
      %mul3A_1374 = arith.muli %scan3A_12, %mul3A_1373 : i32
      %add3A_1375 = arith.constant 64 : i32
      %add3A_1376 = arith.addi %mul3A_1374, %add3A_1375 : i32
      %add3A_1377 = arith.constant 16 : i32
      %add3A_1378 = arith.addi %add3A_1376, %add3A_1377 : i32
      %mul3A_1379 = arith.constant 64 : i32
      %mul3A_1380 = vector.broadcast %mul3A_1379 : i32 to vector<16xi32>
      %mul3A_1381 = arith.muli %convert_element_type3A_1359, %mul3A_1380 : vector<16xi32>
      %add3A_1382 = arith.addi %mul3A_1381, %convert_element_type3A_1304 : vector<16xi32>
      %swap3A_1383 = arith.index_cast %add3A_1378 : i32 to index
      %swap3A_1384 = tpu.vector_load %arg16[%swap3A_1383] {strides = array<i32>} : memref<5120xi32, #tpu.memory_space<vmem>>, vector<16xi32>,
      tpu.vector_store %arg16[%swap3A_1383], %add3A_1382 {strides = array<i32>} : memref<5120xi32, #tpu.memory_space<vmem>>, vector<16xi32>,
      %mul3A_1385 = arith.constant 64 : i32
      %mul3A_1386 = vector.broadcast %mul3A_1385 : i32 to vector<16xi32>
      %mul3A_1387 = arith.muli %convert_element_type3A_1366, %mul3A_1386 : vector<16xi32>
      %add3A_1388 = arith.addi %mul3A_1387, %convert_element_type3A_1304 : vector<16xi32>
      %swap3A_1389 = arith.index_cast %add3A_1378 : i32 to index
      %swap3A_1390 = tpu.vector_load %arg17[%swap3A_1389] {strides = array<i32>} : memref<5120xi32, #tpu.memory_space<vmem>>, vector<16xi32>,
      tpu.vector_store %arg17[%swap3A_1389], %add3A_1388 {strides = array<i32>} : memref<5120xi32, #tpu.memory_space<vmem>>, vector<16xi32>,
      %mul3A_1391 = arith.constant 64 : i32
      %mul3A_1392 = vector.broadcast %mul3A_1391 : i32 to vector<16xi32>
      %mul3A_1393 = arith.muli %convert_element_type3A_1359, %mul3A_1392 : vector<16xi32>
      %add3A_1394 = arith.addi %mul3A_1393, %convert_element_type3A_1311 : vector<16xi32>
      %swap3A_1395 = arith.index_cast %add3A_1378 : i32 to index
      %swap3A_1396 = tpu.vector_load %arg18[%swap3A_1395] {strides = array<i32>} : memref<5120xi32, #tpu.memory_space<vmem>>, vector<16xi32>,
      tpu.vector_store %arg18[%swap3A_1395], %add3A_1394 {strides = array<i32>} : memref<5120xi32, #tpu.memory_space<vmem>>, vector<16xi32>,
      %mul3A_1397 = arith.constant 64 : i32
      %mul3A_1398 = vector.broadcast %mul3A_1397 : i32 to vector<16xi32>
      %mul3A_1399 = arith.muli %convert_element_type3A_1366, %mul3A_1398 : vector<16xi32>
      %add3A_1400 = arith.addi %mul3A_1399, %convert_element_type3A_1311 : vector<16xi32>
      %swap3A_1401 = arith.index_cast %add3A_1378 : i32 to index
      %swap3A_1402 = tpu.vector_load %arg19[%swap3A_1401] {strides = array<i32>} : memref<5120xi32, #tpu.memory_space<vmem>>, vector<16xi32>,
      tpu.vector_store %arg19[%swap3A_1401], %add3A_1400 {strides = array<i32>} : memref<5120xi32, #tpu.memory_space<vmem>>, vector<16xi32>,
      %mul3A_1403 = arith.mulf %sub3A_1369, %sub3A_1372 : vector<16xf32>
      %mul3A_1404 = arith.mulf %select_n3A_1285, %select_n3A_1340 : vector<16xf32>
      %mul3A_1405 = arith.mulf %mul3A_1403, %mul3A_1404 : vector<16xf32>
      %swap3A_1406 = arith.index_cast %add3A_1378 : i32 to index
      %swap3A_1407 = tpu.vector_load %arg20[%swap3A_1406] {strides = array<i32>} : memref<5120xf32, #tpu.memory_space<vmem>>, vector<16xf32>,
      tpu.vector_store %arg20[%swap3A_1406], %mul3A_1405 {strides = array<i32>} : memref<5120xf32, #tpu.memory_space<vmem>>, vector<16xf32>,
      %mul3A_1408 = arith.mulf %sub3A_1369, %sub3A_1325 : vector<16xf32>
      %mul3A_1409 = arith.mulf %select_n3A_1285, %select_n3A_1352 : vector<16xf32>
      %mul3A_1410 = arith.mulf %mul3A_1408, %mul3A_1409 : vector<16xf32>
      %swap3A_1411 = arith.index_cast %add3A_1378 : i32 to index
      %swap3A_1412 = tpu.vector_load %arg21[%swap3A_1411] {strides = array<i32>} : memref<5120xf32, #tpu.memory_space<vmem>>, vector<16xf32>,
      tpu.vector_store %arg21[%swap3A_1411], %mul3A_1410 {strides = array<i32>} : memref<5120xf32, #tpu.memory_space<vmem>>, vector<16xf32>,
      %mul3A_1413 = arith.mulf %sub3A_1270, %sub3A_1372 : vector<16xf32>
      %mul3A_1414 = arith.mulf %select_n3A_1297, %select_n3A_1340 : vector<16xf32>
      %mul3A_1415 = arith.mulf %mul3A_1413, %mul3A_1414 : vector<16xf32>
      %swap3A_1416 = arith.index_cast %add3A_1378 : i32 to index
      %swap3A_1417 = tpu.vector_load %arg22[%swap3A_1416] {strides = array<i32>} : memref<5120xf32, #tpu.memory_space<vmem>>, vector<16xf32>,
      tpu.vector_store %arg22[%swap3A_1416], %mul3A_1415 {strides = array<i32>} : memref<5120xf32, #tpu.memory_space<vmem>>, vector<16xf32>,
      %mul3A_1418 = arith.mulf %sub3A_1270, %sub3A_1325 : vector<16xf32>
      %mul3A_1419 = arith.mulf %select_n3A_1297, %select_n3A_1352 : vector<16xf32>
      %mul3A_1420 = arith.mulf %mul3A_1418, %mul3A_1419 : vector<16xf32>
      %swap3A_1421 = arith.index_cast %add3A_1378 : i32 to index
      %swap3A_1422 = tpu.vector_load %arg23[%swap3A_1421] {strides = array<i32>} : memref<5120xf32, #tpu.memory_space<vmem>>, vector<16xf32>,
      tpu.vector_store %arg23[%swap3A_1421], %mul3A_1420 {strides = array<i32>} : memref<5120xf32, #tpu.memory_space<vmem>>, vector<16xf32>,
      %sub3A_1423 = arith.subf %get3A_895, %get3A_889 : vector<16xf32>
      %mul3A_1424 = arith.constant 7.500000e-01 : f32
      %mul3A_1425 = vector.broadcast %mul3A_1424 : f32 to vector<16xf32>
      %mul3A_1426 = arith.mulf %sub3A_1423, %mul3A_1425 : vector<16xf32>
      %add3A_1427 = arith.addf %get3A_889, %mul3A_1426 : vector<16xf32>
      %sub3A_1428 = arith.subf %get3A_898, %get3A_892 : vector<16xf32>
      %mul3A_1429 = arith.constant 7.500000e-01 : f32
      %mul3A_1430 = vector.broadcast %mul3A_1429 : f32 to vector<16xf32>
      %mul3A_1431 = arith.mulf %sub3A_1428, %mul3A_1430 : vector<16xf32>
      %add3A_1432 = arith.addf %get3A_892, %mul3A_1431 : vector<16xf32>
      %add3A_1433 = arith.constant 1.000000e+00 : f32
      %add3A_1434 = vector.broadcast %add3A_1433 : f32 to vector<16xf32>
      %add3A_1435 = arith.addf %add3A_1427, %add3A_1434 : vector<16xf32>
      %mul3A_1436 = arith.constant 3.150000e+01 : f32
      %mul3A_1437 = vector.broadcast %mul3A_1436 : f32 to vector<16xf32>
      %mul3A_1438 = arith.mulf %add3A_1435, %mul3A_1437 : vector<16xf32>
      %convert_element_type3A_1439 = arith.fptosi %mul3A_1438 : vector<16xf32> to vector<16xi32>
      %convert_element_type3A_1440 = arith.sitofp %convert_element_type3A_1439 : vector<16xi32> to vector<16xf32>
      %gt3A_1441 = arith.cmpf ogt, %convert_element_type3A_1440, %mul3A_1438 : vector<16xf32>
      %sub3A_1442 = arith.constant 1.000000e+00 : f32
      %sub3A_1443 = vector.broadcast %sub3A_1442 : f32 to vector<16xf32>
      %sub3A_1444 = arith.subf %convert_element_type3A_1440, %sub3A_1443 : vector<16xf32>
      %select_n3A_1445 = arith.select %gt3A_1441, %sub3A_1444, %convert_element_type3A_1440 : vector<16xi1>, vector<16xf32>
      %sub3A_1446 = arith.subf %mul3A_1438, %select_n3A_1445 : vector<16xf32>
      %add3A_1447 = arith.constant 1.000000e+00 : f32
      %add3A_1448 = vector.broadcast %add3A_1447 : f32 to vector<16xf32>
      %add3A_1449 = arith.addf %select_n3A_1445, %add3A_1448 : vector<16xf32>
      %ge3A_1450 = arith.constant 0.000000e+00 : f32
      %ge3A_1451 = vector.broadcast %ge3A_1450 : f32 to vector<16xf32>
      %ge3A_1452 = arith.cmpf oge, %select_n3A_1445, %ge3A_1451 : vector<16xf32>
      %le3A_1453 = arith.constant 6.300000e+01 : f32
      %le3A_1454 = vector.broadcast %le3A_1453 : f32 to vector<16xf32>
      %le3A_1455 = arith.cmpf ole, %select_n3A_1445, %le3A_1454 : vector<16xf32>
      %and3A_1456 = arith.andi %ge3A_1452, %le3A_1455 : vector<16xi1>
      %jit3A_1457 = arith.constant 1.000000e+00 : f32
      %jit3A_1458 = arith.constant 0.000000e+00 : f32
      %broadcast_in_dim3A_1459 = vector.broadcast %jit3A_1457 : f32 to vector<16xf32>
      %broadcast_in_dim3A_1460 = vector.broadcast %jit3A_1458 : f32 to vector<16xf32>
      %select_n3A_1461 = arith.select %and3A_1456, %broadcast_in_dim3A_1459, %broadcast_in_dim3A_1460 : vector<16xi1>, vector<16xf32>
      %ge3A_1462 = arith.constant 0.000000e+00 : f32
      %ge3A_1463 = vector.broadcast %ge3A_1462 : f32 to vector<16xf32>
      %ge3A_1464 = arith.cmpf oge, %add3A_1449, %ge3A_1463 : vector<16xf32>
      %le3A_1465 = arith.constant 6.300000e+01 : f32
      %le3A_1466 = vector.broadcast %le3A_1465 : f32 to vector<16xf32>
      %le3A_1467 = arith.cmpf ole, %add3A_1449, %le3A_1466 : vector<16xf32>
      %and3A_1468 = arith.andi %ge3A_1464, %le3A_1467 : vector<16xi1>
      %jit3A_1469 = arith.constant 1.000000e+00 : f32
      %jit3A_1470 = arith.constant 0.000000e+00 : f32
      %broadcast_in_dim3A_1471 = vector.broadcast %jit3A_1469 : f32 to vector<16xf32>
      %broadcast_in_dim3A_1472 = vector.broadcast %jit3A_1470 : f32 to vector<16xf32>
      %select_n3A_1473 = arith.select %and3A_1468, %broadcast_in_dim3A_1471, %broadcast_in_dim3A_1472 : vector<16xi1>, vector<16xf32>
      %jit3A_1474 = arith.constant 0.000000e+00 : f32
      %jit3A_1475 = arith.constant 6.300000e+01 : f32
      %max3A_1476 = vector.broadcast %jit3A_1474 : f32 to vector<16xf32>
      %max3A_1477 = arith.maximumf %max3A_1476, %select_n3A_1445 : vector<16xf32>
      %min3A_1478 = vector.broadcast %jit3A_1475 : f32 to vector<16xf32>
      %min3A_1479 = arith.minimumf %min3A_1478, %max3A_1477 : vector<16xf32>
      %convert_element_type3A_1480 = arith.fptosi %min3A_1479 : vector<16xf32> to vector<16xi32>
      %jit3A_1481 = arith.constant 0.000000e+00 : f32
      %jit3A_1482 = arith.constant 6.300000e+01 : f32
      %max3A_1483 = vector.broadcast %jit3A_1481 : f32 to vector<16xf32>
      %max3A_1484 = arith.maximumf %max3A_1483, %add3A_1449 : vector<16xf32>
      %min3A_1485 = vector.broadcast %jit3A_1482 : f32 to vector<16xf32>
      %min3A_1486 = arith.minimumf %min3A_1485, %max3A_1484 : vector<16xf32>
      %convert_element_type3A_1487 = arith.fptosi %min3A_1486 : vector<16xf32> to vector<16xi32>
      %add3A_1488 = arith.constant 1.000000e+00 : f32
      %add3A_1489 = vector.broadcast %add3A_1488 : f32 to vector<16xf32>
      %add3A_1490 = arith.addf %add3A_1432, %add3A_1489 : vector<16xf32>
      %mul3A_1491 = arith.constant 3.150000e+01 : f32
      %mul3A_1492 = vector.broadcast %mul3A_1491 : f32 to vector<16xf32>
      %mul3A_1493 = arith.mulf %add3A_1490, %mul3A_1492 : vector<16xf32>
      %convert_element_type3A_1494 = arith.fptosi %mul3A_1493 : vector<16xf32> to vector<16xi32>
      %convert_element_type3A_1495 = arith.sitofp %convert_element_type3A_1494 : vector<16xi32> to vector<16xf32>
      %gt3A_1496 = arith.cmpf ogt, %convert_element_type3A_1495, %mul3A_1493 : vector<16xf32>
      %sub3A_1497 = arith.constant 1.000000e+00 : f32
      %sub3A_1498 = vector.broadcast %sub3A_1497 : f32 to vector<16xf32>
      %sub3A_1499 = arith.subf %convert_element_type3A_1495, %sub3A_1498 : vector<16xf32>
      %select_n3A_1500 = arith.select %gt3A_1496, %sub3A_1499, %convert_element_type3A_1495 : vector<16xi1>, vector<16xf32>
      %sub3A_1501 = arith.subf %mul3A_1493, %select_n3A_1500 : vector<16xf32>
      %add3A_1502 = arith.constant 1.000000e+00 : f32
      %add3A_1503 = vector.broadcast %add3A_1502 : f32 to vector<16xf32>
      %add3A_1504 = arith.addf %select_n3A_1500, %add3A_1503 : vector<16xf32>
      %ge3A_1505 = arith.constant 0.000000e+00 : f32
      %ge3A_1506 = vector.broadcast %ge3A_1505 : f32 to vector<16xf32>
      %ge3A_1507 = arith.cmpf oge, %select_n3A_1500, %ge3A_1506 : vector<16xf32>
      %le3A_1508 = arith.constant 6.300000e+01 : f32
      %le3A_1509 = vector.broadcast %le3A_1508 : f32 to vector<16xf32>
      %le3A_1510 = arith.cmpf ole, %select_n3A_1500, %le3A_1509 : vector<16xf32>
      %and3A_1511 = arith.andi %ge3A_1507, %le3A_1510 : vector<16xi1>
      %jit3A_1512 = arith.constant 1.000000e+00 : f32
      %jit3A_1513 = arith.constant 0.000000e+00 : f32
      %broadcast_in_dim3A_1514 = vector.broadcast %jit3A_1512 : f32 to vector<16xf32>
      %broadcast_in_dim3A_1515 = vector.broadcast %jit3A_1513 : f32 to vector<16xf32>
      %select_n3A_1516 = arith.select %and3A_1511, %broadcast_in_dim3A_1514, %broadcast_in_dim3A_1515 : vector<16xi1>, vector<16xf32>
      %ge3A_1517 = arith.constant 0.000000e+00 : f32
      %ge3A_1518 = vector.broadcast %ge3A_1517 : f32 to vector<16xf32>
      %ge3A_1519 = arith.cmpf oge, %add3A_1504, %ge3A_1518 : vector<16xf32>
      %le3A_1520 = arith.constant 6.300000e+01 : f32
      %le3A_1521 = vector.broadcast %le3A_1520 : f32 to vector<16xf32>
      %le3A_1522 = arith.cmpf ole, %add3A_1504, %le3A_1521 : vector<16xf32>
      %and3A_1523 = arith.andi %ge3A_1519, %le3A_1522 : vector<16xi1>
      %jit3A_1524 = arith.constant 1.000000e+00 : f32
      %jit3A_1525 = arith.constant 0.000000e+00 : f32
      %broadcast_in_dim3A_1526 = vector.broadcast %jit3A_1524 : f32 to vector<16xf32>
      %broadcast_in_dim3A_1527 = vector.broadcast %jit3A_1525 : f32 to vector<16xf32>
      %select_n3A_1528 = arith.select %and3A_1523, %broadcast_in_dim3A_1526, %broadcast_in_dim3A_1527 : vector<16xi1>, vector<16xf32>
      %jit3A_1529 = arith.constant 0.000000e+00 : f32
      %jit3A_1530 = arith.constant 6.300000e+01 : f32
      %max3A_1531 = vector.broadcast %jit3A_1529 : f32 to vector<16xf32>
      %max3A_1532 = arith.maximumf %max3A_1531, %select_n3A_1500 : vector<16xf32>
      %min3A_1533 = vector.broadcast %jit3A_1530 : f32 to vector<16xf32>
      %min3A_1534 = arith.minimumf %min3A_1533, %max3A_1532 : vector<16xf32>
      %convert_element_type3A_1535 = arith.fptosi %min3A_1534 : vector<16xf32> to vector<16xi32>
      %jit3A_1536 = arith.constant 0.000000e+00 : f32
      %jit3A_1537 = arith.constant 6.300000e+01 : f32
      %max3A_1538 = vector.broadcast %jit3A_1536 : f32 to vector<16xf32>
      %max3A_1539 = arith.maximumf %max3A_1538, %add3A_1504 : vector<16xf32>
      %min3A_1540 = vector.broadcast %jit3A_1537 : f32 to vector<16xf32>
      %min3A_1541 = arith.minimumf %min3A_1540, %max3A_1539 : vector<16xf32>
      %convert_element_type3A_1542 = arith.fptosi %min3A_1541 : vector<16xf32> to vector<16xi32>
      %sub3A_1543 = arith.constant 1.000000e+00 : f32
      %sub3A_1544 = vector.broadcast %sub3A_1543 : f32 to vector<16xf32>
      %sub3A_1545 = arith.subf %sub3A_1544, %sub3A_1446 : vector<16xf32>
      %sub3A_1546 = arith.constant 1.000000e+00 : f32
      %sub3A_1547 = vector.broadcast %sub3A_1546 : f32 to vector<16xf32>
      %sub3A_1548 = arith.subf %sub3A_1547, %sub3A_1501 : vector<16xf32>
      %mul3A_1549 = arith.constant 160 : i32
      %mul3A_1550 = arith.muli %scan3A_12, %mul3A_1549 : i32
      %add3A_1551 = arith.constant 96 : i32
      %add3A_1552 = arith.addi %mul3A_1550, %add3A_1551 : i32
      %add3A_1553 = arith.constant 16 : i32
      %add3A_1554 = arith.addi %add3A_1552, %add3A_1553 : i32
      %mul3A_1555 = arith.constant 64 : i32
      %mul3A_1556 = vector.broadcast %mul3A_1555 : i32 to vector<16xi32>
      %mul3A_1557 = arith.muli %convert_element_type3A_1535, %mul3A_1556 : vector<16xi32>
      %add3A_1558 = arith.addi %mul3A_1557, %convert_element_type3A_1480 : vector<16xi32>
      %swap3A_1559 = arith.index_cast %add3A_1554 : i32 to index
      %swap3A_1560 = tpu.vector_load %arg16[%swap3A_1559] {strides = array<i32>} : memref<5120xi32, #tpu.memory_space<vmem>>, vector<16xi32>,
      tpu.vector_store %arg16[%swap3A_1559], %add3A_1558 {strides = array<i32>} : memref<5120xi32, #tpu.memory_space<vmem>>, vector<16xi32>,
      %mul3A_1561 = arith.constant 64 : i32
      %mul3A_1562 = vector.broadcast %mul3A_1561 : i32 to vector<16xi32>
      %mul3A_1563 = arith.muli %convert_element_type3A_1542, %mul3A_1562 : vector<16xi32>
      %add3A_1564 = arith.addi %mul3A_1563, %convert_element_type3A_1480 : vector<16xi32>
      %swap3A_1565 = arith.index_cast %add3A_1554 : i32 to index
      %swap3A_1566 = tpu.vector_load %arg17[%swap3A_1565] {strides = array<i32>} : memref<5120xi32, #tpu.memory_space<vmem>>, vector<16xi32>,
      tpu.vector_store %arg17[%swap3A_1565], %add3A_1564 {strides = array<i32>} : memref<5120xi32, #tpu.memory_space<vmem>>, vector<16xi32>,
      %mul3A_1567 = arith.constant 64 : i32
      %mul3A_1568 = vector.broadcast %mul3A_1567 : i32 to vector<16xi32>
      %mul3A_1569 = arith.muli %convert_element_type3A_1535, %mul3A_1568 : vector<16xi32>
      %add3A_1570 = arith.addi %mul3A_1569, %convert_element_type3A_1487 : vector<16xi32>
      %swap3A_1571 = arith.index_cast %add3A_1554 : i32 to index
      %swap3A_1572 = tpu.vector_load %arg18[%swap3A_1571] {strides = array<i32>} : memref<5120xi32, #tpu.memory_space<vmem>>, vector<16xi32>,
      tpu.vector_store %arg18[%swap3A_1571], %add3A_1570 {strides = array<i32>} : memref<5120xi32, #tpu.memory_space<vmem>>, vector<16xi32>,
      %mul3A_1573 = arith.constant 64 : i32
      %mul3A_1574 = vector.broadcast %mul3A_1573 : i32 to vector<16xi32>
      %mul3A_1575 = arith.muli %convert_element_type3A_1542, %mul3A_1574 : vector<16xi32>
      %add3A_1576 = arith.addi %mul3A_1575, %convert_element_type3A_1487 : vector<16xi32>
      %swap3A_1577 = arith.index_cast %add3A_1554 : i32 to index
      %swap3A_1578 = tpu.vector_load %arg19[%swap3A_1577] {strides = array<i32>} : memref<5120xi32, #tpu.memory_space<vmem>>, vector<16xi32>,
      tpu.vector_store %arg19[%swap3A_1577], %add3A_1576 {strides = array<i32>} : memref<5120xi32, #tpu.memory_space<vmem>>, vector<16xi32>,
      %mul3A_1579 = arith.mulf %sub3A_1545, %sub3A_1548 : vector<16xf32>
      %mul3A_1580 = arith.mulf %select_n3A_1461, %select_n3A_1516 : vector<16xf32>
      %mul3A_1581 = arith.mulf %mul3A_1579, %mul3A_1580 : vector<16xf32>
      %swap3A_1582 = arith.index_cast %add3A_1554 : i32 to index
      %swap3A_1583 = tpu.vector_load %arg20[%swap3A_1582] {strides = array<i32>} : memref<5120xf32, #tpu.memory_space<vmem>>, vector<16xf32>,
      tpu.vector_store %arg20[%swap3A_1582], %mul3A_1581 {strides = array<i32>} : memref<5120xf32, #tpu.memory_space<vmem>>, vector<16xf32>,
      %mul3A_1584 = arith.mulf %sub3A_1545, %sub3A_1501 : vector<16xf32>
      %mul3A_1585 = arith.mulf %select_n3A_1461, %select_n3A_1528 : vector<16xf32>
      %mul3A_1586 = arith.mulf %mul3A_1584, %mul3A_1585 : vector<16xf32>
      %swap3A_1587 = arith.index_cast %add3A_1554 : i32 to index
      %swap3A_1588 = tpu.vector_load %arg21[%swap3A_1587] {strides = array<i32>} : memref<5120xf32, #tpu.memory_space<vmem>>, vector<16xf32>,
      tpu.vector_store %arg21[%swap3A_1587], %mul3A_1586 {strides = array<i32>} : memref<5120xf32, #tpu.memory_space<vmem>>, vector<16xf32>,
      %mul3A_1589 = arith.mulf %sub3A_1446, %sub3A_1548 : vector<16xf32>
      %mul3A_1590 = arith.mulf %select_n3A_1473, %select_n3A_1516 : vector<16xf32>
      %mul3A_1591 = arith.mulf %mul3A_1589, %mul3A_1590 : vector<16xf32>
      %swap3A_1592 = arith.index_cast %add3A_1554 : i32 to index
      %swap3A_1593 = tpu.vector_load %arg22[%swap3A_1592] {strides = array<i32>} : memref<5120xf32, #tpu.memory_space<vmem>>, vector<16xf32>,
      tpu.vector_store %arg22[%swap3A_1592], %mul3A_1591 {strides = array<i32>} : memref<5120xf32, #tpu.memory_space<vmem>>, vector<16xf32>,
      %mul3A_1594 = arith.mulf %sub3A_1446, %sub3A_1501 : vector<16xf32>
      %mul3A_1595 = arith.mulf %select_n3A_1473, %select_n3A_1528 : vector<16xf32>
      %mul3A_1596 = arith.mulf %mul3A_1594, %mul3A_1595 : vector<16xf32>
      %swap3A_1597 = arith.index_cast %add3A_1554 : i32 to index
      %swap3A_1598 = tpu.vector_load %arg23[%swap3A_1597] {strides = array<i32>} : memref<5120xf32, #tpu.memory_space<vmem>>, vector<16xf32>,
      tpu.vector_store %arg23[%swap3A_1597], %mul3A_1596 {strides = array<i32>} : memref<5120xf32, #tpu.memory_space<vmem>>, vector<16xf32>,
      %sub3A_1599 = arith.subf %get3A_895, %get3A_889 : vector<16xf32>
      %mul3A_1600 = arith.constant 1.000000e+00 : f32
      %mul3A_1601 = vector.broadcast %mul3A_1600 : f32 to vector<16xf32>
      %mul3A_1602 = arith.mulf %sub3A_1599, %mul3A_1601 : vector<16xf32>
      %add3A_1603 = arith.addf %get3A_889, %mul3A_1602 : vector<16xf32>
      %sub3A_1604 = arith.subf %get3A_898, %get3A_892 : vector<16xf32>
      %mul3A_1605 = arith.constant 1.000000e+00 : f32
      %mul3A_1606 = vector.broadcast %mul3A_1605 : f32 to vector<16xf32>
      %mul3A_1607 = arith.mulf %sub3A_1604, %mul3A_1606 : vector<16xf32>
      %add3A_1608 = arith.addf %get3A_892, %mul3A_1607 : vector<16xf32>
      %add3A_1609 = arith.constant 1.000000e+00 : f32
      %add3A_1610 = vector.broadcast %add3A_1609 : f32 to vector<16xf32>
      %add3A_1611 = arith.addf %add3A_1603, %add3A_1610 : vector<16xf32>
      %mul3A_1612 = arith.constant 3.150000e+01 : f32
      %mul3A_1613 = vector.broadcast %mul3A_1612 : f32 to vector<16xf32>
      %mul3A_1614 = arith.mulf %add3A_1611, %mul3A_1613 : vector<16xf32>
      %convert_element_type3A_1615 = arith.fptosi %mul3A_1614 : vector<16xf32> to vector<16xi32>
      %convert_element_type3A_1616 = arith.sitofp %convert_element_type3A_1615 : vector<16xi32> to vector<16xf32>
      %gt3A_1617 = arith.cmpf ogt, %convert_element_type3A_1616, %mul3A_1614 : vector<16xf32>
      %sub3A_1618 = arith.constant 1.000000e+00 : f32
      %sub3A_1619 = vector.broadcast %sub3A_1618 : f32 to vector<16xf32>
      %sub3A_1620 = arith.subf %convert_element_type3A_1616, %sub3A_1619 : vector<16xf32>
      %select_n3A_1621 = arith.select %gt3A_1617, %sub3A_1620, %convert_element_type3A_1616 : vector<16xi1>, vector<16xf32>
      %sub3A_1622 = arith.subf %mul3A_1614, %select_n3A_1621 : vector<16xf32>
      %add3A_1623 = arith.constant 1.000000e+00 : f32
      %add3A_1624 = vector.broadcast %add3A_1623 : f32 to vector<16xf32>
      %add3A_1625 = arith.addf %select_n3A_1621, %add3A_1624 : vector<16xf32>
      %ge3A_1626 = arith.constant 0.000000e+00 : f32
      %ge3A_1627 = vector.broadcast %ge3A_1626 : f32 to vector<16xf32>
      %ge3A_1628 = arith.cmpf oge, %select_n3A_1621, %ge3A_1627 : vector<16xf32>
      %le3A_1629 = arith.constant 6.300000e+01 : f32
      %le3A_1630 = vector.broadcast %le3A_1629 : f32 to vector<16xf32>
      %le3A_1631 = arith.cmpf ole, %select_n3A_1621, %le3A_1630 : vector<16xf32>
      %and3A_1632 = arith.andi %ge3A_1628, %le3A_1631 : vector<16xi1>
      %jit3A_1633 = arith.constant 1.000000e+00 : f32
      %jit3A_1634 = arith.constant 0.000000e+00 : f32
      %broadcast_in_dim3A_1635 = vector.broadcast %jit3A_1633 : f32 to vector<16xf32>
      %broadcast_in_dim3A_1636 = vector.broadcast %jit3A_1634 : f32 to vector<16xf32>
      %select_n3A_1637 = arith.select %and3A_1632, %broadcast_in_dim3A_1635, %broadcast_in_dim3A_1636 : vector<16xi1>, vector<16xf32>
      %ge3A_1638 = arith.constant 0.000000e+00 : f32
      %ge3A_1639 = vector.broadcast %ge3A_1638 : f32 to vector<16xf32>
      %ge3A_1640 = arith.cmpf oge, %add3A_1625, %ge3A_1639 : vector<16xf32>
      %le3A_1641 = arith.constant 6.300000e+01 : f32
      %le3A_1642 = vector.broadcast %le3A_1641 : f32 to vector<16xf32>
      %le3A_1643 = arith.cmpf ole, %add3A_1625, %le3A_1642 : vector<16xf32>
      %and3A_1644 = arith.andi %ge3A_1640, %le3A_1643 : vector<16xi1>
      %jit3A_1645 = arith.constant 1.000000e+00 : f32
      %jit3A_1646 = arith.constant 0.000000e+00 : f32
      %broadcast_in_dim3A_1647 = vector.broadcast %jit3A_1645 : f32 to vector<16xf32>
      %broadcast_in_dim3A_1648 = vector.broadcast %jit3A_1646 : f32 to vector<16xf32>
      %select_n3A_1649 = arith.select %and3A_1644, %broadcast_in_dim3A_1647, %broadcast_in_dim3A_1648 : vector<16xi1>, vector<16xf32>
      %jit3A_1650 = arith.constant 0.000000e+00 : f32
      %jit3A_1651 = arith.constant 6.300000e+01 : f32
      %max3A_1652 = vector.broadcast %jit3A_1650 : f32 to vector<16xf32>
      %max3A_1653 = arith.maximumf %max3A_1652, %select_n3A_1621 : vector<16xf32>
      %min3A_1654 = vector.broadcast %jit3A_1651 : f32 to vector<16xf32>
      %min3A_1655 = arith.minimumf %min3A_1654, %max3A_1653 : vector<16xf32>
      %convert_element_type3A_1656 = arith.fptosi %min3A_1655 : vector<16xf32> to vector<16xi32>
      %jit3A_1657 = arith.constant 0.000000e+00 : f32
      %jit3A_1658 = arith.constant 6.300000e+01 : f32
      %max3A_1659 = vector.broadcast %jit3A_1657 : f32 to vector<16xf32>
      %max3A_1660 = arith.maximumf %max3A_1659, %add3A_1625 : vector<16xf32>
      %min3A_1661 = vector.broadcast %jit3A_1658 : f32 to vector<16xf32>
      %min3A_1662 = arith.minimumf %min3A_1661, %max3A_1660 : vector<16xf32>
      %convert_element_type3A_1663 = arith.fptosi %min3A_1662 : vector<16xf32> to vector<16xi32>
      %add3A_1664 = arith.constant 1.000000e+00 : f32
      %add3A_1665 = vector.broadcast %add3A_1664 : f32 to vector<16xf32>
      %add3A_1666 = arith.addf %add3A_1608, %add3A_1665 : vector<16xf32>
      %mul3A_1667 = arith.constant 3.150000e+01 : f32
      %mul3A_1668 = vector.broadcast %mul3A_1667 : f32 to vector<16xf32>
      %mul3A_1669 = arith.mulf %add3A_1666, %mul3A_1668 : vector<16xf32>
      %convert_element_type3A_1670 = arith.fptosi %mul3A_1669 : vector<16xf32> to vector<16xi32>
      %convert_element_type3A_1671 = arith.sitofp %convert_element_type3A_1670 : vector<16xi32> to vector<16xf32>
      %gt3A_1672 = arith.cmpf ogt, %convert_element_type3A_1671, %mul3A_1669 : vector<16xf32>
      %sub3A_1673 = arith.constant 1.000000e+00 : f32
      %sub3A_1674 = vector.broadcast %sub3A_1673 : f32 to vector<16xf32>
      %sub3A_1675 = arith.subf %convert_element_type3A_1671, %sub3A_1674 : vector<16xf32>
      %select_n3A_1676 = arith.select %gt3A_1672, %sub3A_1675, %convert_element_type3A_1671 : vector<16xi1>, vector<16xf32>
      %sub3A_1677 = arith.subf %mul3A_1669, %select_n3A_1676 : vector<16xf32>
      %add3A_1678 = arith.constant 1.000000e+00 : f32
      %add3A_1679 = vector.broadcast %add3A_1678 : f32 to vector<16xf32>
      %add3A_1680 = arith.addf %select_n3A_1676, %add3A_1679 : vector<16xf32>
      %ge3A_1681 = arith.constant 0.000000e+00 : f32
      %ge3A_1682 = vector.broadcast %ge3A_1681 : f32 to vector<16xf32>
      %ge3A_1683 = arith.cmpf oge, %select_n3A_1676, %ge3A_1682 : vector<16xf32>
      %le3A_1684 = arith.constant 6.300000e+01 : f32
      %le3A_1685 = vector.broadcast %le3A_1684 : f32 to vector<16xf32>
      %le3A_1686 = arith.cmpf ole, %select_n3A_1676, %le3A_1685 : vector<16xf32>
      %and3A_1687 = arith.andi %ge3A_1683, %le3A_1686 : vector<16xi1>
      %jit3A_1688 = arith.constant 1.000000e+00 : f32
      %jit3A_1689 = arith.constant 0.000000e+00 : f32
      %broadcast_in_dim3A_1690 = vector.broadcast %jit3A_1688 : f32 to vector<16xf32>
      %broadcast_in_dim3A_1691 = vector.broadcast %jit3A_1689 : f32 to vector<16xf32>
      %select_n3A_1692 = arith.select %and3A_1687, %broadcast_in_dim3A_1690, %broadcast_in_dim3A_1691 : vector<16xi1>, vector<16xf32>
      %ge3A_1693 = arith.constant 0.000000e+00 : f32
      %ge3A_1694 = vector.broadcast %ge3A_1693 : f32 to vector<16xf32>
      %ge3A_1695 = arith.cmpf oge, %add3A_1680, %ge3A_1694 : vector<16xf32>
      %le3A_1696 = arith.constant 6.300000e+01 : f32
      %le3A_1697 = vector.broadcast %le3A_1696 : f32 to vector<16xf32>
      %le3A_1698 = arith.cmpf ole, %add3A_1680, %le3A_1697 : vector<16xf32>
      %and3A_1699 = arith.andi %ge3A_1695, %le3A_1698 : vector<16xi1>
      %jit3A_1700 = arith.constant 1.000000e+00 : f32
      %jit3A_1701 = arith.constant 0.000000e+00 : f32
      %broadcast_in_dim3A_1702 = vector.broadcast %jit3A_1700 : f32 to vector<16xf32>
      %broadcast_in_dim3A_1703 = vector.broadcast %jit3A_1701 : f32 to vector<16xf32>
      %select_n3A_1704 = arith.select %and3A_1699, %broadcast_in_dim3A_1702, %broadcast_in_dim3A_1703 : vector<16xi1>, vector<16xf32>
      %jit3A_1705 = arith.constant 0.000000e+00 : f32
      %jit3A_1706 = arith.constant 6.300000e+01 : f32
      %max3A_1707 = vector.broadcast %jit3A_1705 : f32 to vector<16xf32>
      %max3A_1708 = arith.maximumf %max3A_1707, %select_n3A_1676 : vector<16xf32>
      %min3A_1709 = vector.broadcast %jit3A_1706 : f32 to vector<16xf32>
      %min3A_1710 = arith.minimumf %min3A_1709, %max3A_1708 : vector<16xf32>
      %convert_element_type3A_1711 = arith.fptosi %min3A_1710 : vector<16xf32> to vector<16xi32>
      %jit3A_1712 = arith.constant 0.000000e+00 : f32
      %jit3A_1713 = arith.constant 6.300000e+01 : f32
      %max3A_1714 = vector.broadcast %jit3A_1712 : f32 to vector<16xf32>
      %max3A_1715 = arith.maximumf %max3A_1714, %add3A_1680 : vector<16xf32>
      %min3A_1716 = vector.broadcast %jit3A_1713 : f32 to vector<16xf32>
      %min3A_1717 = arith.minimumf %min3A_1716, %max3A_1715 : vector<16xf32>
      %convert_element_type3A_1718 = arith.fptosi %min3A_1717 : vector<16xf32> to vector<16xi32>
      %sub3A_1719 = arith.constant 1.000000e+00 : f32
      %sub3A_1720 = vector.broadcast %sub3A_1719 : f32 to vector<16xf32>
      %sub3A_1721 = arith.subf %sub3A_1720, %sub3A_1622 : vector<16xf32>
      %sub3A_1722 = arith.constant 1.000000e+00 : f32
      %sub3A_1723 = vector.broadcast %sub3A_1722 : f32 to vector<16xf32>
      %sub3A_1724 = arith.subf %sub3A_1723, %sub3A_1677 : vector<16xf32>
      %mul3A_1725 = arith.constant 160 : i32
      %mul3A_1726 = arith.muli %scan3A_12, %mul3A_1725 : i32
      %add3A_1727 = arith.constant 128 : i32
      %add3A_1728 = arith.addi %mul3A_1726, %add3A_1727 : i32
      %add3A_1729 = arith.constant 16 : i32
      %add3A_1730 = arith.addi %add3A_1728, %add3A_1729 : i32
      %mul3A_1731 = arith.constant 64 : i32
      %mul3A_1732 = vector.broadcast %mul3A_1731 : i32 to vector<16xi32>
      %mul3A_1733 = arith.muli %convert_element_type3A_1711, %mul3A_1732 : vector<16xi32>
      %add3A_1734 = arith.addi %mul3A_1733, %convert_element_type3A_1656 : vector<16xi32>
      %swap3A_1735 = arith.index_cast %add3A_1730 : i32 to index
      %swap3A_1736 = tpu.vector_load %arg16[%swap3A_1735] {strides = array<i32>} : memref<5120xi32, #tpu.memory_space<vmem>>, vector<16xi32>,
      tpu.vector_store %arg16[%swap3A_1735], %add3A_1734 {strides = array<i32>} : memref<5120xi32, #tpu.memory_space<vmem>>, vector<16xi32>,
      %mul3A_1737 = arith.constant 64 : i32
      %mul3A_1738 = vector.broadcast %mul3A_1737 : i32 to vector<16xi32>
      %mul3A_1739 = arith.muli %convert_element_type3A_1718, %mul3A_1738 : vector<16xi32>
      %add3A_1740 = arith.addi %mul3A_1739, %convert_element_type3A_1656 : vector<16xi32>
      %swap3A_1741 = arith.index_cast %add3A_1730 : i32 to index
      %swap3A_1742 = tpu.vector_load %arg17[%swap3A_1741] {strides = array<i32>} : memref<5120xi32, #tpu.memory_space<vmem>>, vector<16xi32>,
      tpu.vector_store %arg17[%swap3A_1741], %add3A_1740 {strides = array<i32>} : memref<5120xi32, #tpu.memory_space<vmem>>, vector<16xi32>,
      %mul3A_1743 = arith.constant 64 : i32
      %mul3A_1744 = vector.broadcast %mul3A_1743 : i32 to vector<16xi32>
      %mul3A_1745 = arith.muli %convert_element_type3A_1711, %mul3A_1744 : vector<16xi32>
      %add3A_1746 = arith.addi %mul3A_1745, %convert_element_type3A_1663 : vector<16xi32>
      %swap3A_1747 = arith.index_cast %add3A_1730 : i32 to index
      %swap3A_1748 = tpu.vector_load %arg18[%swap3A_1747] {strides = array<i32>} : memref<5120xi32, #tpu.memory_space<vmem>>, vector<16xi32>,
      tpu.vector_store %arg18[%swap3A_1747], %add3A_1746 {strides = array<i32>} : memref<5120xi32, #tpu.memory_space<vmem>>, vector<16xi32>,
      %mul3A_1749 = arith.constant 64 : i32
      %mul3A_1750 = vector.broadcast %mul3A_1749 : i32 to vector<16xi32>
      %mul3A_1751 = arith.muli %convert_element_type3A_1718, %mul3A_1750 : vector<16xi32>
      %add3A_1752 = arith.addi %mul3A_1751, %convert_element_type3A_1663 : vector<16xi32>
      %swap3A_1753 = arith.index_cast %add3A_1730 : i32 to index
      %swap3A_1754 = tpu.vector_load %arg19[%swap3A_1753] {strides = array<i32>} : memref<5120xi32, #tpu.memory_space<vmem>>, vector<16xi32>,
      tpu.vector_store %arg19[%swap3A_1753], %add3A_1752 {strides = array<i32>} : memref<5120xi32, #tpu.memory_space<vmem>>, vector<16xi32>,
      %mul3A_1755 = arith.mulf %sub3A_1721, %sub3A_1724 : vector<16xf32>
      %mul3A_1756 = arith.mulf %select_n3A_1637, %select_n3A_1692 : vector<16xf32>
      %mul3A_1757 = arith.mulf %mul3A_1755, %mul3A_1756 : vector<16xf32>
      %swap3A_1758 = arith.index_cast %add3A_1730 : i32 to index
      %swap3A_1759 = tpu.vector_load %arg20[%swap3A_1758] {strides = array<i32>} : memref<5120xf32, #tpu.memory_space<vmem>>, vector<16xf32>,
      tpu.vector_store %arg20[%swap3A_1758], %mul3A_1757 {strides = array<i32>} : memref<5120xf32, #tpu.memory_space<vmem>>, vector<16xf32>,
      %mul3A_1760 = arith.mulf %sub3A_1721, %sub3A_1677 : vector<16xf32>
      %mul3A_1761 = arith.mulf %select_n3A_1637, %select_n3A_1704 : vector<16xf32>
      %mul3A_1762 = arith.mulf %mul3A_1760, %mul3A_1761 : vector<16xf32>
      %swap3A_1763 = arith.index_cast %add3A_1730 : i32 to index
      %swap3A_1764 = tpu.vector_load %arg21[%swap3A_1763] {strides = array<i32>} : memref<5120xf32, #tpu.memory_space<vmem>>, vector<16xf32>,
      tpu.vector_store %arg21[%swap3A_1763], %mul3A_1762 {strides = array<i32>} : memref<5120xf32, #tpu.memory_space<vmem>>, vector<16xf32>,
      %mul3A_1765 = arith.mulf %sub3A_1622, %sub3A_1724 : vector<16xf32>
      %mul3A_1766 = arith.mulf %select_n3A_1649, %select_n3A_1692 : vector<16xf32>
      %mul3A_1767 = arith.mulf %mul3A_1765, %mul3A_1766 : vector<16xf32>
      %swap3A_1768 = arith.index_cast %add3A_1730 : i32 to index
      %swap3A_1769 = tpu.vector_load %arg22[%swap3A_1768] {strides = array<i32>} : memref<5120xf32, #tpu.memory_space<vmem>>, vector<16xf32>,
      tpu.vector_store %arg22[%swap3A_1768], %mul3A_1767 {strides = array<i32>} : memref<5120xf32, #tpu.memory_space<vmem>>, vector<16xf32>,
      %mul3A_1770 = arith.mulf %sub3A_1622, %sub3A_1677 : vector<16xf32>
      %mul3A_1771 = arith.mulf %select_n3A_1649, %select_n3A_1704 : vector<16xf32>
      %mul3A_1772 = arith.mulf %mul3A_1770, %mul3A_1771 : vector<16xf32>
      %swap3A_1773 = arith.index_cast %add3A_1730 : i32 to index
      %swap3A_1774 = tpu.vector_load %arg23[%swap3A_1773] {strides = array<i32>} : memref<5120xf32, #tpu.memory_space<vmem>>, vector<16xf32>,
      tpu.vector_store %arg23[%swap3A_1773], %mul3A_1772 {strides = array<i32>} : memref<5120xf32, #tpu.memory_space<vmem>>, vector<16xf32>,
    }
    %scan3A_5 = arith.constant 32 : i32
    %scan3A_6 = arith.constant 0 : i32
    %scan3A_7 = arith.constant 0 : i32
    %scan3A_8 = arith.constant 12 : i32
    %scan3A_9 = arith.addi %scan3A_7, %scan3A_8 : i32
    %scan3A_10 = arith.constant 1 : i32
    scf.for %scan3A_12 = %scan3A_7 to %scan3A_9 step %scan3A_10  : i32 {
      %add3A = arith.addi %mul3A_0, %scan3A_12 : i32
      %mul3A_13 = arith.constant 192 : i32
      %mul3A_14 = arith.muli %arg0, %mul3A_13 : i32
      %add3A_15 = arith.addi %mul3A_14, %add3A : i32
      "tpu.region"() ({
        %run_scoped3A = tpu.sem_alloc : memref<!tpu.dma_semaphore, #tpu.memory_space<semaphore_mem>>
        %dma_start3A = arith.constant 0 : i32
        %dma_start3A_30 = tpu.memref_slice %arg2[%add3A_15, %dma_start3A] : memref<768x4096xf32, #tpu.memory_space<hbm>> -> memref<1x4096xf32, #tpu.memory_space<hbm>>
        %dma_start3A_31 = tpu.memref_squeeze %dma_start3A_30 : memref<1x4096xf32, #tpu.memory_space<hbm>> -> memref<4096xf32, #tpu.memory_space<hbm>>
        %dma_start3A_32 = arith.constant 0 : i32
        %dma_start3A_33 = tpu.memref_slice %arg2[%add3A_15, %dma_start3A_32] : memref<768x4096xf32, #tpu.memory_space<hbm>> -> memref<1x4096xf32, #tpu.memory_space<hbm>>
        %dma_start3A_34 = tpu.memref_squeeze %dma_start3A_33 : memref<1x4096xf32, #tpu.memory_space<hbm>> -> memref<4096xf32, #tpu.memory_space<hbm>>
        tpu.enqueue_dma source(%dma_start3A_34 : memref<4096xf32, #tpu.memory_space<hbm>>) target(%arg24 : memref<4096xf32, #tpu.memory_space<vmem>>) target_semaphore(%run_scoped3A : memref<!tpu.dma_semaphore, #tpu.memory_space<semaphore_mem>>)
        %dma_wait3A = arith.constant 0 : i32
        %dma_wait3A_35 = tpu.memref_slice %arg2[%add3A_15, %dma_wait3A] : memref<768x4096xf32, #tpu.memory_space<hbm>> -> memref<1x4096xf32, #tpu.memory_space<hbm>>
        %dma_wait3A_36 = tpu.memref_squeeze %dma_wait3A_35 : memref<1x4096xf32, #tpu.memory_space<hbm>> -> memref<4096xf32, #tpu.memory_space<hbm>>
        %dma_wait3A_37 = arith.constant 0 : i32
        %dma_wait3A_38 = tpu.memref_slice %arg2[%add3A_15, %dma_wait3A_37] : memref<768x4096xf32, #tpu.memory_space<hbm>> -> memref<1x4096xf32, #tpu.memory_space<hbm>>
        %dma_wait3A_39 = tpu.memref_squeeze %dma_wait3A_38 : memref<1x4096xf32, #tpu.memory_space<hbm>> -> memref<4096xf32, #tpu.memory_space<hbm>>
        tpu.wait_dma2 semaphore(%run_scoped3A : memref<!tpu.dma_semaphore, #tpu.memory_space<semaphore_mem>>) src(%dma_wait3A_39 : memref<4096xf32, #tpu.memory_space<hbm>>) dst(%arg24 : memref<4096xf32, #tpu.memory_space<vmem>>)
        tpu.yield
      }) : () -> ()
      %add3A_16 = arith.constant 384 : i32
      %add3A_17 = arith.addi %add3A_15, %add3A_16 : i32
      "tpu.region"() ({
        %run_scoped3A = tpu.sem_alloc : memref<!tpu.dma_semaphore, #tpu.memory_space<semaphore_mem>>
        %dma_start3A = arith.constant 0 : i32
        %dma_start3A_30 = tpu.memref_slice %arg2[%add3A_17, %dma_start3A] : memref<768x4096xf32, #tpu.memory_space<hbm>> -> memref<1x4096xf32, #tpu.memory_space<hbm>>
        %dma_start3A_31 = tpu.memref_squeeze %dma_start3A_30 : memref<1x4096xf32, #tpu.memory_space<hbm>> -> memref<4096xf32, #tpu.memory_space<hbm>>
        %dma_start3A_32 = arith.constant 0 : i32
        %dma_start3A_33 = tpu.memref_slice %arg2[%add3A_17, %dma_start3A_32] : memref<768x4096xf32, #tpu.memory_space<hbm>> -> memref<1x4096xf32, #tpu.memory_space<hbm>>
        %dma_start3A_34 = tpu.memref_squeeze %dma_start3A_33 : memref<1x4096xf32, #tpu.memory_space<hbm>> -> memref<4096xf32, #tpu.memory_space<hbm>>
        tpu.enqueue_dma source(%dma_start3A_34 : memref<4096xf32, #tpu.memory_space<hbm>>) target(%arg25 : memref<4096xf32, #tpu.memory_space<vmem>>) target_semaphore(%run_scoped3A : memref<!tpu.dma_semaphore, #tpu.memory_space<semaphore_mem>>)
        %dma_wait3A = arith.constant 0 : i32
        %dma_wait3A_35 = tpu.memref_slice %arg2[%add3A_17, %dma_wait3A] : memref<768x4096xf32, #tpu.memory_space<hbm>> -> memref<1x4096xf32, #tpu.memory_space<hbm>>
        %dma_wait3A_36 = tpu.memref_squeeze %dma_wait3A_35 : memref<1x4096xf32, #tpu.memory_space<hbm>> -> memref<4096xf32, #tpu.memory_space<hbm>>
        %dma_wait3A_37 = arith.constant 0 : i32
        %dma_wait3A_38 = tpu.memref_slice %arg2[%add3A_17, %dma_wait3A_37] : memref<768x4096xf32, #tpu.memory_space<hbm>> -> memref<1x4096xf32, #tpu.memory_space<hbm>>
        %dma_wait3A_39 = tpu.memref_squeeze %dma_wait3A_38 : memref<1x4096xf32, #tpu.memory_space<hbm>> -> memref<4096xf32, #tpu.memory_space<hbm>>
        tpu.wait_dma2 semaphore(%run_scoped3A : memref<!tpu.dma_semaphore, #tpu.memory_space<semaphore_mem>>) src(%dma_wait3A_39 : memref<4096xf32, #tpu.memory_space<hbm>>) dst(%arg25 : memref<4096xf32, #tpu.memory_space<vmem>>)
        tpu.yield
      }) : () -> ()
      %scan3A_18 = arith.constant 0 : i32
      %scan3A_19 = arith.constant 0 : i32
      %scan3A_20 = arith.constant 256 : i32
      %scan3A_21 = arith.addi %scan3A_19, %scan3A_20 : i32
      %scan3A_22 = arith.constant 1 : i32
      scf.for %scan3A_30 = %scan3A_19 to %scan3A_21 step %scan3A_22  : i32 {
        %mul3A_31 = arith.constant 16 : i32
        %mul3A_32 = arith.muli %scan3A_30, %mul3A_31 : i32
        %get3A = arith.index_cast %mul3A_32 : i32 to index
        %get3A_33 = tpu.vector_load %arg24[%get3A] {strides = array<i32>} : memref<4096xf32, #tpu.memory_space<vmem>>, vector<16xf32>,
        %get3A_34 = arith.index_cast %mul3A_32 : i32 to index
        %get3A_35 = tpu.vector_load %arg25[%get3A_34] {strides = array<i32>} : memref<4096xf32, #tpu.memory_space<vmem>>, vector<16xf32>,
        %add3A_36 = arith.addf %get3A_33, %get3A_35 : vector<16xf32>
        %swap3A = arith.index_cast %mul3A_32 : i32 to index
        %swap3A_37 = tpu.vector_load %arg26[%swap3A] {strides = array<i32>} : memref<4096xf32, #tpu.memory_space<vmem>>, vector<16xf32>,
        tpu.vector_store %arg26[%swap3A], %add3A_36 {strides = array<i32>} : memref<4096xf32, #tpu.memory_space<vmem>>, vector<16xf32>,
      }
      %scan3A_23 = arith.constant 256 : i32
      %scan3A_24 = arith.constant 0 : i32
      %scan3A_25 = arith.constant 0 : i32
      %scan3A_26 = arith.constant 32 : i32
      %scan3A_27 = arith.addi %scan3A_25, %scan3A_26 : i32
      %scan3A_28 = arith.constant 1 : i32
      scf.for %scan3A_30 = %scan3A_25 to %scan3A_27 step %scan3A_28  : i32 {
        %mul3A_31 = arith.constant 160 : i32
        %mul3A_32 = arith.muli %scan3A_30, %mul3A_31 : i32
        %add3A_33 = arith.constant 0 : i32
        %add3A_34 = arith.addi %mul3A_32, %add3A_33 : i32
        %get3A = arith.index_cast %add3A_34 : i32 to index
        %get3A_35 = tpu.vector_load %arg16[%get3A] {strides = array<i32>} : memref<5120xi32, #tpu.memory_space<vmem>>, vector<16xi32>,
        %gather3A = tpu.vector_load_idx %arg26[%get3A_35] : memref<4096xf32, #tpu.memory_space<vmem>>[vector<16xi32>], vector<16xf32>,
        %get3A_36 = arith.index_cast %add3A_34 : i32 to index
        %get3A_37 = tpu.vector_load %arg17[%get3A_36] {strides = array<i32>} : memref<5120xi32, #tpu.memory_space<vmem>>, vector<16xi32>,
        %gather3A_38 = tpu.vector_load_idx %arg26[%get3A_37] : memref<4096xf32, #tpu.memory_space<vmem>>[vector<16xi32>], vector<16xf32>,
        %get3A_39 = arith.index_cast %add3A_34 : i32 to index
        %get3A_40 = tpu.vector_load %arg18[%get3A_39] {strides = array<i32>} : memref<5120xi32, #tpu.memory_space<vmem>>, vector<16xi32>,
        %gather3A_41 = tpu.vector_load_idx %arg26[%get3A_40] : memref<4096xf32, #tpu.memory_space<vmem>>[vector<16xi32>], vector<16xf32>,
        %get3A_42 = arith.index_cast %add3A_34 : i32 to index
        %get3A_43 = tpu.vector_load %arg19[%get3A_42] {strides = array<i32>} : memref<5120xi32, #tpu.memory_space<vmem>>, vector<16xi32>,
        %gather3A_44 = tpu.vector_load_idx %arg26[%get3A_43] : memref<4096xf32, #tpu.memory_space<vmem>>[vector<16xi32>], vector<16xf32>,
        %get3A_45 = arith.index_cast %add3A_34 : i32 to index
        %get3A_46 = tpu.vector_load %arg20[%get3A_45] {strides = array<i32>} : memref<5120xf32, #tpu.memory_space<vmem>>, vector<16xf32>,
        %mul3A_47 = arith.mulf %gather3A, %get3A_46 : vector<16xf32>
        %get3A_48 = arith.index_cast %add3A_34 : i32 to index
        %get3A_49 = tpu.vector_load %arg21[%get3A_48] {strides = array<i32>} : memref<5120xf32, #tpu.memory_space<vmem>>, vector<16xf32>,
        %mul3A_50 = arith.mulf %gather3A_38, %get3A_49 : vector<16xf32>
        %add3A_51 = arith.addf %mul3A_47, %mul3A_50 : vector<16xf32>
        %get3A_52 = arith.index_cast %add3A_34 : i32 to index
        %get3A_53 = tpu.vector_load %arg22[%get3A_52] {strides = array<i32>} : memref<5120xf32, #tpu.memory_space<vmem>>, vector<16xf32>,
        %mul3A_54 = arith.mulf %gather3A_41, %get3A_53 : vector<16xf32>
        %add3A_55 = arith.addf %add3A_51, %mul3A_54 : vector<16xf32>
        %get3A_56 = arith.index_cast %add3A_34 : i32 to index
        %get3A_57 = tpu.vector_load %arg23[%get3A_56] {strides = array<i32>} : memref<5120xf32, #tpu.memory_space<vmem>>, vector<16xf32>,
        %mul3A_58 = arith.mulf %gather3A_44, %get3A_57 : vector<16xf32>
        %add3A_59 = arith.addf %add3A_55, %mul3A_58 : vector<16xf32>
        %swap3A = arith.index_cast %scan3A_30 : i32 to index
        %swap3A_60 = arith.constant 0 : index
        %swap3A_61 = tpu.vector_load %arg27[%swap3A, %swap3A_60] {strides = array<i32>} : memref<32x160xf32, #tpu.memory_space<vmem>>, vector<16xf32>,
        tpu.vector_store %arg27[%swap3A, %swap3A_60], %add3A_59 {strides = array<i32>} : memref<32x160xf32, #tpu.memory_space<vmem>>, vector<16xf32>,
        %mul3A_62 = arith.constant 160 : i32
        %mul3A_63 = arith.muli %scan3A_30, %mul3A_62 : i32
        %add3A_64 = arith.constant 16 : i32
        %add3A_65 = arith.addi %mul3A_63, %add3A_64 : i32
        %get3A_66 = arith.index_cast %add3A_65 : i32 to index
        %get3A_67 = tpu.vector_load %arg16[%get3A_66] {strides = array<i32>} : memref<5120xi32, #tpu.memory_space<vmem>>, vector<16xi32>,
        %gather3A_68 = tpu.vector_load_idx %arg26[%get3A_67] : memref<4096xf32, #tpu.memory_space<vmem>>[vector<16xi32>], vector<16xf32>,
        %get3A_69 = arith.index_cast %add3A_65 : i32 to index
        %get3A_70 = tpu.vector_load %arg17[%get3A_69] {strides = array<i32>} : memref<5120xi32, #tpu.memory_space<vmem>>, vector<16xi32>,
        %gather3A_71 = tpu.vector_load_idx %arg26[%get3A_70] : memref<4096xf32, #tpu.memory_space<vmem>>[vector<16xi32>], vector<16xf32>,
        %get3A_72 = arith.index_cast %add3A_65 : i32 to index
        %get3A_73 = tpu.vector_load %arg18[%get3A_72] {strides = array<i32>} : memref<5120xi32, #tpu.memory_space<vmem>>, vector<16xi32>,
        %gather3A_74 = tpu.vector_load_idx %arg26[%get3A_73] : memref<4096xf32, #tpu.memory_space<vmem>>[vector<16xi32>], vector<16xf32>,
        %get3A_75 = arith.index_cast %add3A_65 : i32 to index
        %get3A_76 = tpu.vector_load %arg19[%get3A_75] {strides = array<i32>} : memref<5120xi32, #tpu.memory_space<vmem>>, vector<16xi32>,
        %gather3A_77 = tpu.vector_load_idx %arg26[%get3A_76] : memref<4096xf32, #tpu.memory_space<vmem>>[vector<16xi32>], vector<16xf32>,
        %get3A_78 = arith.index_cast %add3A_65 : i32 to index
        %get3A_79 = tpu.vector_load %arg20[%get3A_78] {strides = array<i32>} : memref<5120xf32, #tpu.memory_space<vmem>>, vector<16xf32>,
        %mul3A_80 = arith.mulf %gather3A_68, %get3A_79 : vector<16xf32>
        %get3A_81 = arith.index_cast %add3A_65 : i32 to index
        %get3A_82 = tpu.vector_load %arg21[%get3A_81] {strides = array<i32>} : memref<5120xf32, #tpu.memory_space<vmem>>, vector<16xf32>,
        %mul3A_83 = arith.mulf %gather3A_71, %get3A_82 : vector<16xf32>
        %add3A_84 = arith.addf %mul3A_80, %mul3A_83 : vector<16xf32>
        %get3A_85 = arith.index_cast %add3A_65 : i32 to index
        %get3A_86 = tpu.vector_load %arg22[%get3A_85] {strides = array<i32>} : memref<5120xf32, #tpu.memory_space<vmem>>, vector<16xf32>,
        %mul3A_87 = arith.mulf %gather3A_74, %get3A_86 : vector<16xf32>
        %add3A_88 = arith.addf %add3A_84, %mul3A_87 : vector<16xf32>
        %get3A_89 = arith.index_cast %add3A_65 : i32 to index
        %get3A_90 = tpu.vector_load %arg23[%get3A_89] {strides = array<i32>} : memref<5120xf32, #tpu.memory_space<vmem>>, vector<16xf32>,
        %mul3A_91 = arith.mulf %gather3A_77, %get3A_90 : vector<16xf32>
        %add3A_92 = arith.addf %add3A_88, %mul3A_91 : vector<16xf32>
        %swap3A_93 = arith.index_cast %scan3A_30 : i32 to index
        %swap3A_94 = arith.constant 16 : index
        %swap3A_95 = tpu.vector_load %arg27[%swap3A_93, %swap3A_94] {strides = array<i32>} : memref<32x160xf32, #tpu.memory_space<vmem>>, vector<16xf32>,
        tpu.vector_store %arg27[%swap3A_93, %swap3A_94], %add3A_92 {strides = array<i32>} : memref<32x160xf32, #tpu.memory_space<vmem>>, vector<16xf32>,
        %mul3A_96 = arith.constant 160 : i32
        %mul3A_97 = arith.muli %scan3A_30, %mul3A_96 : i32
        %add3A_98 = arith.constant 32 : i32
        %add3A_99 = arith.addi %mul3A_97, %add3A_98 : i32
        %get3A_100 = arith.index_cast %add3A_99 : i32 to index
        %get3A_101 = tpu.vector_load %arg16[%get3A_100] {strides = array<i32>} : memref<5120xi32, #tpu.memory_space<vmem>>, vector<16xi32>,
        %gather3A_102 = tpu.vector_load_idx %arg26[%get3A_101] : memref<4096xf32, #tpu.memory_space<vmem>>[vector<16xi32>], vector<16xf32>,
        %get3A_103 = arith.index_cast %add3A_99 : i32 to index
        %get3A_104 = tpu.vector_load %arg17[%get3A_103] {strides = array<i32>} : memref<5120xi32, #tpu.memory_space<vmem>>, vector<16xi32>,
        %gather3A_105 = tpu.vector_load_idx %arg26[%get3A_104] : memref<4096xf32, #tpu.memory_space<vmem>>[vector<16xi32>], vector<16xf32>,
        %get3A_106 = arith.index_cast %add3A_99 : i32 to index
        %get3A_107 = tpu.vector_load %arg18[%get3A_106] {strides = array<i32>} : memref<5120xi32, #tpu.memory_space<vmem>>, vector<16xi32>,
        %gather3A_108 = tpu.vector_load_idx %arg26[%get3A_107] : memref<4096xf32, #tpu.memory_space<vmem>>[vector<16xi32>], vector<16xf32>,
        %get3A_109 = arith.index_cast %add3A_99 : i32 to index
        %get3A_110 = tpu.vector_load %arg19[%get3A_109] {strides = array<i32>} : memref<5120xi32, #tpu.memory_space<vmem>>, vector<16xi32>,
        %gather3A_111 = tpu.vector_load_idx %arg26[%get3A_110] : memref<4096xf32, #tpu.memory_space<vmem>>[vector<16xi32>], vector<16xf32>,
        %get3A_112 = arith.index_cast %add3A_99 : i32 to index
        %get3A_113 = tpu.vector_load %arg20[%get3A_112] {strides = array<i32>} : memref<5120xf32, #tpu.memory_space<vmem>>, vector<16xf32>,
        %mul3A_114 = arith.mulf %gather3A_102, %get3A_113 : vector<16xf32>
        %get3A_115 = arith.index_cast %add3A_99 : i32 to index
        %get3A_116 = tpu.vector_load %arg21[%get3A_115] {strides = array<i32>} : memref<5120xf32, #tpu.memory_space<vmem>>, vector<16xf32>,
        %mul3A_117 = arith.mulf %gather3A_105, %get3A_116 : vector<16xf32>
        %add3A_118 = arith.addf %mul3A_114, %mul3A_117 : vector<16xf32>
        %get3A_119 = arith.index_cast %add3A_99 : i32 to index
        %get3A_120 = tpu.vector_load %arg22[%get3A_119] {strides = array<i32>} : memref<5120xf32, #tpu.memory_space<vmem>>, vector<16xf32>,
        %mul3A_121 = arith.mulf %gather3A_108, %get3A_120 : vector<16xf32>
        %add3A_122 = arith.addf %add3A_118, %mul3A_121 : vector<16xf32>
        %get3A_123 = arith.index_cast %add3A_99 : i32 to index
        %get3A_124 = tpu.vector_load %arg23[%get3A_123] {strides = array<i32>} : memref<5120xf32, #tpu.memory_space<vmem>>, vector<16xf32>,
        %mul3A_125 = arith.mulf %gather3A_111, %get3A_124 : vector<16xf32>
        %add3A_126 = arith.addf %add3A_122, %mul3A_125 : vector<16xf32>
        %swap3A_127 = arith.index_cast %scan3A_30 : i32 to index
        %swap3A_128 = arith.constant 32 : index
        %swap3A_129 = tpu.vector_load %arg27[%swap3A_127, %swap3A_128] {strides = array<i32>} : memref<32x160xf32, #tpu.memory_space<vmem>>, vector<16xf32>,
        tpu.vector_store %arg27[%swap3A_127, %swap3A_128], %add3A_126 {strides = array<i32>} : memref<32x160xf32, #tpu.memory_space<vmem>>, vector<16xf32>,
        %mul3A_130 = arith.constant 160 : i32
        %mul3A_131 = arith.muli %scan3A_30, %mul3A_130 : i32
        %add3A_132 = arith.constant 48 : i32
        %add3A_133 = arith.addi %mul3A_131, %add3A_132 : i32
        %get3A_134 = arith.index_cast %add3A_133 : i32 to index
        %get3A_135 = tpu.vector_load %arg16[%get3A_134] {strides = array<i32>} : memref<5120xi32, #tpu.memory_space<vmem>>, vector<16xi32>,
        %gather3A_136 = tpu.vector_load_idx %arg26[%get3A_135] : memref<4096xf32, #tpu.memory_space<vmem>>[vector<16xi32>], vector<16xf32>,
        %get3A_137 = arith.index_cast %add3A_133 : i32 to index
        %get3A_138 = tpu.vector_load %arg17[%get3A_137] {strides = array<i32>} : memref<5120xi32, #tpu.memory_space<vmem>>, vector<16xi32>,
        %gather3A_139 = tpu.vector_load_idx %arg26[%get3A_138] : memref<4096xf32, #tpu.memory_space<vmem>>[vector<16xi32>], vector<16xf32>,
        %get3A_140 = arith.index_cast %add3A_133 : i32 to index
        %get3A_141 = tpu.vector_load %arg18[%get3A_140] {strides = array<i32>} : memref<5120xi32, #tpu.memory_space<vmem>>, vector<16xi32>,
        %gather3A_142 = tpu.vector_load_idx %arg26[%get3A_141] : memref<4096xf32, #tpu.memory_space<vmem>>[vector<16xi32>], vector<16xf32>,
        %get3A_143 = arith.index_cast %add3A_133 : i32 to index
        %get3A_144 = tpu.vector_load %arg19[%get3A_143] {strides = array<i32>} : memref<5120xi32, #tpu.memory_space<vmem>>, vector<16xi32>,
        %gather3A_145 = tpu.vector_load_idx %arg26[%get3A_144] : memref<4096xf32, #tpu.memory_space<vmem>>[vector<16xi32>], vector<16xf32>,
        %get3A_146 = arith.index_cast %add3A_133 : i32 to index
        %get3A_147 = tpu.vector_load %arg20[%get3A_146] {strides = array<i32>} : memref<5120xf32, #tpu.memory_space<vmem>>, vector<16xf32>,
        %mul3A_148 = arith.mulf %gather3A_136, %get3A_147 : vector<16xf32>
        %get3A_149 = arith.index_cast %add3A_133 : i32 to index
        %get3A_150 = tpu.vector_load %arg21[%get3A_149] {strides = array<i32>} : memref<5120xf32, #tpu.memory_space<vmem>>, vector<16xf32>,
        %mul3A_151 = arith.mulf %gather3A_139, %get3A_150 : vector<16xf32>
        %add3A_152 = arith.addf %mul3A_148, %mul3A_151 : vector<16xf32>
        %get3A_153 = arith.index_cast %add3A_133 : i32 to index
        %get3A_154 = tpu.vector_load %arg22[%get3A_153] {strides = array<i32>} : memref<5120xf32, #tpu.memory_space<vmem>>, vector<16xf32>,
        %mul3A_155 = arith.mulf %gather3A_142, %get3A_154 : vector<16xf32>
        %add3A_156 = arith.addf %add3A_152, %mul3A_155 : vector<16xf32>
        %get3A_157 = arith.index_cast %add3A_133 : i32 to index
        %get3A_158 = tpu.vector_load %arg23[%get3A_157] {strides = array<i32>} : memref<5120xf32, #tpu.memory_space<vmem>>, vector<16xf32>,
        %mul3A_159 = arith.mulf %gather3A_145, %get3A_158 : vector<16xf32>
        %add3A_160 = arith.addf %add3A_156, %mul3A_159 : vector<16xf32>
        %swap3A_161 = arith.index_cast %scan3A_30 : i32 to index
        %swap3A_162 = arith.constant 48 : index
        %swap3A_163 = tpu.vector_load %arg27[%swap3A_161, %swap3A_162] {strides = array<i32>} : memref<32x160xf32, #tpu.memory_space<vmem>>, vector<16xf32>,
        tpu.vector_store %arg27[%swap3A_161, %swap3A_162], %add3A_160 {strides = array<i32>} : memref<32x160xf32, #tpu.memory_space<vmem>>, vector<16xf32>,
        %mul3A_164 = arith.constant 160 : i32
        %mul3A_165 = arith.muli %scan3A_30, %mul3A_164 : i32
        %add3A_166 = arith.constant 64 : i32
        %add3A_167 = arith.addi %mul3A_165, %add3A_166 : i32
        %get3A_168 = arith.index_cast %add3A_167 : i32 to index
        %get3A_169 = tpu.vector_load %arg16[%get3A_168] {strides = array<i32>} : memref<5120xi32, #tpu.memory_space<vmem>>, vector<16xi32>,
        %gather3A_170 = tpu.vector_load_idx %arg26[%get3A_169] : memref<4096xf32, #tpu.memory_space<vmem>>[vector<16xi32>], vector<16xf32>,
        %get3A_171 = arith.index_cast %add3A_167 : i32 to index
        %get3A_172 = tpu.vector_load %arg17[%get3A_171] {strides = array<i32>} : memref<5120xi32, #tpu.memory_space<vmem>>, vector<16xi32>,
        %gather3A_173 = tpu.vector_load_idx %arg26[%get3A_172] : memref<4096xf32, #tpu.memory_space<vmem>>[vector<16xi32>], vector<16xf32>,
        %get3A_174 = arith.index_cast %add3A_167 : i32 to index
        %get3A_175 = tpu.vector_load %arg18[%get3A_174] {strides = array<i32>} : memref<5120xi32, #tpu.memory_space<vmem>>, vector<16xi32>,
        %gather3A_176 = tpu.vector_load_idx %arg26[%get3A_175] : memref<4096xf32, #tpu.memory_space<vmem>>[vector<16xi32>], vector<16xf32>,
        %get3A_177 = arith.index_cast %add3A_167 : i32 to index
        %get3A_178 = tpu.vector_load %arg19[%get3A_177] {strides = array<i32>} : memref<5120xi32, #tpu.memory_space<vmem>>, vector<16xi32>,
        %gather3A_179 = tpu.vector_load_idx %arg26[%get3A_178] : memref<4096xf32, #tpu.memory_space<vmem>>[vector<16xi32>], vector<16xf32>,
        %get3A_180 = arith.index_cast %add3A_167 : i32 to index
        %get3A_181 = tpu.vector_load %arg20[%get3A_180] {strides = array<i32>} : memref<5120xf32, #tpu.memory_space<vmem>>, vector<16xf32>,
        %mul3A_182 = arith.mulf %gather3A_170, %get3A_181 : vector<16xf32>
        %get3A_183 = arith.index_cast %add3A_167 : i32 to index
        %get3A_184 = tpu.vector_load %arg21[%get3A_183] {strides = array<i32>} : memref<5120xf32, #tpu.memory_space<vmem>>, vector<16xf32>,
        %mul3A_185 = arith.mulf %gather3A_173, %get3A_184 : vector<16xf32>
        %add3A_186 = arith.addf %mul3A_182, %mul3A_185 : vector<16xf32>
        %get3A_187 = arith.index_cast %add3A_167 : i32 to index
        %get3A_188 = tpu.vector_load %arg22[%get3A_187] {strides = array<i32>} : memref<5120xf32, #tpu.memory_space<vmem>>, vector<16xf32>,
        %mul3A_189 = arith.mulf %gather3A_176, %get3A_188 : vector<16xf32>
        %add3A_190 = arith.addf %add3A_186, %mul3A_189 : vector<16xf32>
        %get3A_191 = arith.index_cast %add3A_167 : i32 to index
        %get3A_192 = tpu.vector_load %arg23[%get3A_191] {strides = array<i32>} : memref<5120xf32, #tpu.memory_space<vmem>>, vector<16xf32>,
        %mul3A_193 = arith.mulf %gather3A_179, %get3A_192 : vector<16xf32>
        %add3A_194 = arith.addf %add3A_190, %mul3A_193 : vector<16xf32>
        %swap3A_195 = arith.index_cast %scan3A_30 : i32 to index
        %swap3A_196 = arith.constant 64 : index
        %swap3A_197 = tpu.vector_load %arg27[%swap3A_195, %swap3A_196] {strides = array<i32>} : memref<32x160xf32, #tpu.memory_space<vmem>>, vector<16xf32>,
        tpu.vector_store %arg27[%swap3A_195, %swap3A_196], %add3A_194 {strides = array<i32>} : memref<32x160xf32, #tpu.memory_space<vmem>>, vector<16xf32>,
        %mul3A_198 = arith.constant 160 : i32
        %mul3A_199 = arith.muli %scan3A_30, %mul3A_198 : i32
        %add3A_200 = arith.constant 80 : i32
        %add3A_201 = arith.addi %mul3A_199, %add3A_200 : i32
        %get3A_202 = arith.index_cast %add3A_201 : i32 to index
        %get3A_203 = tpu.vector_load %arg16[%get3A_202] {strides = array<i32>} : memref<5120xi32, #tpu.memory_space<vmem>>, vector<16xi32>,
        %gather3A_204 = tpu.vector_load_idx %arg26[%get3A_203] : memref<4096xf32, #tpu.memory_space<vmem>>[vector<16xi32>], vector<16xf32>,
        %get3A_205 = arith.index_cast %add3A_201 : i32 to index
        %get3A_206 = tpu.vector_load %arg17[%get3A_205] {strides = array<i32>} : memref<5120xi32, #tpu.memory_space<vmem>>, vector<16xi32>,
        %gather3A_207 = tpu.vector_load_idx %arg26[%get3A_206] : memref<4096xf32, #tpu.memory_space<vmem>>[vector<16xi32>], vector<16xf32>,
        %get3A_208 = arith.index_cast %add3A_201 : i32 to index
        %get3A_209 = tpu.vector_load %arg18[%get3A_208] {strides = array<i32>} : memref<5120xi32, #tpu.memory_space<vmem>>, vector<16xi32>,
        %gather3A_210 = tpu.vector_load_idx %arg26[%get3A_209] : memref<4096xf32, #tpu.memory_space<vmem>>[vector<16xi32>], vector<16xf32>,
        %get3A_211 = arith.index_cast %add3A_201 : i32 to index
        %get3A_212 = tpu.vector_load %arg19[%get3A_211] {strides = array<i32>} : memref<5120xi32, #tpu.memory_space<vmem>>, vector<16xi32>,
        %gather3A_213 = tpu.vector_load_idx %arg26[%get3A_212] : memref<4096xf32, #tpu.memory_space<vmem>>[vector<16xi32>], vector<16xf32>,
        %get3A_214 = arith.index_cast %add3A_201 : i32 to index
        %get3A_215 = tpu.vector_load %arg20[%get3A_214] {strides = array<i32>} : memref<5120xf32, #tpu.memory_space<vmem>>, vector<16xf32>,
        %mul3A_216 = arith.mulf %gather3A_204, %get3A_215 : vector<16xf32>
        %get3A_217 = arith.index_cast %add3A_201 : i32 to index
        %get3A_218 = tpu.vector_load %arg21[%get3A_217] {strides = array<i32>} : memref<5120xf32, #tpu.memory_space<vmem>>, vector<16xf32>,
        %mul3A_219 = arith.mulf %gather3A_207, %get3A_218 : vector<16xf32>
        %add3A_220 = arith.addf %mul3A_216, %mul3A_219 : vector<16xf32>
        %get3A_221 = arith.index_cast %add3A_201 : i32 to index
        %get3A_222 = tpu.vector_load %arg22[%get3A_221] {strides = array<i32>} : memref<5120xf32, #tpu.memory_space<vmem>>, vector<16xf32>,
        %mul3A_223 = arith.mulf %gather3A_210, %get3A_222 : vector<16xf32>
        %add3A_224 = arith.addf %add3A_220, %mul3A_223 : vector<16xf32>
        %get3A_225 = arith.index_cast %add3A_201 : i32 to index
        %get3A_226 = tpu.vector_load %arg23[%get3A_225] {strides = array<i32>} : memref<5120xf32, #tpu.memory_space<vmem>>, vector<16xf32>,
        %mul3A_227 = arith.mulf %gather3A_213, %get3A_226 : vector<16xf32>
        %add3A_228 = arith.addf %add3A_224, %mul3A_227 : vector<16xf32>
        %swap3A_229 = arith.index_cast %scan3A_30 : i32 to index
        %swap3A_230 = arith.constant 80 : index
        %swap3A_231 = tpu.vector_load %arg27[%swap3A_229, %swap3A_230] {strides = array<i32>} : memref<32x160xf32, #tpu.memory_space<vmem>>, vector<16xf32>,
        tpu.vector_store %arg27[%swap3A_229, %swap3A_230], %add3A_228 {strides = array<i32>} : memref<32x160xf32, #tpu.memory_space<vmem>>, vector<16xf32>,
        %mul3A_232 = arith.constant 160 : i32
        %mul3A_233 = arith.muli %scan3A_30, %mul3A_232 : i32
        %add3A_234 = arith.constant 96 : i32
        %add3A_235 = arith.addi %mul3A_233, %add3A_234 : i32
        %get3A_236 = arith.index_cast %add3A_235 : i32 to index
        %get3A_237 = tpu.vector_load %arg16[%get3A_236] {strides = array<i32>} : memref<5120xi32, #tpu.memory_space<vmem>>, vector<16xi32>,
        %gather3A_238 = tpu.vector_load_idx %arg26[%get3A_237] : memref<4096xf32, #tpu.memory_space<vmem>>[vector<16xi32>], vector<16xf32>,
        %get3A_239 = arith.index_cast %add3A_235 : i32 to index
        %get3A_240 = tpu.vector_load %arg17[%get3A_239] {strides = array<i32>} : memref<5120xi32, #tpu.memory_space<vmem>>, vector<16xi32>,
        %gather3A_241 = tpu.vector_load_idx %arg26[%get3A_240] : memref<4096xf32, #tpu.memory_space<vmem>>[vector<16xi32>], vector<16xf32>,
        %get3A_242 = arith.index_cast %add3A_235 : i32 to index
        %get3A_243 = tpu.vector_load %arg18[%get3A_242] {strides = array<i32>} : memref<5120xi32, #tpu.memory_space<vmem>>, vector<16xi32>,
        %gather3A_244 = tpu.vector_load_idx %arg26[%get3A_243] : memref<4096xf32, #tpu.memory_space<vmem>>[vector<16xi32>], vector<16xf32>,
        %get3A_245 = arith.index_cast %add3A_235 : i32 to index
        %get3A_246 = tpu.vector_load %arg19[%get3A_245] {strides = array<i32>} : memref<5120xi32, #tpu.memory_space<vmem>>, vector<16xi32>,
        %gather3A_247 = tpu.vector_load_idx %arg26[%get3A_246] : memref<4096xf32, #tpu.memory_space<vmem>>[vector<16xi32>], vector<16xf32>,
        %get3A_248 = arith.index_cast %add3A_235 : i32 to index
        %get3A_249 = tpu.vector_load %arg20[%get3A_248] {strides = array<i32>} : memref<5120xf32, #tpu.memory_space<vmem>>, vector<16xf32>,
        %mul3A_250 = arith.mulf %gather3A_238, %get3A_249 : vector<16xf32>
        %get3A_251 = arith.index_cast %add3A_235 : i32 to index
        %get3A_252 = tpu.vector_load %arg21[%get3A_251] {strides = array<i32>} : memref<5120xf32, #tpu.memory_space<vmem>>, vector<16xf32>,
        %mul3A_253 = arith.mulf %gather3A_241, %get3A_252 : vector<16xf32>
        %add3A_254 = arith.addf %mul3A_250, %mul3A_253 : vector<16xf32>
        %get3A_255 = arith.index_cast %add3A_235 : i32 to index
        %get3A_256 = tpu.vector_load %arg22[%get3A_255] {strides = array<i32>} : memref<5120xf32, #tpu.memory_space<vmem>>, vector<16xf32>,
        %mul3A_257 = arith.mulf %gather3A_244, %get3A_256 : vector<16xf32>
        %add3A_258 = arith.addf %add3A_254, %mul3A_257 : vector<16xf32>
        %get3A_259 = arith.index_cast %add3A_235 : i32 to index
        %get3A_260 = tpu.vector_load %arg23[%get3A_259] {strides = array<i32>} : memref<5120xf32, #tpu.memory_space<vmem>>, vector<16xf32>,
        %mul3A_261 = arith.mulf %gather3A_247, %get3A_260 : vector<16xf32>
        %add3A_262 = arith.addf %add3A_258, %mul3A_261 : vector<16xf32>
        %swap3A_263 = arith.index_cast %scan3A_30 : i32 to index
        %swap3A_264 = arith.constant 96 : index
        %swap3A_265 = tpu.vector_load %arg27[%swap3A_263, %swap3A_264] {strides = array<i32>} : memref<32x160xf32, #tpu.memory_space<vmem>>, vector<16xf32>,
        tpu.vector_store %arg27[%swap3A_263, %swap3A_264], %add3A_262 {strides = array<i32>} : memref<32x160xf32, #tpu.memory_space<vmem>>, vector<16xf32>,
        %mul3A_266 = arith.constant 160 : i32
        %mul3A_267 = arith.muli %scan3A_30, %mul3A_266 : i32
        %add3A_268 = arith.constant 112 : i32
        %add3A_269 = arith.addi %mul3A_267, %add3A_268 : i32
        %get3A_270 = arith.index_cast %add3A_269 : i32 to index
        %get3A_271 = tpu.vector_load %arg16[%get3A_270] {strides = array<i32>} : memref<5120xi32, #tpu.memory_space<vmem>>, vector<16xi32>,
        %gather3A_272 = tpu.vector_load_idx %arg26[%get3A_271] : memref<4096xf32, #tpu.memory_space<vmem>>[vector<16xi32>], vector<16xf32>,
        %get3A_273 = arith.index_cast %add3A_269 : i32 to index
        %get3A_274 = tpu.vector_load %arg17[%get3A_273] {strides = array<i32>} : memref<5120xi32, #tpu.memory_space<vmem>>, vector<16xi32>,
        %gather3A_275 = tpu.vector_load_idx %arg26[%get3A_274] : memref<4096xf32, #tpu.memory_space<vmem>>[vector<16xi32>], vector<16xf32>,
        %get3A_276 = arith.index_cast %add3A_269 : i32 to index
        %get3A_277 = tpu.vector_load %arg18[%get3A_276] {strides = array<i32>} : memref<5120xi32, #tpu.memory_space<vmem>>, vector<16xi32>,
        %gather3A_278 = tpu.vector_load_idx %arg26[%get3A_277] : memref<4096xf32, #tpu.memory_space<vmem>>[vector<16xi32>], vector<16xf32>,
        %get3A_279 = arith.index_cast %add3A_269 : i32 to index
        %get3A_280 = tpu.vector_load %arg19[%get3A_279] {strides = array<i32>} : memref<5120xi32, #tpu.memory_space<vmem>>, vector<16xi32>,
        %gather3A_281 = tpu.vector_load_idx %arg26[%get3A_280] : memref<4096xf32, #tpu.memory_space<vmem>>[vector<16xi32>], vector<16xf32>,
        %get3A_282 = arith.index_cast %add3A_269 : i32 to index
        %get3A_283 = tpu.vector_load %arg20[%get3A_282] {strides = array<i32>} : memref<5120xf32, #tpu.memory_space<vmem>>, vector<16xf32>,
        %mul3A_284 = arith.mulf %gather3A_272, %get3A_283 : vector<16xf32>
        %get3A_285 = arith.index_cast %add3A_269 : i32 to index
        %get3A_286 = tpu.vector_load %arg21[%get3A_285] {strides = array<i32>} : memref<5120xf32, #tpu.memory_space<vmem>>, vector<16xf32>,
        %mul3A_287 = arith.mulf %gather3A_275, %get3A_286 : vector<16xf32>
        %add3A_288 = arith.addf %mul3A_284, %mul3A_287 : vector<16xf32>
        %get3A_289 = arith.index_cast %add3A_269 : i32 to index
        %get3A_290 = tpu.vector_load %arg22[%get3A_289] {strides = array<i32>} : memref<5120xf32, #tpu.memory_space<vmem>>, vector<16xf32>,
        %mul3A_291 = arith.mulf %gather3A_278, %get3A_290 : vector<16xf32>
        %add3A_292 = arith.addf %add3A_288, %mul3A_291 : vector<16xf32>
        %get3A_293 = arith.index_cast %add3A_269 : i32 to index
        %get3A_294 = tpu.vector_load %arg23[%get3A_293] {strides = array<i32>} : memref<5120xf32, #tpu.memory_space<vmem>>, vector<16xf32>,
        %mul3A_295 = arith.mulf %gather3A_281, %get3A_294 : vector<16xf32>
        %add3A_296 = arith.addf %add3A_292, %mul3A_295 : vector<16xf32>
        %swap3A_297 = arith.index_cast %scan3A_30 : i32 to index
        %swap3A_298 = arith.constant 112 : index
        %swap3A_299 = tpu.vector_load %arg27[%swap3A_297, %swap3A_298] {strides = array<i32>} : memref<32x160xf32, #tpu.memory_space<vmem>>, vector<16xf32>,
        tpu.vector_store %arg27[%swap3A_297, %swap3A_298], %add3A_296 {strides = array<i32>} : memref<32x160xf32, #tpu.memory_space<vmem>>, vector<16xf32>,
        %mul3A_300 = arith.constant 160 : i32
        %mul3A_301 = arith.muli %scan3A_30, %mul3A_300 : i32
        %add3A_302 = arith.constant 128 : i32
        %add3A_303 = arith.addi %mul3A_301, %add3A_302 : i32
        %get3A_304 = arith.index_cast %add3A_303 : i32 to index
        %get3A_305 = tpu.vector_load %arg16[%get3A_304] {strides = array<i32>} : memref<5120xi32, #tpu.memory_space<vmem>>, vector<16xi32>,
        %gather3A_306 = tpu.vector_load_idx %arg26[%get3A_305] : memref<4096xf32, #tpu.memory_space<vmem>>[vector<16xi32>], vector<16xf32>,
        %get3A_307 = arith.index_cast %add3A_303 : i32 to index
        %get3A_308 = tpu.vector_load %arg17[%get3A_307] {strides = array<i32>} : memref<5120xi32, #tpu.memory_space<vmem>>, vector<16xi32>,
        %gather3A_309 = tpu.vector_load_idx %arg26[%get3A_308] : memref<4096xf32, #tpu.memory_space<vmem>>[vector<16xi32>], vector<16xf32>,
        %get3A_310 = arith.index_cast %add3A_303 : i32 to index
        %get3A_311 = tpu.vector_load %arg18[%get3A_310] {strides = array<i32>} : memref<5120xi32, #tpu.memory_space<vmem>>, vector<16xi32>,
        %gather3A_312 = tpu.vector_load_idx %arg26[%get3A_311] : memref<4096xf32, #tpu.memory_space<vmem>>[vector<16xi32>], vector<16xf32>,
        %get3A_313 = arith.index_cast %add3A_303 : i32 to index
        %get3A_314 = tpu.vector_load %arg19[%get3A_313] {strides = array<i32>} : memref<5120xi32, #tpu.memory_space<vmem>>, vector<16xi32>,
        %gather3A_315 = tpu.vector_load_idx %arg26[%get3A_314] : memref<4096xf32, #tpu.memory_space<vmem>>[vector<16xi32>], vector<16xf32>,
        %get3A_316 = arith.index_cast %add3A_303 : i32 to index
        %get3A_317 = tpu.vector_load %arg20[%get3A_316] {strides = array<i32>} : memref<5120xf32, #tpu.memory_space<vmem>>, vector<16xf32>,
        %mul3A_318 = arith.mulf %gather3A_306, %get3A_317 : vector<16xf32>
        %get3A_319 = arith.index_cast %add3A_303 : i32 to index
        %get3A_320 = tpu.vector_load %arg21[%get3A_319] {strides = array<i32>} : memref<5120xf32, #tpu.memory_space<vmem>>, vector<16xf32>,
        %mul3A_321 = arith.mulf %gather3A_309, %get3A_320 : vector<16xf32>
        %add3A_322 = arith.addf %mul3A_318, %mul3A_321 : vector<16xf32>
        %get3A_323 = arith.index_cast %add3A_303 : i32 to index
        %get3A_324 = tpu.vector_load %arg22[%get3A_323] {strides = array<i32>} : memref<5120xf32, #tpu.memory_space<vmem>>, vector<16xf32>,
        %mul3A_325 = arith.mulf %gather3A_312, %get3A_324 : vector<16xf32>
        %add3A_326 = arith.addf %add3A_322, %mul3A_325 : vector<16xf32>
        %get3A_327 = arith.index_cast %add3A_303 : i32 to index
        %get3A_328 = tpu.vector_load %arg23[%get3A_327] {strides = array<i32>} : memref<5120xf32, #tpu.memory_space<vmem>>, vector<16xf32>,
        %mul3A_329 = arith.mulf %gather3A_315, %get3A_328 : vector<16xf32>
        %add3A_330 = arith.addf %add3A_326, %mul3A_329 : vector<16xf32>
        %swap3A_331 = arith.index_cast %scan3A_30 : i32 to index
        %swap3A_332 = arith.constant 128 : index
        %swap3A_333 = tpu.vector_load %arg27[%swap3A_331, %swap3A_332] {strides = array<i32>} : memref<32x160xf32, #tpu.memory_space<vmem>>, vector<16xf32>,
        tpu.vector_store %arg27[%swap3A_331, %swap3A_332], %add3A_330 {strides = array<i32>} : memref<32x160xf32, #tpu.memory_space<vmem>>, vector<16xf32>,
        %mul3A_334 = arith.constant 160 : i32
        %mul3A_335 = arith.muli %scan3A_30, %mul3A_334 : i32
        %add3A_336 = arith.constant 144 : i32
        %add3A_337 = arith.addi %mul3A_335, %add3A_336 : i32
        %get3A_338 = arith.index_cast %add3A_337 : i32 to index
        %get3A_339 = tpu.vector_load %arg16[%get3A_338] {strides = array<i32>} : memref<5120xi32, #tpu.memory_space<vmem>>, vector<16xi32>,
        %gather3A_340 = tpu.vector_load_idx %arg26[%get3A_339] : memref<4096xf32, #tpu.memory_space<vmem>>[vector<16xi32>], vector<16xf32>,
        %get3A_341 = arith.index_cast %add3A_337 : i32 to index
        %get3A_342 = tpu.vector_load %arg17[%get3A_341] {strides = array<i32>} : memref<5120xi32, #tpu.memory_space<vmem>>, vector<16xi32>,
        %gather3A_343 = tpu.vector_load_idx %arg26[%get3A_342] : memref<4096xf32, #tpu.memory_space<vmem>>[vector<16xi32>], vector<16xf32>,
        %get3A_344 = arith.index_cast %add3A_337 : i32 to index
        %get3A_345 = tpu.vector_load %arg18[%get3A_344] {strides = array<i32>} : memref<5120xi32, #tpu.memory_space<vmem>>, vector<16xi32>,
        %gather3A_346 = tpu.vector_load_idx %arg26[%get3A_345] : memref<4096xf32, #tpu.memory_space<vmem>>[vector<16xi32>], vector<16xf32>,
        %get3A_347 = arith.index_cast %add3A_337 : i32 to index
        %get3A_348 = tpu.vector_load %arg19[%get3A_347] {strides = array<i32>} : memref<5120xi32, #tpu.memory_space<vmem>>, vector<16xi32>,
        %gather3A_349 = tpu.vector_load_idx %arg26[%get3A_348] : memref<4096xf32, #tpu.memory_space<vmem>>[vector<16xi32>], vector<16xf32>,
        %get3A_350 = arith.index_cast %add3A_337 : i32 to index
        %get3A_351 = tpu.vector_load %arg20[%get3A_350] {strides = array<i32>} : memref<5120xf32, #tpu.memory_space<vmem>>, vector<16xf32>,
        %mul3A_352 = arith.mulf %gather3A_340, %get3A_351 : vector<16xf32>
        %get3A_353 = arith.index_cast %add3A_337 : i32 to index
        %get3A_354 = tpu.vector_load %arg21[%get3A_353] {strides = array<i32>} : memref<5120xf32, #tpu.memory_space<vmem>>, vector<16xf32>,
        %mul3A_355 = arith.mulf %gather3A_343, %get3A_354 : vector<16xf32>
        %add3A_356 = arith.addf %mul3A_352, %mul3A_355 : vector<16xf32>
        %get3A_357 = arith.index_cast %add3A_337 : i32 to index
        %get3A_358 = tpu.vector_load %arg22[%get3A_357] {strides = array<i32>} : memref<5120xf32, #tpu.memory_space<vmem>>, vector<16xf32>,
        %mul3A_359 = arith.mulf %gather3A_346, %get3A_358 : vector<16xf32>
        %add3A_360 = arith.addf %add3A_356, %mul3A_359 : vector<16xf32>
        %get3A_361 = arith.index_cast %add3A_337 : i32 to index
        %get3A_362 = tpu.vector_load %arg23[%get3A_361] {strides = array<i32>} : memref<5120xf32, #tpu.memory_space<vmem>>, vector<16xf32>,
        %mul3A_363 = arith.mulf %gather3A_349, %get3A_362 : vector<16xf32>
        %add3A_364 = arith.addf %add3A_360, %mul3A_363 : vector<16xf32>
        %swap3A_365 = arith.index_cast %scan3A_30 : i32 to index
        %swap3A_366 = arith.constant 144 : index
        %swap3A_367 = tpu.vector_load %arg27[%swap3A_365, %swap3A_366] {strides = array<i32>} : memref<32x160xf32, #tpu.memory_space<vmem>>, vector<16xf32>,
        tpu.vector_store %arg27[%swap3A_365, %swap3A_366], %add3A_364 {strides = array<i32>} : memref<32x160xf32, #tpu.memory_space<vmem>>, vector<16xf32>,
      }
      %scan3A_29 = arith.constant 32 : i32
      "tpu.region"() ({
        %run_scoped3A = tpu.sem_alloc : memref<!tpu.dma_semaphore, #tpu.memory_space<semaphore_mem>>
        %dma_start3A = arith.constant 0 : i32
        %dma_start3A_30 = arith.constant 0 : i32
        %dma_start3A_31 = tpu.memref_slice %arg9[%arg0, %dma_start3A, %add3A, %dma_start3A_30] : memref<2x32x192x160xf32, #tpu.memory_space<hbm>> -> memref<1x32x1x160xf32, #tpu.memory_space<hbm>>
        %dma_start3A_32 = tpu.memref_squeeze %dma_start3A_31 : memref<1x32x1x160xf32, #tpu.memory_space<hbm>> -> memref<32x160xf32, #tpu.memory_space<hbm>>
        %dma_start3A_33 = arith.constant 0 : i32
        %dma_start3A_34 = arith.constant 0 : i32
        %dma_start3A_35 = tpu.memref_slice %arg9[%arg0, %dma_start3A_33, %add3A, %dma_start3A_34] : memref<2x32x192x160xf32, #tpu.memory_space<hbm>> -> memref<1x32x1x160xf32, #tpu.memory_space<hbm>>
        %dma_start3A_36 = tpu.memref_squeeze %dma_start3A_35 : memref<1x32x1x160xf32, #tpu.memory_space<hbm>> -> memref<32x160xf32, #tpu.memory_space<hbm>>
        tpu.enqueue_dma source(%arg27 : memref<32x160xf32, #tpu.memory_space<vmem>>) target(%dma_start3A_36 : memref<32x160xf32, #tpu.memory_space<hbm>>) target_semaphore(%run_scoped3A : memref<!tpu.dma_semaphore, #tpu.memory_space<semaphore_mem>>)
        %dma_wait3A = arith.constant 0 : i32
        %dma_wait3A_37 = arith.constant 0 : i32
        %dma_wait3A_38 = tpu.memref_slice %arg9[%arg0, %dma_wait3A, %add3A, %dma_wait3A_37] : memref<2x32x192x160xf32, #tpu.memory_space<hbm>> -> memref<1x32x1x160xf32, #tpu.memory_space<hbm>>
        %dma_wait3A_39 = tpu.memref_squeeze %dma_wait3A_38 : memref<1x32x1x160xf32, #tpu.memory_space<hbm>> -> memref<32x160xf32, #tpu.memory_space<hbm>>
        %dma_wait3A_40 = arith.constant 0 : i32
        %dma_wait3A_41 = arith.constant 0 : i32
        %dma_wait3A_42 = tpu.memref_slice %arg9[%arg0, %dma_wait3A_40, %add3A, %dma_wait3A_41] : memref<2x32x192x160xf32, #tpu.memory_space<hbm>> -> memref<1x32x1x160xf32, #tpu.memory_space<hbm>>
        %dma_wait3A_43 = tpu.memref_squeeze %dma_wait3A_42 : memref<1x32x1x160xf32, #tpu.memory_space<hbm>> -> memref<32x160xf32, #tpu.memory_space<hbm>>
        tpu.wait_dma2 semaphore(%run_scoped3A : memref<!tpu.dma_semaphore, #tpu.memory_space<semaphore_mem>>) src(%arg27 : memref<32x160xf32, #tpu.memory_space<vmem>>) dst(%dma_wait3A_43 : memref<32x160xf32, #tpu.memory_space<hbm>>)
        tpu.yield
      }) : () -> ()
    }
    %scan3A_11 = arith.constant 12 : i32
    return
  }
}

</mosaic_0001>

<sc_bundles>
// kernel: kernel.3.cloned.1.call-start
scs
__scs_entry_jumppad:
0x0: {  	(pc) =	sbr.rel $0x88, $3  }
0x1: {  	(tag) =	ssettag $0x0;
	lr =	simm.s32 $0x1  }
0x2: {  	[smem:$0x3F9E] =	sst lr;
	_ =	strace $0xD0000000  }
0x3: {  	_ = 	snop  }
0x4: {  	_ = 	snop  }
0x5: {  	_ = 	snop  }
0x6: {  	_ = 	snop  }
0x7: {  	_ = 	snop  }
__scs_overlays_trampoline_lowered:
0x8: {  	[smem:$0x3FAD] =	sst s0  }
0x9: {  	[smem:$0x3FAE] =	sst s1  }
0xa: {  	[smem:$0x3FAF] =	sst s2  }
0xb: {  	[smem:$0x3FB0] =	sst s3  }
0xc: {  	[smem:$0x3FB1] =	sst s4  }
0xd: {  	[smem:$0x3FB2] =	sst s5  }
0xe: {  	[smem:$0x3FB3] =	sst s6  }
0xf: {  	[smem:$0x3FB4] =	sst s7  }
0x10: {  	[smem:$0x3FB5] =	sst s8  }
0x11: {  	[smem:$0x3FB6] =	sst s9;
	s0 =	simm.s32 @!p0 $0x0  }
0x12: {  	s1 =	sld [smem:$0x3F9C];
	s0 =	simm.s32 @p0 $0x1  }
0x13: {  	[smem:$0x3FB7] =	sst s0;
	s0 =	simm.s32 @!p1 $0x0  }
0x14: {  	s2 =	sld [smem:$0x3F9B];
	s0 =	simm.s32 @p1 $0x1  }
0x15: {  	[smem:$0x3FB8] =	sst s0;
	s0 =	simm.s32 @!p2 $0x0  }
0x16: {  	s3 =	sld [smem:$0x3FDB];
	s0 =	simm.s32 @p2 $0x1  }
0x17: {  	s4 =	simm.s32 $0x1BF5;
	[smem:$0x3FBA] =	sst s0  }
0x18: {  	s0 =	sld [smem:$0x3F9D];
	_ =	swait.ge [sflag:s4], $0x0  }
0x19: {  	s7 =	sld [smem:$0x3F9E]  }
0x1a: {  	s8 =	sadd.s32 $0xFFFFE003, lr  }
0x1b: {  	s9 =	sadd.s32 $0xFFFFFEF7, lr;
	s5 =	simm.s32 $0xFFFFFFFF;
	p2 =	slt.u32 s8, $0xFFFFF086  }
0x1c: {  	p1 =	slt.u32 s9, $0xF7A;
	s5 =	simm.s32 @!p2 $0x0  }
0x1d: {  	s5 =	simm.s32 @p1 $0x1;
	p0 =	seq.s32 s7, s2  }
0x1e: {  	s7 =	smul.u32 @!p0 $0xF7A, s2;
	p2 =	seq.s32 @!p0 s5, $0x0  }
0x1f: {  	s9 =	smul.u32 $0xF7A, s1;
	s8 =	simm.s32 @!p0 $0x1BF5;
	p2 =	por !p2, p0  }
0x20: {  	[sflag:s8] =	ssyncset.s32 @!p0 $0xFFFFF086;
	s6 =	sadd.s32 @!p0 s3, s7;
	s7 =	simm.s32 @!p0 $0x108  }
0x21: {  	s3 =	sadd.s32 s3, s9;
	s6 =	sadd.s32 @!p0 $0x88, s6;
	s7 =	simm.s32 @p2 $0x1082  }
0x22: {  	[simem:s7], [sflag:s8] =	dma.local @!p0 [hbm:s6], $0xF7A  }
0x23: {  	s9 =	sor.u32 $0xD0000000, s2;
	s6 =	simm.s32 $0x108;
	_ =	swait.ge @!p0 [sflag:s8], $0x0  }
0x24: {  	s3 =	sadd.s32 $0x88, s3;
	s6 =	simm.s32 @!p1 $0x1082;
	[sflag:s4] =	ssyncset.s32 $0xFFFFF086  }
0x25: {  	[simem:s6], [sflag:s4] =	dma.local [hbm:s3], $0xF7A  }
0x26: {  	[smem:$0x3F9E] =	sst s1;
	(tag) =	ssettag s2;
	_ =	strace s9  }
0x27: {  	s1 =	sld [smem:$0x3FAE]  }
0x28: {  	s2 =	sld [smem:$0x3FAF]  }
0x29: {  	s4 =	sld [smem:$0x3FB1]  }
0x2a: {  	p0 =	seq.s32 s5, $0x0;
	s5 =	sld [smem:$0x3FB2]  }
0x2b: {  	s6 =	sld [smem:$0x3FB3]  }
0x2c: {  	s7 =	sld [smem:$0x3FB4]  }
0x2d: {  	s3 =	simm.s32 $0x108;
	s8 =	sld [smem:$0x3FB5]  }
0x2e: {  	s3 =	simm.s32 @!p0 $0x1082;
	s9 =	sld [smem:$0x3FB6]  }
0x2f: {  	lr =	sadd.s32 s0, s3;
	s0 =	sld [smem:$0x3FAD]  }
0x30: {  	s3 =	sld [smem:$0x3FB0]  }
0x31: {  	[smem:$0x3FB9] =	sst s10  }
0x32: {  	s10 =	sld [smem:$0x3FB7];
	_ =	sdelay $0x3  }
0x33: {  	p0 =	seq.s32 s10, $0x1;
	s10 =	sld [smem:$0x3FB9];
	_ =	sdelay $0x3  }
0x34: {  	[smem:$0x3FB9] =	sst s10  }
0x35: {  	s10 =	sld [smem:$0x3FB8];
	_ =	sdelay $0x3  }
0x36: {  	p1 =	seq.s32 s10, $0x1;
	s10 =	sld [smem:$0x3FB9];
	_ =	sdelay $0x3  }
0x37: {  	[smem:$0x3FB9] =	sst s10  }
0x38: {  	s10 =	sld [smem:$0x3FBA]  }
0x39: {  	_ = 	snop;
	(pc) =	sbr.ind lr, $3  }
0x3a: {  	_ = 	snop  }
0x3b: {  	_ = 	snop  }
0x3c: {  	p2 =	seq.s32 s10, $0x1;
	s10 =	sld [smem:$0x3FB9]  }
0x3d: {  	_ =	shalt  }
0x3e: {  	_ =	shalt  }
0x3f: {  	_ =	shalt  }
0x40: {  	_ =	shalt  }
0x41: {  	_ =	shalt  }
0x42: {  	_ =	shalt  }
0x43: {  	_ =	shalt  }
0x44: {  	_ =	shalt  }
0x45: {  	_ =	shalt  }
0x46: {  	_ =	shalt  }
0x47: {  	_ =	shalt  }
0x48: {  	_ =	shalt  }
0x49: {  	_ =	shalt  }
0x4a: {  	_ =	shalt  }
0x4b: {  	_ =	shalt  }
0x4c: {  	_ =	shalt  }
0x4d: {  	_ =	shalt  }
0x4e: {  	_ =	shalt  }
0x4f: {  	_ =	shalt  }
0x50: {  	_ =	shalt  }
0x51: {  	_ =	shalt  }
0x52: {  	_ =	shalt  }
0x53: {  	_ =	shalt  }
0x54: {  	_ =	shalt  }
0x55: {  	_ =	shalt  }
0x56: {  	_ =	shalt  }
0x57: {  	_ =	shalt  }
0x58: {  	_ =	shalt  }
0x59: {  	_ =	shalt  }
0x5a: {  	_ =	shalt  }
0x5b: {  	_ =	shalt  }
0x5c: {  	_ =	shalt  }
0x5d: {  	_ =	shalt  }
0x5e: {  	_ =	shalt  }
0x5f: {  	_ =	shalt  }
0x60: {  	_ =	shalt  }
0x61: {  	_ =	shalt  }
0x62: {  	_ =	shalt  }
0x63: {  	_ =	shalt  }
0x64: {  	_ =	shalt  }
0x65: {  	_ =	shalt  }
0x66: {  	_ =	shalt  }
0x67: {  	_ =	shalt  }
0x68: {  	_ =	shalt  }
0x69: {  	_ =	shalt  }
0x6a: {  	_ =	shalt  }
0x6b: {  	_ =	shalt  }
0x6c: {  	_ =	shalt  }
0x6d: {  	_ =	shalt  }
0x6e: {  	_ =	shalt  }
0x6f: {  	_ =	shalt  }
0x70: {  	_ =	shalt  }
0x71: {  	_ =	shalt  }
0x72: {  	_ =	shalt  }
0x73: {  	_ =	shalt  }
0x74: {  	_ =	shalt  }
0x75: {  	_ =	shalt  }
0x76: {  	_ =	shalt  }
0x77: {  	_ =	shalt  }
0x78: {  	_ =	shalt  }
0x79: {  	_ =	shalt  }
0x7a: {  	_ =	shalt  }
0x7b: {  	_ =	shalt  }
0x7c: {  	_ =	shalt  }
0x7d: {  	_ =	shalt  }
0x7e: {  	_ =	shalt  }
0x7f: {  	_ =	shalt  }
0x80: {  	_ =	shalt  }
0x81: {  	_ =	shalt  }
0x82: {  	_ =	shalt  }
0x83: {  	_ =	shalt  }
0x84: {  	_ =	shalt  }
0x85: {  	_ =	shalt  }
0x86: {  	_ =	shalt  }
0x87: {  	_ =	shalt  }
.Lfunc_end0:
.L_simem_size_0:
called_computation_lowered:
.L_overlay_start_0:
0x88: {  	s2 =	sld [smem:$0x3FD9]  }
0x89: {  	s3 =	sld [smem:$0x3FFE];
	_ =	sdelay $0x1  }
0x8a: {  	s1 =	srdreg.scid  }
0x8b: {  	s0 =	sand.u32 $0x1, s1  }
0x8c: {  	s14 =	sshll.u32 s0, $0xA;
	s2 =	sadd.s32 s3, s2  }
0x8d: {  	s2 =	sadd.s32 s2, s14  }
0x8e: {  	[smem:$0x3FC5] =	sst s2  }
0x8f: {  	_ = 	snop  }
0x90: {  	s2 =	sld [smem:$0x3FD0];
	_ =	sdelay $0x2  }
0x91: {  	s15 =	simm.s32 $0xA;
	s4 =	simm.s32 $0x10  }
0x92: {  	[smem:s4], [sflag:s15] =	dma.local [hbm:s2], $0x1  }
0x93: {  	_ =	swait.eq [sflag:s15], $0x1  }
0x94: {  	[sflag:s15] =	ssyncset.done $0x0  }
0x95: {  	s16 =	sld [smem:$0x10];
	[sflag:s15] =	ssyncadd.s32 $0xFFFFFFFF  }
0x96: {  	s17 =	sld [smem:$0x11];
	(tm) =	ssettm $0x1  }
0x97: {  	s18 =	sld [smem:$0x3FFB];
	_ =	sdelay $0x3  }
0x98: {  	_ =	strace s18  }
0x99: {  	s4 =	sld [smem:$0x3FFC];
	_ =	sdelay $0x3  }
0x9a: {  	_ =	strace s4  }
0x9b: {  	s4 =	sld [smem:$0x3FFD];
	_ =	sdelay $0x3  }
0x9c: {  	_ =	strace s4  }
0x9d: {  	_ =	strace $0x8FFFFFFF  }
0x9e: {  	s19 =	sld [smem:$0x3FDB];
	_ =	sdelay $0x1  }
0x9f: {  	s5 =	simm.s32 $_scs_section_size  }
0xa0: {  	s6 =	simm.s32 $_size__tile_overlayer_lowered;
	s7 =	simm.s32 $_tile_overlayer_lowered  }
0xa1: {  	s22 =	simm.s32 $0x1BFF;
	s21 =	sshll.u32 s7, $0x1;
	s4 =	sadd.s32 s5, s19  }
0xa2: {  	s8 =	simm.s32 $0x0;
	s20 =	sshll.u32 s6, $0x1;
	s6 =	sadd.s32 s21, s4  }
0xa3: {  	[timem:s8], [sflag:s22] =	dma.local [hbm:s6], s20  }
0xa4: {  	_ =	swait.ge [sflag:s22], s20  }
0xa5: {  	s5 =	ssub.s32 $0x0, s20;
	[sflag:s22] =	ssyncset.done $0x0  }
0xa6: {  	[sflag:s22] =	ssyncadd.s32 s5;
	_ =	sdelay $0x1  }
0xa7: {  	s23 =	simm.s32 $0x1B8B  }
0xa8: {  	_ =	swait.ge [sflag:s23], $0x1  }
0xa9: {  	[sflag:s23] =	ssyncset.done $0x0  }
0xaa: {  	s25 =	simm.s32 $0x1B8E;
	s24 =	sld [smem:$0x3FFE];
	[sflag:s23] =	ssyncadd.s32 $0xFFFFFFFF  }
0xab: {  	s26 =	simm.s32 $execute0_lowered;
	[smem:$0x3FD2] =	sst s25  }
0xac: {  	s6 =	sshll.u32 s26, $0x1;
	_ =	strace $0x80000046;
	[dreg:$0x1] =	wrdreg $0xFFFFFFFF  }
0xad: {  	s28 =	simm.s32 $_size_execute0_lowered;
	s4 =	sadd.s32 s4, s6;
	[dreg:$0x0] =	wrdreg $0x0  }
0xae: {  	s6 =	sshll.u32 s28, $0x1;
	[dreg:$0x2] =	wrdreg s4  }
0xaf: {  	[dreg:$0x3] =	wrdreg s6  }
0xb0: {  	[dreg:$0x4] =	wrdreg $0xC0  }
0xb1: {  	_ =	task [dreg:s8], $0x5FFFF  }
0xb2: {  	[dreg:$0x1] =	wrdreg $0xFFFFFFFF  }
0xb3: {  	[dreg:$0x0] =	wrdreg $0x60  }
0xb4: {  	[dreg:$0x2] =	wrdreg s24  }
0xb5: {  	[dreg:$0x3] =	wrdreg s16  }
0xb6: {  	[dreg:$0x4] =	wrdreg s17  }
0xb7: {  	[dreg:$0x5] =	wrdreg $0x9  }
0xb8: {  	_ =	task.clear_ibuf [dreg:s8], $0x6FFFF;
	_ =	strace $0x90000046  }
0xb9: {  	s29 =	simm.s32 $0x9;
	_ =	strace $0x80000048  }
0xba: {  	_ =	swait.ge [sflag:s29], $0x1  }
0xbb: {  	[sflag:s29] =	ssyncadd.s32 $0xFFFFFFFF  }
0xbc: {  	_ =	strace $0x90000048  }
0xbd: {  	_ =	sfence  }
0xbe: {  	s30 =	sld [smem:$0x0];
	_ =	sdelay $0x2  }
0xbf: {  	s31 =	sshll.u32 s1, $0xD;
	s1 =	sshrl.u32 s1, $0x2  }
0xc0: {  	s3 =	sand.u32 $0x4000, s31;
	s1 =	sadd.s32 s1, s30  }
0xc1: {  	s0 =	sor.u32 s3, s0;
	s1 =	sshll.u32 s1, $0x11  }
0xc2: {  	s0 =	sor.u32 s1, s0  }
0xc3: {  	s0 =	sadd.s32 $0x8F2B, s0  }
0xc4: {  	[sflag:s0] =	ssyncadd.remote.s32 $0x1  }
0xc5: {  	_ =	sfence.sel $0xFFFF  }
0xc6: {  	[dreg:$0x0] =	wrdreg $0xFFFFFFFF;
	(pc) =	sbr.abs _section_cstart, $3  }
0xc7: {  	[dreg:$0x1] =	wrdreg $0xFFFFFFFF  }
0xc8: {  	_ =	task.clear_ibuf [dreg:s8], $0x2FFFF;
	_ =	strace $0x9FFFFFFF  }
0xc9: {  	(tm) =	ssettm $0x7FFFFFFF  }
tec
execute0_lowered:
.L_overlay_start_1:
0x0: {  	(tag) =	ssettag $0x1  }
0x1: {  	s0 =	rddreg [dreg:$0x0]  }
0x2: {  	s1 =	rddreg [dreg:$0x1]  }
0x3: {  	s2 =	rddreg [dreg:$0x2];
	s4 =	simm.s32 $0x0;
	s3 =	srdreg.scid  }
0x4: {  	s10 =	stileid.u32;
	s16 =	simm.s32 $0x1;
	s28 =	simm.s32 $0xC000  }
0x5: {  	s29 =	simm.s32 $0x13000;
	s30 =	simm.s32 $0x13400;
	s31 =	simm.s32 $0x13800  }
0x6: {  	s17 =	simm.s32 $0x14400;
	s18 =	simm.s32 $0x14800;
	s19 =	simm.s32 $0x14C00  }
0x7: {  	[smem:$0x7FF] =	sst s4;
	s6 =	sand.u32 $0x1, s3;
	s3 =	sadd.s32 $0x1200, s0  }
0x8: {  	s4 =	sadd.s32 $0x62200, s0;
	s13 =	sadd.s32 $0x31200, s0;
	_ =	strace $0x80000047  }
0x9: {  	s7 =	sshll.u32 s6, $0x9;
	s5 =	ssub.s32 $0x2, s6;
	s12 =	smul.u32 $0xC0, s6  }
0xa: {  	s14 =	smul.u32 $0x180000, s6;
	s6 =	simm.s32 $0x0;
	s1 =	sadd.s32 s1, s7  }
0xb: {  	s8 =	sadd.s32 s7, s0;
	s23 =	sadd.s32 s2, s7;
	[dreg:$0x6] =	wrdreg s1  }
0xc: {  	s9 =	sshrl.u32 s5, $0x1;
	s21 =	sadd.s32 $0x61600, s8;
	[dreg:$0x7] =	wrdreg s23  }
0xd: {  	s0 =	simm.s32 $0x13C00;
	s22 =	sadd.s32 $0x61200, s8;
	[dreg:$0x4] =	wrdreg s21  }
0xe: {  	s2 =	simm.s32 $0x14000;
	s24 =	sadd.s32 $0x61E00, s8;
	[dreg:$0x5] =	wrdreg s22  }
0xf: {  	s9 =	ssub.s32 s5, s9;
	s25 =	sadd.s32 $0x61A00, s8;
	[dreg:$0x8] =	wrdreg s24  }
0x10: {  	s5 =	smul.u32 $0xC, s10;
	s23 =	simm.s32 $0x400;
	[dreg:$0x9] =	wrdreg s25  }
0x11: {  	s26 =	smax.u32 s9, $0x1;
	s22 =	simm.s32 $0x80;
	s24 =	simm.s32 $0x10000  }
0x12: {  	v0 =	vimm.f32 $0.0e+00;
	s25 =	simm.s32 $0x11000;
	[dreg:$0xa] =	wrdreg s26;
	s26 =	simm.s32 $0x12000  }
.LBB2_1:
0x13: {  	[dreg:$0xb] =	wrdreg s6  }
0x14: {  	s1 =	simm.s32 $0x0;
	s20 =	rddreg [dreg:$0x4]  }
0x15: {  	[tilespmem:s1], [sflag:$0x1] =	stream.linear.gather [hbm4b:s20+s1], $0x1000, $0x38;
	[tilespmem:$0x15000] =	vst v63  }
0x16: {  	_ =	swait.ge [sflag:s16], $0x1000  }
0x17: {  	[sflag:s16] =	ssyncset.done $0x0  }
0x18: {  	s7 =	simm.s32 $0x1000;
	s21 =	rddreg [dreg:$0x5];
	[sflag:s16] =	ssyncadd.s32 $0xFFFFF000  }
0x19: {  	[tilespmem:s7], [sflag:$0x1] =	stream.linear.gather [hbm4b:s21+s1], $0x1000, $0x38;
	[tilespmem:$0x15000] =	vst v63  }
0x1a: {  	_ =	swait.ge [sflag:s16], $0x1000  }
0x1b: {  	[sflag:s16] =	ssyncset.done $0x0  }
0x1c: {  	s8 =	simm.s32 $0x2000;
	s7 =	rddreg [dreg:$0x6];
	[sflag:s16] =	ssyncadd.s32 $0xFFFFF000  }
0x1d: {  	[tilespmem:s8], [sflag:$0x1] =	stream.linear.gather [hbm4b:s7+s1], $0x1000, $0x38;
	[tilespmem:$0x15000] =	vst v63  }
0x1e: {  	_ =	swait.ge [sflag:s16], $0x1000  }
0x1f: {  	[sflag:s16] =	ssyncset.done $0x0  }
0x20: {  	s10 =	simm.s32 $0x3000;
	s9 =	rddreg [dreg:$0x7];
	[sflag:s16] =	ssyncadd.s32 $0xFFFFF000  }
0x21: {  	[tilespmem:s10], [sflag:$0x1] =	stream.linear.gather [hbm4b:s9+s1], $0x1000, $0x38;
	[tilespmem:$0x15000] =	vst v63  }
0x22: {  	_ =	swait.ge [sflag:s16], $0x1000  }
0x23: {  	[sflag:s16] =	ssyncset.done $0x0  }
0x24: {  	s15 =	simm.s32 $0x4000;
	s11 =	rddreg [dreg:$0x8];
	[sflag:s16] =	ssyncadd.s32 $0xFFFFF000  }
0x25: {  	[tilespmem:s15], [sflag:$0x1] =	stream.linear.gather [hbm4b:s11+s1], $0x1000, $0x38;
	[tilespmem:$0x15000] =	vst v63  }
0x26: {  	_ =	swait.ge [sflag:s16], $0x1000  }
0x27: {  	s6 =	simm.s32 $0x4010;
	s21 =	simm.s32 $0x5000;
	[sflag:s16] =	ssyncset.done $0x0  }
0x28: {  	s7 =	simm.s32 $0x3010;
	s20 =	rddreg [dreg:$0x9];
	[sflag:s16] =	ssyncadd.s32 $0xFFFFF000  }
0x29: {  	[tilespmem:s21], [sflag:$0x1] =	stream.linear.gather [hbm4b:s20+s1], $0x1000, $0x38;
	[tilespmem:$0x15000] =	vst v63  }
0x2a: {  	s8 =	simm.s32 $0x2010;
	s9 =	simm.s32 $0x1010;
	_ =	swait.ge [sflag:s16], $0x1000  }
0x2b: {  	s10 =	simm.s32 $0x10;
	s11 =	simm.s32 $0x0;
	[sflag:s16] =	ssyncset.done $0x0  }
0x2c: {  	s15 =	simm.s32 $0x0;
	s21 =	simm.s32 $0x5010;
	[sflag:s16] =	ssyncadd.s32 $0xFFFFF000  }
.LBB2_2:
0x2d: {  	v3 =	vld [tilespmem:s10+$0xFFFFFFF0]  }
0x2e: {  	v1 =	vld [tilespmem:s8+$0xFFFFFFF0];
	_ =	sdelay $0x4  }
0x2f: {  	v4 =	vsub.f32 v1, v3  }
0x30: {  	v5 =	vld [tilespmem:s7+$0xFFFFFFF0]  }
0x31: {  	v1 =	vld [tilespmem:s9+$0xFFFFFFF0];
	v2 =	vmul.f32 $0.0e+00, v4  }
0x32: {  	v13 =	vmul.f32 $2.500000000e-01, v4  }
0x33: {  	v2 =	vadd.f32 v2, v3  }
0x34: {  	v13 =	vadd.f32 v13, v3  }
0x35: {  	v6 =	vadd.f32 $1.000000000e+00, v2  }
0x36: {  	v2 =	vsub.f32 v5, v1;
	v13 =	vadd.f32 $1.000000000e+00, v13  }
0x37: {  	v58 =	vmul.f32 $3.150000000e+01, v6  }
0x38: {  	v59 =	vmul.f32 $0.0e+00, v2;
	v13 =	vmul.f32 $3.150000000e+01, v13  }
0x39: {  	v19 =	vmul.f32 $2.500000000e-01, v2;
	v7 =	vtrunc.f32 v58  }
0x3a: {  	v6 =	vadd.f32 v59, v1;
	v7 =	vcvt.f32.s32 v7  }
0x3b: {  	v20 =	vtrunc.f32 v13;
	v19 =	vadd.f32 v19, v1  }
0x3c: {  	v20 =	vcvt.f32.s32 v20;
	v6 =	vadd.f32 $1.000000000e+00, v6;
	v7 =	vcvt.s32.f32 v7  }
0x3d: {  	v19 =	vadd.f32 $1.000000000e+00, v19  }
0x3e: {  	v60 =	vcvt.s32.f32 v20;
	v6 =	vmul.f32 $3.150000000e+01, v6;
	v8 =	vadd.f32 $-1.000000000e+00, v7  }
0x3f: {  	v53 =	vmul.f32 $7.500000000e-01, v4;
	v63 =	vmul.f32 $3.150000000e+01, v19;
	vm0 =	vlt.f32 v58, v7  }
0x40: {  	v62 =	vadd.f32 $-1.000000000e+00, v60;
	v9 =	vtrunc.f32 v6;
	v7 =	vsel vm0, v8, v7  }
0x41: {  	vm6 =	vlt.f32 v13, v60;
	v9 =	vcvt.f32.s32 v9;
	v5 =	vsub.f32 v58, v7  }
0x42: {  	v8 =	vadd.f32 $1.000000000e+00, v7;
	vm0 =	vge.f32 v7, $0.0e+00;
	vm1 =	vle.f32 v7, $6.300000000e+01  }
0x43: {  	v7 =	vmax.f32 v7, $0.0e+00;
	vm0 =	vmand vm0, vm1;
	v9 =	vcvt.s32.f32 v9  }
0x44: {  	v7 =	vmin.f32 v7, $6.300000000e+01;
	vm12 =	vge.f32 v8, $0.0e+00;
	vm2 =	vle.f32 v8, $6.300000000e+01  }
0x45: {  	v10 =	vsel vm0, $0x3F800000, v0;
	v8 =	vmax.f32 v8, $0.0e+00;
	v7 =	vtrunc.f32 v7  }
0x46: {  	v16 =	vsub.f32 $1.000000000e+00, v5;
	vm13 =	vmand vm12, vm2;
	v12 =	vadd.f32 $-1.000000000e+00, v9  }
0x47: {  	v8 =	vmin.f32 v8, $6.300000000e+01;
	vm14 =	vlt.f32 v6, v9;
	v7 =	vcvt.f32.s32 v7  }
0x48: {  	v11 =	vsel vm13, $0x3F800000, v0;
	v8 =	vtrunc.f32 v8;
	v9 =	vsel vm14, v12, v9  }
0x49: {  	v8 =	vcvt.f32.s32 v8;
	v12 =	vadd.f32 $1.000000000e+00, v9;
	vm0 =	vge.f32 v9, $0.0e+00  }
0x4a: {  	vm15 =	vle.f32 v9, $6.300000000e+01;
	v6 =	vsub.f32 v6, v9;
	v9 =	vmax.f32 v9, $0.0e+00  }
0x4b: {  	vm0 =	vmand vm0, vm15;
	v9 =	vmin.f32 v9, $6.300000000e+01;
	vm4 =	vge.f32 v12, $0.0e+00  }
0x4c: {  	vm5 =	vle.f32 v12, $6.300000000e+01;
	v12 =	vmax.f32 v12, $0.0e+00;
	v9 =	vtrunc.f32 v9  }
0x4d: {  	v14 =	vsel vm0, $0x3F800000, v0;
	v17 =	vsub.f32 $1.000000000e+00, v6;
	v9 =	vcvt.f32.s32 v9  }
0x4e: {  	v12 =	vmin.f32 v12, $6.300000000e+01;
	v22 =	vmul.f32 v14, v10;
	v14 =	vmul.f32 v14, v11  }
0x4f: {  	vm1 =	vmand vm4, vm5;
	v12 =	vtrunc.f32 v12;
	v21 =	vmul.f32 v17, v16  }
0x50: {  	v15 =	vsel vm1, $0x3F800000, v0;
	v16 =	vmul.f32 v6, v16;
	v17 =	vmul.f32 v17, v5  }
0x51: {  	v5 =	vmul.f32 v6, v5;
	v12 =	vcvt.f32.s32 v12;
	v9 =	vshll.u32 v9, $0x6  }
0x52: {  	v10 =	vmul.f32 v15, v10;
	v19 =	vmul.f32 v15, v11;
	v18 =	vadd.s32 v7, v9  }
0x53: {  	v9 =	vadd.s32 v8, v9;
	v61 =	vmul.f32 v22, v21;
	v14 =	vmul.f32 v14, v17  }
0x54: {  	v21 =	vsel vm6, v62, v60;
	v22 =	vtrunc.f32 v63;
	v12 =	vshll.u32 v12, $0x6  }
0x55: {  	v10 =	vmul.f32 v10, v16;
	vm0 =	vge.f32 v21, $0.0e+00;
	vm7 =	vle.f32 v21, $6.300000000e+01  }
0x56: {  	v23 =	vadd.f32 $1.000000000e+00, v21;
	v5 =	vmul.f32 v19, v5;
	v11 =	vmax.f32 v21, $0.0e+00  }
0x57: {  	v7 =	vadd.s32 v7, v12;
	v8 =	vadd.s32 v8, v12;
	v12 =	vcvt.f32.s32 v22  }
0x58: {  	v24 =	vsub.f32 v13, v21;
	vm0 =	vmand vm0, vm7;
	v11 =	vmin.f32 v11, $6.300000000e+01  }
0x59: {  	v25 =	vsel vm0, $0x3F800000, v0;
	vm8 =	vge.f32 v23, $0.0e+00;
	v12 =	vcvt.s32.f32 v12  }
0x5a: {  	vm9 =	vle.f32 v23, $6.300000000e+01;
	v15 =	vmax.f32 v23, $0.0e+00;
	v11 =	vtrunc.f32 v11  }
0x5b: {  	v32 =	vsub.f32 $1.000000000e+00, v24;
	vm0 =	vmand vm8, vm9;
	v26 =	vadd.f32 $-1.000000000e+00, v12  }
0x5c: {  	v15 =	vmin.f32 v15, $6.300000000e+01;
	v11 =	vcvt.f32.s32 v11;
	vm10 =	vlt.f32 v63, v12  }
0x5d: {  	s1 =	sshra.s32 s15, $0x2;
	v15 =	vtrunc.f32 v15;
	v41 =	vsel vm0, $0x3F800000, v0;
	v12 =	vsel vm10, v26, v12  }
0x5e: {  	[tilespmem:s1+$0x6000] =	vst v18;
	v16 =	vadd.f32 $1.000000000e+00, v12;
	vm1 =	vge.f32 v12, $0.0e+00;
	vm11 =	vle.f32 v12, $6.300000000e+01  }
0x5f: {  	[tilespmem:s1+$0x8800] =	vst v9;
	v17 =	vsub.f32 v63, v12;
	v12 =	vmax.f32 v12, $0.0e+00;
	vm1 =	vmand vm1, vm11  }
0x60: {  	[tilespmem:s1+$0xB000] =	vst v61;
	v15 =	vcvt.f32.s32 v15;
	v12 =	vmin.f32 v12, $6.300000000e+01;
	v27 =	vsel vm1, $0x3F800000, v0  }
0x61: {  	[tilespmem:s1+$0xD800] =	vst v14;
	vm12 =	vge.f32 v16, $0.0e+00;
	vm13 =	vle.f32 v16, $6.300000000e+01;
	v28 =	vtrunc.f32 v12  }
0x62: {  	[tilespmem:s1+$0x7400] =	vst v7;
	v29 =	vmax.f32 v16, $0.0e+00;
	v33 =	vsub.f32 $1.000000000e+00, v17;
	v30 =	vcvt.f32.s32 v28  }
0x63: {  	[tilespmem:s1+$0x9C00] =	vst v8;
	vm1 =	vmand vm12, vm13;
	v31 =	vmin.f32 v29, $6.300000000e+01;
	v37 =	vmul.f32 v27, v25  }
0x64: {  	[tilespmem:s1+$0xC400] =	vst v10;
	v7 =	vmul.f32 v27, v41;
	v36 =	vmul.f32 v33, v32;
	v8 =	vshll.u32 v30, $0x6  }
0x65: {  	[tilespmem:s1+$0xEC00] =	vst v5;
	v9 =	vtrunc.f32 v31;
	v43 =	vmul.f32 v33, v24;
	v35 =	vadd.s32 v11, v8  }
0x66: {  	v9 =	vcvt.f32.s32 v9;
	v8 =	vadd.s32 v15, v8;
	v42 =	vmul.f32 v37, v36;
	[tilespmem:s1+$0x6020] =	vst v35  }
0x67: {  	v13 =	vadd.f32 v53, v3;
	v34 =	vsel vm1, $0x3F800000, v0;
	v7 =	vmul.f32 v7, v43;
	[tilespmem:s1+$0x8820] =	vst v8  }
0x68: {  	v39 =	vmul.f32 v17, v32;
	v40 =	vmul.f32 v34, v25;
	v38 =	vshll.u32 v9, $0x6;
	[tilespmem:s1+$0xB020] =	vst v42  }
0x69: {  	v44 =	vmul.f32 v17, v24;
	v45 =	vmul.f32 v34, v41;
	v11 =	vadd.s32 v11, v38;
	[tilespmem:s1+$0xD820] =	vst v7  }
0x6a: {  	v9 =	vmul.f32 v40, v39;
	v5 =	vadd.s32 v15, v38;
	[tilespmem:s1+$0x7420] =	vst v11  }
0x6b: {  	v13 =	vadd.f32 $1.000000000e+00, v13;
	[tilespmem:s1+$0x9C20] =	vst v5;
	v5 =	vmul.f32 v45, v44  }
0x6c: {  	[tilespmem:s1+$0xC420] =	vst v9  }
0x6d: {  	v59 =	vmul.f32 $7.500000000e-01, v2;
	v13 =	vmul.f32 $3.150000000e+01, v13;
	[tilespmem:s1+$0xEC20] =	vst v5  }
0x6e: {  	v5 =	vld [tilespmem:s6+$0xFFFFFFF0]  }
0x6f: {  	v19 =	vadd.f32 v59, v1;
	v3 =	vadd.f32 v4, v3;
	v60 =	vtrunc.f32 v13;
	v46 =	vld [tilespmem:s21+$0xFFFFFFF0]  }
0x70: {  	v1 =	vadd.f32 v2, v1;
	v20 =	vcvt.f32.s32 v60  }
0x71: {  	v19 =	vadd.f32 $1.000000000e+00, v19;
	v3 =	vadd.f32 $1.000000000e+00, v3  }
0x72: {  	v1 =	vadd.f32 $1.000000000e+00, v1;
	v20 =	vcvt.s32.f32 v20  }
0x73: {  	v19 =	vmul.f32 $3.150000000e+01, v19;
	v3 =	vmul.f32 $3.150000000e+01, v3;
	v5 =	vadd.f32 $1.000000000e+00, v5  }
0x74: {  	v1 =	vmul.f32 $3.150000000e+01, v1;
	v24 =	vadd.f32 $-1.000000000e+00, v20;
	v6 =	vadd.f32 $1.000000000e+00, v46  }
0x75: {  	vm12 =	vlt.f32 v13, v20;
	v28 =	vtrunc.f32 v19;
	v5 =	vmul.f32 $3.150000000e+01, v5  }
0x76: {  	v29 =	vcvt.f32.s32 v28;
	v26 =	vsel vm12, v24, v20;
	v6 =	vmul.f32 $3.150000000e+01, v6  }
0x77: {  	v27 =	vadd.f32 $1.000000000e+00, v26;
	vm13 =	vle.f32 v26, $6.300000000e+01;
	v47 =	vtrunc.f32 v5  }
0x78: {  	v13 =	vsub.f32 v13, v26;
	v49 =	vtrunc.f32 v6;
	v7 =	vcvt.f32.s32 v47  }
0x79: {  	v11 =	vmax.f32 v26, $0.0e+00;
	v15 =	vmax.f32 v27, $0.0e+00;
	v9 =	vcvt.f32.s32 v49  }
0x7a: {  	v38 =	vsub.f32 $1.000000000e+00, v13;
	v44 =	vtrunc.f32 v1;
	v7 =	vcvt.s32.f32 v7  }
0x7b: {  	v11 =	vmin.f32 v11, $6.300000000e+01;
	v15 =	vmin.f32 v15, $6.300000000e+01;
	v9 =	vcvt.s32.f32 v9  }
0x7c: {  	v11 =	vtrunc.f32 v11;
	v15 =	vtrunc.f32 v15;
	v48 =	vadd.f32 $-1.000000000e+00, v7  }
0x7d: {  	v11 =	vcvt.f32.s32 v11;
	vm14 =	vlt.f32 v5, v7;
	v52 =	vadd.f32 $-1.000000000e+00, v9  }
0x7e: {  	v15 =	vcvt.f32.s32 v15;
	vm8 =	vlt.f32 v6, v9;
	v7 =	vsel vm14, v48, v7  }
0x7f: {  	v9 =	vsel vm8, v52, v9;
	vm14 =	vge.f32 v27, $0.0e+00;
	v8 =	vadd.f32 $1.000000000e+00, v7  }
0x80: {  	v5 =	vsub.f32 v5, v7;
	vm0 =	vge.f32 v7, $0.0e+00;
	vm15 =	vle.f32 v7, $6.300000000e+01  }
0x81: {  	v7 =	vmax.f32 v7, $0.0e+00;
	v6 =	vsub.f32 v6, v9;
	v12 =	vadd.f32 $1.000000000e+00, v9  }
0x82: {  	vm9 =	vle.f32 v9, $6.300000000e+01;
	vm0 =	vmand vm0, vm15;
	v7 =	vmin.f32 v7, $6.300000000e+01  }
0x83: {  	vm15 =	vle.f32 v27, $6.300000000e+01;
	vm6 =	vge.f32 v8, $0.0e+00;
	vm3 =	vle.f32 v8, $6.300000000e+01  }
0x84: {  	v50 =	vsel vm0, $0x3F800000, v0;
	v8 =	vmax.f32 v8, $0.0e+00;
	v7 =	vtrunc.f32 v7  }
0x85: {  	vm0 =	vge.f32 v9, $0.0e+00;
	vm10 =	vge.f32 v12, $0.0e+00;
	v9 =	vmax.f32 v9, $0.0e+00  }
0x86: {  	vm11 =	vle.f32 v12, $6.300000000e+01;
	v12 =	vmax.f32 v12, $0.0e+00;
	v56 =	vsub.f32 $1.000000000e+00, v5  }
0x87: {  	v57 =	vsub.f32 $1.000000000e+00, v6;
	vm7 =	vmand vm6, vm3;
	v8 =	vmin.f32 v8, $6.300000000e+01  }
0x88: {  	v7 =	vcvt.f32.s32 v7;
	vm0 =	vmand vm0, vm9;
	v9 =	vmin.f32 v9, $6.300000000e+01  }
0x89: {  	vm1 =	vmand vm10, vm11;
	v12 =	vmin.f32 v12, $6.300000000e+01;
	v8 =	vtrunc.f32 v8  }
0x8a: {  	vm6 =	vmand vm14, vm15;
	v9 =	vtrunc.f32 v9;
	v12 =	vtrunc.f32 v12  }
0x8b: {  	v51 =	vsel vm7, $0x3F800000, v0;
	v61 =	vmul.f32 v57, v56;
	v16 =	vmul.f32 v6, v56  }
0x8c: {  	v54 =	vsel vm0, $0x3F800000, v0;
	v23 =	vmul.f32 v57, v5;
	v5 =	vmul.f32 v6, v5  }
0x8d: {  	v55 =	vsel vm1, $0x3F800000, v0;
	v6 =	vcvt.s32.f32 v29;
	v8 =	vcvt.f32.s32 v8  }
0x8e: {  	vm0 =	vge.f32 v26, $0.0e+00;
	v9 =	vcvt.f32.s32 v9;
	v12 =	vcvt.f32.s32 v12  }
0x8f: {  	v31 =	vsel vm6, $0x3F800000, v0;
	v62 =	vmul.f32 v54, v50;
	v10 =	vmul.f32 v55, v50  }
0x90: {  	v14 =	vmul.f32 v54, v51;
	v25 =	vmul.f32 v55, v51;
	vm0 =	vmand vm0, vm13  }
0x91: {  	v30 =	vsel vm0, $0x3F800000, v0;
	v32 =	vadd.f32 $-1.000000000e+00, v6;
	vm7 =	vlt.f32 v19, v6  }
0x92: {  	v9 =	vshll.u32 v9, $0x6;
	v63 =	vmul.f32 v62, v61;
	v10 =	vmul.f32 v10, v16  }
0x93: {  	v12 =	vshll.u32 v12, $0x6;
	v14 =	vmul.f32 v14, v23;
	v5 =	vmul.f32 v25, v5  }
0x94: {  	v25 =	vtrunc.f32 v3;
	v58 =	vadd.s32 v7, v9;
	v7 =	vadd.s32 v7, v12  }
0x95: {  	v9 =	vadd.s32 v8, v9;
	v8 =	vadd.s32 v8, v12;
	v6 =	vsel vm7, v32, v6  }
0x96: {  	v25 =	vcvt.f32.s32 v25;
	v20 =	vadd.f32 $1.000000000e+00, v6;
	vm0 =	vge.f32 v6, $0.0e+00  }
0x97: {  	vm8 =	vle.f32 v6, $6.300000000e+01;
	v19 =	vsub.f32 v19, v6;
	v6 =	vmax.f32 v6, $0.0e+00  }
0x98: {  	vm0 =	vmand vm0, vm8;
	v35 =	vmin.f32 v6, $6.300000000e+01;
	v40 =	vcvt.s32.f32 v25  }
0x99: {  	v33 =	vsel vm0, $0x3F800000, v0;
	vm9 =	vge.f32 v20, $0.0e+00;
	v34 =	vmax.f32 v20, $0.0e+00  }
0x9a: {  	vm10 =	vle.f32 v20, $6.300000000e+01;
	v4 =	vtrunc.f32 v35;
	v23 =	vsub.f32 $1.000000000e+00, v19  }
0x9b: {  	v22 =	vmul.f32 v19, v38;
	v36 =	vmin.f32 v34, $6.300000000e+01;
	v4 =	vcvt.f32.s32 v4  }
0x9c: {  	vm0 =	vmand vm9, vm10;
	v27 =	vmul.f32 v33, v30;
	v21 =	vmul.f32 v33, v31  }
0x9d: {  	v43 =	vadd.f32 $-1.000000000e+00, v40;
	v6 =	vtrunc.f32 v36;
	v26 =	vmul.f32 v23, v38  }
0x9e: {  	vm11 =	vlt.f32 v3, v40;
	v41 =	vmul.f32 v23, v13;
	v13 =	vmul.f32 v19, v13  }
0x9f: {  	v37 =	vsel vm0, $0x3F800000, v0;
	v19 =	vcvt.f32.s32 v44;
	v6 =	vcvt.f32.s32 v6  }
0xa0: {  	v4 =	vshll.u32 v4, $0x6;
	v39 =	vmul.f32 v37, v30;
	v17 =	vmul.f32 v37, v31  }
0xa1: {  	v24 =	vadd.s32 v11, v4;
	v4 =	vadd.s32 v15, v4;
	v42 =	vmul.f32 v27, v26  }
0xa2: {  	v16 =	vmul.f32 v21, v41;
	v48 =	vcvt.s32.f32 v19;
	v6 =	vshll.u32 v6, $0x6  }
0xa3: {  	v46 =	vmul.f32 v17, v13;
	v11 =	vadd.s32 v11, v6;
	v2 =	vadd.s32 v15, v6  }
0xa4: {  	[tilespmem:s1+$0x6040] =	vst v58;
	v6 =	vmul.f32 v39, v22;
	v15 =	vsel vm11, v43, v40;
	v52 =	vadd.f32 $-1.000000000e+00, v48  }
0xa5: {  	[tilespmem:s1+$0x7440] =	vst v7;
	vm15 =	vlt.f32 v1, v48;
	vm0 =	vge.f32 v15, $0.0e+00;
	vm12 =	vle.f32 v15, $6.300000000e+01  }
0xa6: {  	[tilespmem:s1+$0x8840] =	vst v9;
	v45 =	vadd.f32 $1.000000000e+00, v15;
	v3 =	vsub.f32 v3, v15;
	v49 =	vmax.f32 v15, $0.0e+00  }
0xa7: {  	[tilespmem:s1+$0x9C40] =	vst v8;
	vm0 =	vmand vm0, vm12;
	v8 =	vmin.f32 v49, $6.300000000e+01;
	v9 =	vsel vm15, v52, v48  }
0xa8: {  	[tilespmem:s1+$0xB040] =	vst v63;
	v47 =	vsel vm0, $0x3F800000, v0;
	vm13 =	vge.f32 v45, $0.0e+00;
	vm14 =	vle.f32 v45, $6.300000000e+01  }
0xa9: {  	[tilespmem:s1+$0xC440] =	vst v10;
	v50 =	vmax.f32 v45, $0.0e+00;
	v8 =	vtrunc.f32 v8;
	v54 =	vadd.f32 $1.000000000e+00, v9  }
0xaa: {  	[tilespmem:s1+$0xD840] =	vst v14;
	vm1 =	vge.f32 v9, $0.0e+00;
	vm4 =	vle.f32 v9, $6.300000000e+01;
	v1 =	vsub.f32 v1, v9  }
0xab: {  	[tilespmem:s1+$0xEC40] =	vst v5;
	v9 =	vmax.f32 v9, $0.0e+00;
	v58 =	vsub.f32 $1.000000000e+00, v3;
	vm0 =	vmand vm13, vm14  }
0xac: {  	[tilespmem:s1+$0x6060] =	vst v24;
	v51 =	vmin.f32 v50, $6.300000000e+01;
	v8 =	vcvt.f32.s32 v8;
	vm1 =	vmand vm1, vm4  }
0xad: {  	[tilespmem:s1+$0x8860] =	vst v4;
	v9 =	vmin.f32 v9, $6.300000000e+01;
	v53 =	vtrunc.f32 v51;
	v55 =	vsel vm1, $0x3F800000, v0  }
0xae: {  	[tilespmem:s1+$0xB060] =	vst v42;
	vm5 =	vge.f32 v54, $0.0e+00;
	vm6 =	vle.f32 v54, $6.300000000e+01;
	v56 =	vtrunc.f32 v9  }
0xaf: {  	[tilespmem:s1+$0xD860] =	vst v16;
	v5 =	vmax.f32 v54, $0.0e+00;
	v59 =	vsub.f32 $1.000000000e+00, v1;
	v18 =	vsel vm0, $0x3F800000, v0  }
0xb0: {  	[tilespmem:s1+$0x9C60] =	vst v2;
	v10 =	vcvt.f32.s32 v53;
	vm1 =	vmand vm5, vm6;
	v2 =	vcvt.f32.s32 v56  }
0xb1: {  	[tilespmem:s1+$0x7460] =	vst v11;
	v57 =	vmin.f32 v5, $6.300000000e+01;
	v63 =	vmul.f32 v55, v47;
	v5 =	vmul.f32 v1, v58  }
0xb2: {  	[tilespmem:s1+$0xEC60] =	vst v46;
	v4 =	vtrunc.f32 v57;
	v62 =	vmul.f32 v59, v58;
	v2 =	vshll.u32 v2, $0x6  }
0xb3: {  	s20 =	sand.u32 $0x1FE0, s11;
	[tilespmem:s1+$0xC460] =	vst v6;
	v21 =	vmul.f32 v55, v18;
	v4 =	vcvt.f32.s32 v4;
	v61 =	vadd.s32 v8, v2  }
0xb4: {  	v20 =	vmul.f32 v59, v3;
	v2 =	vadd.s32 v10, v2;
	v19 =	vmul.f32 v63, v62;
	[tilespmem:s20+$0x6080] =	vst v61  }
0xb5: {  	v1 =	vmul.f32 v1, v3;
	v60 =	vsel vm1, $0x3F800000, v0;
	v4 =	vshll.u32 v4, $0x6;
	[tilespmem:s20+$0x8880] =	vst v2  }
0xb6: {  	v17 =	vmul.f32 v60, v47;
	v3 =	vmul.f32 v21, v20;
	v2 =	vadd.s32 v10, v4;
	[tilespmem:s20+$0xB080] =	vst v19  }
0xb7: {  	[tilespmem:s20+$0x9C80] =	vst v2;
	v2 =	vmul.f32 v60, v18  }
0xb8: {  	v5 =	vmul.f32 v17, v5;
	v8 =	vadd.s32 v8, v4;
	[tilespmem:s20+$0xD880] =	vst v3  }
0xb9: {  	[tilespmem:s20+$0x7480] =	vst v8;
	v1 =	vmul.f32 v2, v1  }
0xba: {  	[tilespmem:s20+$0xC480] =	vst v5  }
0xbb: {  	[tilespmem:s20+$0xEC80] =	vst v1  }
0xbc: {  	v3 =	vld [tilespmem:s10+$0x0]  }
0xbd: {  	v1 =	vld [tilespmem:s8+$0x0];
	_ =	sdelay $0x4  }
0xbe: {  	v5 =	vld [tilespmem:s7+$0x0];
	v4 =	vsub.f32 v1, v3  }
0xbf: {  	v1 =	vld [tilespmem:s9+$0x0]  }
0xc0: {  	v2 =	vmul.f32 $0.0e+00, v4  }
0xc1: {  	v31 =	vmul.f32 $2.500000000e-01, v4  }
0xc2: {  	v2 =	vadd.f32 v2, v3  }
0xc3: {  	v13 =	vadd.f32 v31, v3  }
0xc4: {  	v22 =	vadd.f32 $1.000000000e+00, v2;
	v2 =	vsub.f32 v5, v1  }
0xc5: {  	v13 =	vadd.f32 $1.000000000e+00, v13  }
0xc6: {  	v23 =	vmul.f32 $3.150000000e+01, v22;
	v24 =	vmul.f32 $0.0e+00, v2  }
0xc7: {  	v13 =	vmul.f32 $3.150000000e+01, v13;
	v37 =	vmul.f32 $2.500000000e-01, v2  }
0xc8: {  	v25 =	vtrunc.f32 v23;
	v6 =	vadd.f32 v24, v1  }
0xc9: {  	v38 =	vtrunc.f32 v13;
	v19 =	vadd.f32 v37, v1;
	v7 =	vcvt.f32.s32 v25  }
0xca: {  	v20 =	vcvt.f32.s32 v38  }
0xcb: {  	v6 =	vadd.f32 $1.000000000e+00, v6;
	v19 =	vadd.f32 $1.000000000e+00, v19;
	v7 =	vcvt.s32.f32 v7  }
0xcc: {  	v41 =	vcvt.s32.f32 v20  }
0xcd: {  	v6 =	vmul.f32 $3.150000000e+01, v6;
	v44 =	vmul.f32 $3.150000000e+01, v19;
	v26 =	vadd.f32 $-1.000000000e+00, v7  }
0xce: {  	vm7 =	vlt.f32 v23, v7;
	v43 =	vadd.f32 $-1.000000000e+00, v41;
	vm4 =	vlt.f32 v13, v41  }
0xcf: {  	v27 =	vtrunc.f32 v6;
	v47 =	vtrunc.f32 v44;
	v7 =	vsel vm7, v26, v7  }
0xd0: {  	v9 =	vcvt.f32.s32 v27;
	v46 =	vsel vm4, v43, v41;
	v5 =	vsub.f32 v23, v7  }
0xd1: {  	v8 =	vadd.f32 $1.000000000e+00, v7;
	vm0 =	vge.f32 v7, $0.0e+00;
	vm8 =	vle.f32 v7, $6.300000000e+01  }
0xd2: {  	v7 =	vmax.f32 v7, $0.0e+00;
	vm5 =	vle.f32 v46, $6.300000000e+01;
	v48 =	vadd.f32 $1.000000000e+00, v46  }
0xd3: {  	v49 =	vsub.f32 v13, v46;
	v11 =	vmax.f32 v46, $0.0e+00;
	vm0 =	vmand vm0, vm8  }
0xd4: {  	v9 =	vcvt.s32.f32 v9;
	v7 =	vmin.f32 v7, $6.300000000e+01;
	v11 =	vmin.f32 v11, $6.300000000e+01  }
0xd5: {  	vm9 =	vge.f32 v8, $0.0e+00;
	vm10 =	vle.f32 v8, $6.300000000e+01;
	v28 =	vsel vm0, $0x3F800000, v0  }
0xd6: {  	v8 =	vmax.f32 v8, $0.0e+00;
	v7 =	vtrunc.f32 v7;
	v34 =	vsub.f32 $1.000000000e+00, v5  }
0xd7: {  	vm6 =	vge.f32 v48, $0.0e+00;
	vm7 =	vle.f32 v48, $6.300000000e+01;
	v15 =	vmax.f32 v48, $0.0e+00  }
0xd8: {  	v11 =	vtrunc.f32 v11;
	v57 =	vsub.f32 $1.000000000e+00, v49;
	vm11 =	vmand vm9, vm10  }
0xd9: {  	v8 =	vmin.f32 v8, $6.300000000e+01;
	v30 =	vadd.f32 $-1.000000000e+00, v9;
	vm12 =	vlt.f32 v6, v9  }
0xda: {  	v7 =	vcvt.f32.s32 v7;
	v15 =	vmin.f32 v15, $6.300000000e+01;
	v11 =	vcvt.f32.s32 v11  }
0xdb: {  	v29 =	vsel vm11, $0x3F800000, v0;
	v8 =	vtrunc.f32 v8;
	v9 =	vsel vm12, v30, v9  }
0xdc: {  	v15 =	vtrunc.f32 v15;
	v12 =	vadd.f32 $1.000000000e+00, v9;
	vm0 =	vge.f32 v9, $0.0e+00  }
0xdd: {  	vm13 =	vle.f32 v9, $6.300000000e+01;
	v6 =	vsub.f32 v6, v9;
	v9 =	vmax.f32 v9, $0.0e+00  }
0xde: {  	v8 =	vcvt.f32.s32 v8;
	v15 =	vcvt.f32.s32 v15;
	v9 =	vmin.f32 v9, $6.300000000e+01  }
0xdf: {  	vm14 =	vge.f32 v12, $0.0e+00;
	vm15 =	vle.f32 v12, $6.300000000e+01;
	v12 =	vmax.f32 v12, $0.0e+00  }
0xe0: {  	vm0 =	vmand vm0, vm13;
	v9 =	vtrunc.f32 v9;
	v12 =	vmin.f32 v12, $6.300000000e+01  }
0xe1: {  	v32 =	vsel vm0, $0x3F800000, v0;
	v9 =	vcvt.f32.s32 v9;
	v12 =	vtrunc.f32 v12  }
0xe2: {  	v35 =	vsub.f32 $1.000000000e+00, v6;
	v16 =	vmul.f32 v6, v34;
	v12 =	vcvt.f32.s32 v12  }
0xe3: {  	vm0 =	vge.f32 v46, $0.0e+00;
	vm1 =	vmand vm14, vm15;
	v9 =	vshll.u32 v9, $0x6  }
0xe4: {  	v36 =	vadd.s32 v7, v9;
	v9 =	vadd.s32 v8, v9;
	v12 =	vshll.u32 v12, $0x6  }
0xe5: {  	v7 =	vadd.s32 v7, v12;
	v8 =	vadd.s32 v8, v12;
	v12 =	vcvt.f32.s32 v47  }
0xe6: {  	v40 =	vmul.f32 v32, v28;
	v14 =	vmul.f32 v32, v29;
	vm0 =	vmand vm0, vm5  }
0xe7: {  	v33 =	vsel vm1, $0x3F800000, v0;
	v39 =	vmul.f32 v35, v34;
	v12 =	vcvt.s32.f32 v12  }
0xe8: {  	v17 =	vmul.f32 v35, v5;
	v5 =	vmul.f32 v6, v5;
	v50 =	vsel vm0, $0x3F800000, v0  }
0xe9: {  	vm0 =	vmand vm6, vm7;
	v10 =	vmul.f32 v33, v28;
	v51 =	vadd.f32 $-1.000000000e+00, v12  }
0xea: {  	v45 =	vmul.f32 v33, v29;
	v22 =	vsel vm0, $0x3F800000, v0;
	vm8 =	vlt.f32 v44, v12  }
0xeb: {  	v42 =	vmul.f32 v40, v39;
	v14 =	vmul.f32 v14, v17;
	v12 =	vsel vm8, v51, v12  }
0xec: {  	v10 =	vmul.f32 v10, v16;
	v16 =	vadd.f32 $1.000000000e+00, v12;
	vm1 =	vge.f32 v12, $0.0e+00  }
0xed: {  	[tilespmem:s1+$0x6010] =	vst v36;
	vm9 =	vle.f32 v12, $6.300000000e+01;
	v17 =	vsub.f32 v44, v12;
	v12 =	vmax.f32 v12, $0.0e+00  }
0xee: {  	v5 =	vmul.f32 v45, v5;
	[tilespmem:s1+$0x8810] =	vst v9;
	vm1 =	vmand vm1, vm9;
	v12 =	vmin.f32 v12, $6.300000000e+01  }
0xef: {  	[tilespmem:s1+$0xB010] =	vst v42;
	v52 =	vsel vm1, $0x3F800000, v0;
	vm10 =	vge.f32 v16, $0.0e+00;
	vm11 =	vle.f32 v16, $6.300000000e+01  }
0xf0: {  	[tilespmem:s1+$0xD810] =	vst v14;
	v53 =	vtrunc.f32 v12;
	v54 =	vmax.f32 v16, $0.0e+00;
	v58 =	vsub.f32 $1.000000000e+00, v17  }
0xf1: {  	[tilespmem:s1+$0x7410] =	vst v7;
	v20 =	vmul.f32 v17, v57;
	vm1 =	vmand vm10, vm11;
	v55 =	vcvt.f32.s32 v53  }
0xf2: {  	[tilespmem:s1+$0x9C10] =	vst v8;
	v56 =	vmin.f32 v54, $6.300000000e+01;
	v62 =	vmul.f32 v52, v50;
	v7 =	vmul.f32 v52, v22  }
0xf3: {  	[tilespmem:s1+$0xC410] =	vst v10;
	v9 =	vtrunc.f32 v56;
	v61 =	vmul.f32 v58, v57;
	v8 =	vshll.u32 v55, $0x6  }
0xf4: {  	[tilespmem:s1+$0xEC10] =	vst v5;
	v59 =	vsel vm1, $0x3F800000, v0;
	v24 =	vmul.f32 v58, v49;
	v60 =	vadd.s32 v11, v8  }
0xf5: {  	v9 =	vcvt.f32.s32 v9;
	v8 =	vadd.s32 v15, v8;
	v23 =	vmul.f32 v62, v61;
	[tilespmem:s1+$0x6030] =	vst v60  }
0xf6: {  	v21 =	vmul.f32 v59, v50;
	v7 =	vmul.f32 v7, v24;
	[tilespmem:s1+$0x8830] =	vst v8  }
0xf7: {  	v30 =	vmul.f32 $7.500000000e-01, v4;
	v25 =	vmul.f32 v17, v49;
	v63 =	vshll.u32 v9, $0x6;
	[tilespmem:s1+$0xB030] =	vst v23  }
0xf8: {  	v26 =	vmul.f32 v59, v22;
	v9 =	vmul.f32 v21, v20;
	v5 =	vadd.s32 v15, v63;
	[tilespmem:s1+$0xD830] =	vst v7  }
0xf9: {  	v32 =	vmul.f32 $7.500000000e-01, v2;
	[tilespmem:s1+$0x9C30] =	vst v5  }
0xfa: {  	v11 =	vadd.s32 v11, v63;
	[tilespmem:s1+$0xC430] =	vst v9;
	v5 =	vmul.f32 v26, v25;
	v9 =	vadd.f32 v30, v3  }
0xfb: {  	[tilespmem:s1+$0x7430] =	vst v11;
	v11 =	vadd.f32 v32, v1  }
0xfc: {  	v3 =	vadd.f32 v4, v3;
	[tilespmem:s1+$0xEC30] =	vst v5;
	v9 =	vadd.f32 $1.000000000e+00, v9  }
0xfd: {  	v1 =	vadd.f32 v2, v1;
	v11 =	vadd.f32 $1.000000000e+00, v11;
	v5 =	vld [tilespmem:s6+$0x0]  }
0xfe: {  	v3 =	vadd.f32 $1.000000000e+00, v3;
	v27 =	vld [tilespmem:s21+$0x0];
	v9 =	vmul.f32 $3.150000000e+01, v9  }
0xff: {  	v1 =	vadd.f32 $1.000000000e+00, v1;
	v11 =	vmul.f32 $3.150000000e+01, v11  }
0x100: {  	v3 =	vmul.f32 $3.150000000e+01, v3;
	v35 =	vtrunc.f32 v9  }
0x101: {  	v1 =	vmul.f32 $3.150000000e+01, v1;
	v14 =	vcvt.f32.s32 v35  }
0x102: {  	v40 =	vtrunc.f32 v11;
	v52 =	vtrunc.f32 v3;
	v5 =	vadd.f32 $1.000000000e+00, v5  }
0x103: {  	v17 =	vcvt.f32.s32 v40;
	v6 =	vadd.f32 $1.000000000e+00, v27;
	v38 =	vcvt.s32.f32 v14  }
0x104: {  	v14 =	vcvt.f32.s32 v52;
	v5 =	vmul.f32 $3.150000000e+01, v5  }
0x105: {  	v17 =	vcvt.s32.f32 v17;
	v6 =	vmul.f32 $3.150000000e+01, v6;
	v42 =	vadd.f32 $-1.000000000e+00, v38  }
0x106: {  	vm9 =	vlt.f32 v9, v38;
	v14 =	vcvt.s32.f32 v14;
	v28 =	vtrunc.f32 v5  }
0x107: {  	v44 =	vadd.f32 $-1.000000000e+00, v17;
	v31 =	vtrunc.f32 v6;
	v7 =	vcvt.f32.s32 v28  }
0x108: {  	v10 =	vcvt.f32.s32 v31;
	v13 =	vsel vm9, v42, v38;
	v59 =	vadd.f32 $-1.000000000e+00, v14  }
0x109: {  	v28 =	vtrunc.f32 v1;
	v19 =	vadd.f32 $1.000000000e+00, v13;
	vm10 =	vge.f32 v13, $0.0e+00  }
0x10a: {  	vm2 =	vle.f32 v13, $6.300000000e+01;
	v28 =	vcvt.f32.s32 v28;
	v9 =	vsub.f32 v9, v13  }
0x10b: {  	v63 =	vmax.f32 v13, $0.0e+00;
	v7 =	vcvt.s32.f32 v7;
	v10 =	vcvt.s32.f32 v10  }
0x10c: {  	vm11 =	vmand vm10, vm2;
	v60 =	vcvt.s32.f32 v28;
	v31 =	vsub.f32 $1.000000000e+00, v9  }
0x10d: {  	v56 =	vsel vm11, $0x3F800000, v0;
	v29 =	vadd.f32 $-1.000000000e+00, v7;
	v34 =	vadd.f32 $-1.000000000e+00, v10  }
0x10e: {  	vm12 =	vlt.f32 v5, v7;
	vm5 =	vlt.f32 v6, v10;
	v30 =	vadd.f32 $-1.000000000e+00, v60  }
0x10f: {  	v7 =	vsel vm12, v29, v7;
	v10 =	vsel vm5, v34, v10;
	vm12 =	vge.f32 v19, $0.0e+00  }
0x110: {  	v8 =	vadd.f32 $1.000000000e+00, v7;
	vm0 =	vge.f32 v7, $0.0e+00;
	vm13 =	vle.f32 v7, $6.300000000e+01  }
0x111: {  	v37 =	vmax.f32 v7, $0.0e+00;
	vm6 =	vle.f32 v10, $6.300000000e+01;
	v39 =	vadd.f32 $1.000000000e+00, v10  }
0x112: {  	v45 =	vsub.f32 v5, v7;
	v6 =	vsub.f32 v6, v10;
	v48 =	vmax.f32 v10, $0.0e+00  }
0x113: {  	vm0 =	vmand vm0, vm13;
	vm13 =	vle.f32 v19, $6.300000000e+01;
	v16 =	vmin.f32 v37, $6.300000000e+01  }
0x114: {  	v19 =	vmax.f32 v19, $0.0e+00;
	vm14 =	vge.f32 v8, $0.0e+00;
	vm15 =	vle.f32 v8, $6.300000000e+01  }
0x115: {  	v33 =	vsel vm0, $0x3F800000, v0;
	vm0 =	vge.f32 v10, $0.0e+00;
	vm7 =	vge.f32 v39, $0.0e+00  }
0x116: {  	vm8 =	vle.f32 v39, $6.300000000e+01;
	vm1 =	vmand vm12, vm13;
	v46 =	vtrunc.f32 v16  }
0x117: {  	v47 =	vmax.f32 v8, $0.0e+00;
	v8 =	vmin.f32 v48, $6.300000000e+01;
	v49 =	vsub.f32 $1.000000000e+00, v45  }
0x118: {  	v50 =	vsub.f32 $1.000000000e+00, v6;
	v51 =	vmax.f32 v39, $0.0e+00;
	v4 =	vmul.f32 v6, v45  }
0x119: {  	vm12 =	vlt.f32 v1, v60;
	v13 =	vmin.f32 v19, $6.300000000e+01;
	vm4 =	vmand vm14, vm15  }
0x11a: {  	vm0 =	vmand vm0, vm6;
	vm14 =	vlt.f32 v11, v17;
	v5 =	vcvt.f32.s32 v46  }
0x11b: {  	v7 =	vmin.f32 v47, $6.300000000e+01;
	v8 =	vtrunc.f32 v8;
	v57 =	vsel vm1, $0x3F800000, v0  }
0x11c: {  	v27 =	vsel vm12, v30, v60;
	v13 =	vtrunc.f32 v13;
	v36 =	vsel vm4, $0x3F800000, v0  }
0x11d: {  	v41 =	vsel vm0, $0x3F800000, v0;
	vm0 =	vmand vm7, vm8;
	v17 =	vsel vm14, v44, v17  }
0x11e: {  	v2 =	vcvt.f32.s32 v8;
	v53 =	vmul.f32 v50, v49;
	v8 =	vmin.f32 v51, $6.300000000e+01  }
0x11f: {  	v10 =	vmul.f32 v6, v49;
	vm8 =	vlt.f32 v3, v14;
	v16 =	vmul.f32 v50, v45  }
0x120: {  	v30 =	vadd.f32 $1.000000000e+00, v27;
	vm13 =	vge.f32 v27, $0.0e+00;
	v7 =	vtrunc.f32 v7  }
0x121: {  	v13 =	vcvt.f32.s32 v13;
	v46 =	vmax.f32 v27, $0.0e+00;
	v1 =	vsub.f32 v1, v27  }
0x122: {  	v43 =	vsel vm0, $0x3F800000, v0;
	vm15 =	vge.f32 v17, $0.0e+00;
	vm3 =	vle.f32 v17, $6.300000000e+01  }
0x123: {  	v54 =	vmul.f32 v41, v33;
	v55 =	vadd.f32 $1.000000000e+00, v17;
	v18 =	vmul.f32 v41, v36  }
0x124: {  	v14 =	vsel vm8, v59, v14;
	v8 =	vtrunc.f32 v8;
	v7 =	vcvt.f32.s32 v7  }
0x125: {  	v22 =	vmax.f32 v17, $0.0e+00;
	v11 =	vsub.f32 v11, v17;
	v6 =	vmin.f32 v46, $6.300000000e+01  }
0x126: {  	vm2 =	vmand vm15, vm3;
	vm9 =	vge.f32 v14, $0.0e+00;
	v61 =	vadd.f32 $1.000000000e+00, v14  }
0x127: {  	v12 =	vmul.f32 v43, v33;
	v15 =	vmul.f32 v43, v36;
	vm14 =	vge.f32 v30, $0.0e+00  }
0x128: {  	vm15 =	vle.f32 v30, $6.300000000e+01;
	v8 =	vcvt.f32.s32 v8;
	v2 =	vshll.u32 v2, $0x6  }
0x129: {  	v43 =	vmax.f32 v14, $0.0e+00;
	v3 =	vsub.f32 v3, v14;
	v6 =	vtrunc.f32 v6  }
0x12a: {  	v47 =	vmax.f32 v30, $0.0e+00;
	v51 =	vsub.f32 $1.000000000e+00, v1;
	v58 =	vsel vm2, $0x3F800000, v0  }
0x12b: {  	vm6 =	vge.f32 v55, $0.0e+00;
	vm7 =	vle.f32 v55, $6.300000000e+01;
	vm2 =	vle.f32 v14, $6.300000000e+01  }
0x12c: {  	v21 =	vmul.f32 v54, v53;
	v16 =	vmul.f32 v18, v16;
	v23 =	vmax.f32 v55, $0.0e+00  }
0x12d: {  	v32 =	vsub.f32 $1.000000000e+00, v11;
	v33 =	vadd.s32 v5, v2;
	v18 =	vmul.f32 v11, v31  }
0x12e: {  	v2 =	vadd.s32 v7, v2;
	v35 =	vmul.f32 v11, v9;
	v44 =	vmin.f32 v43, $6.300000000e+01  }
0x12f: {  	v6 =	vcvt.f32.s32 v6;
	v48 =	vmin.f32 v47, $6.300000000e+01;
	vm0 =	vmand vm6, vm7  }
0x130: {  	vm1 =	vmand vm9, vm2;
	vm10 =	vge.f32 v61, $0.0e+00;
	vm11 =	vle.f32 v61, $6.300000000e+01  }
0x131: {  	vm2 =	vle.f32 v27, $6.300000000e+01;
	v10 =	vmul.f32 v12, v10;
	v4 =	vmul.f32 v15, v4  }
0x132: {  	v12 =	vmin.f32 v63, $6.300000000e+01;
	v15 =	vmin.f32 v22, $6.300000000e+01;
	v17 =	vmin.f32 v23, $6.300000000e+01  }
0x133: {  	v8 =	vshll.u32 v8, $0x6;
	[tilespmem:s1+$0x6050] =	vst v33;
	v36 =	vmul.f32 v58, v56;
	v38 =	vmul.f32 v58, v57  }
0x134: {  	[tilespmem:s1+$0x8850] =	vst v2;
	v45 =	vmax.f32 v61, $0.0e+00;
	v49 =	vtrunc.f32 v48;
	v50 =	vsub.f32 $1.000000000e+00, v3  }
0x135: {  	v62 =	vsel vm0, $0x3F800000, v0;
	v29 =	vsel vm1, $0x3F800000, v0;
	vm0 =	vmand vm10, vm11;
	[tilespmem:s1+$0xB050] =	vst v21  }
0x136: {  	v12 =	vtrunc.f32 v12;
	v15 =	vtrunc.f32 v15;
	v5 =	vadd.s32 v5, v8;
	[tilespmem:s1+$0xD850] =	vst v16  }
0x137: {  	v17 =	vtrunc.f32 v17;
	v34 =	vmul.f32 v32, v31;
	v2 =	vadd.s32 v7, v8;
	[tilespmem:s1+$0x7450] =	vst v5  }
0x138: {  	vm1 =	vmand vm13, vm2;
	v19 =	vmul.f32 v32, v9;
	v12 =	vcvt.f32.s32 v12;
	[tilespmem:s1+$0x9C50] =	vst v2  }
0x139: {  	v6 =	vshll.u32 v6, $0x6;
	v15 =	vcvt.f32.s32 v15;
	[tilespmem:s1+$0xC450] =	vst v10;
	v9 =	vmul.f32 v36, v34  }
0x13a: {  	v20 =	vsel vm1, $0x3F800000, v0;
	v17 =	vcvt.f32.s32 v17;
	[tilespmem:s1+$0xEC50] =	vst v4;
	v8 =	vmul.f32 v38, v19  }
0x13b: {  	v37 =	vmul.f32 v62, v56;
	v2 =	vmul.f32 v62, v57;
	v39 =	vshll.u32 v15, $0x6;
	[tilespmem:s1+$0xB070] =	vst v9  }
0x13c: {  	v4 =	vtrunc.f32 v44;
	v40 =	vshll.u32 v17, $0x6;
	v41 =	vadd.s32 v12, v39;
	[tilespmem:s1+$0xD870] =	vst v8  }
0x13d: {  	v5 =	vmin.f32 v45, $6.300000000e+01;
	v54 =	vmul.f32 v51, v50;
	v12 =	vadd.s32 v12, v40;
	[tilespmem:s1+$0x6070] =	vst v41  }
0x13e: {  	v56 =	vmul.f32 v1, v50;
	v62 =	vmul.f32 v51, v3;
	v11 =	vadd.s32 v13, v39;
	[tilespmem:s1+$0x7470] =	vst v12  }
0x13f: {  	v4 =	vcvt.f32.s32 v4;
	v7 =	vmul.f32 v37, v18;
	v42 =	vadd.s32 v13, v40;
	[tilespmem:s1+$0x8870] =	vst v11  }
0x140: {  	vm1 =	vmand vm14, vm15;
	v5 =	vtrunc.f32 v5;
	v2 =	vmul.f32 v2, v35;
	[tilespmem:s1+$0x9C70] =	vst v42  }
0x141: {  	v58 =	vsel vm0, $0x3F800000, v0;
	v55 =	vmul.f32 v20, v29;
	v5 =	vcvt.f32.s32 v5;
	[tilespmem:s1+$0xC470] =	vst v7  }
0x142: {  	v52 =	vsel vm1, $0x3F800000, v0;
	v9 =	vcvt.f32.s32 v49;
	v53 =	vadd.s32 v4, v6;
	[tilespmem:s1+$0xEC70] =	vst v2  }
0x143: {  	v63 =	vmul.f32 v20, v58;
	v60 =	vmul.f32 v55, v54;
	[tilespmem:s1+$0x6090] =	vst v53;
	v59 =	vadd.s32 v5, v6  }
0x144: {  	v1 =	vmul.f32 v1, v3;
	v57 =	vmul.f32 v52, v29;
	v2 =	vshll.u32 v9, $0x6;
	[tilespmem:s1+$0x8890] =	vst v59  }
0x145: {  	p0 =	sne.s32 s15, $0x4D80;
	v3 =	vmul.f32 v63, v62;
	[tilespmem:s1+$0xB090] =	vst v60;
	v4 =	vadd.s32 v4, v2;
	v2 =	vadd.s32 v5, v2  }
.Ltmp0:
0x146: {  	v61 =	vmul.f32 v57, v56;
	[tilespmem:s1+$0x9C90] =	vst v2;
	v2 =	vmul.f32 v52, v58;
	(pc) =	sbr.rel @p0 .LBB2_2-.Ltmp0, $4  }
0x147: {  	[tilespmem:s1+$0xD890] =	vst v3  }
0x148: {  	s11 =	sadd.s32 $0xA0, s11;
	s15 =	sadd.s32 $0x280, s15;
	s7 =	sadd.s32 $0x80, s7;
	[tilespmem:s1+$0xC490] =	vst v61;
	v1 =	vmul.f32 v2, v1  }
0x149: {  	s8 =	sadd.s32 $0x80, s8;
	s10 =	sadd.s32 $0x80, s10;
	s9 =	sadd.s32 $0x80, s9;
	[tilespmem:s1+$0x7490] =	vst v4  }
0x14a: {  	s21 =	sadd.s32 $0x80, s21;
	s6 =	sadd.s32 $0x80, s6;
	[tilespmem:s1+$0xEC90] =	vst v1;
	s1 =	simm.s32 $0x0  }
.LBB2_3:
0x14b: {  	s6 =	sadd.s32 s5, s1  }
0x14c: {  	s7 =	sadd.s32 s12, s6;
	s8 =	sshll.u32 s6, $0x4  }
0x14d: {  	s7 =	sshll.u32 s7, $0x9;
	s8 =	sand.u32 $0x70, s8  }
0x14e: {  	s7 =	sand.u32 $0x7F000, s7;
	s9 =	sadd.s32 s3, s8  }
0x14f: {  	s9 =	sadd.s32 s7, s9  }
0x150: {  	[tilespmem:s24], [sflag:$0x1] =	stream.strided.gather [hbm4b:s9+s22], $0x1000, s23, s22, $0x38;
	[tilespmem:$0x15000] =	vst v63  }
0x151: {  	_ =	swait.ge [sflag:s16], $0x1000  }
0x152: {  	s8 =	sadd.s32 s8, s13;
	[sflag:s16] =	ssyncset.done $0x0  }
0x153: {  	s7 =	sadd.s32 s7, s8;
	[sflag:s16] =	ssyncadd.s32 $0xFFFFF000  }
0x154: {  	[tilespmem:s25], [sflag:$0x1] =	stream.strided.gather [hbm4b:s7+s22], $0x1000, s23, s22, $0x38;
	[tilespmem:$0x15000] =	vst v63  }
0x155: {  	_ =	swait.ge [sflag:s16], $0x1000  }
0x156: {  	[sflag:s16] =	ssyncset.done $0x0  }
0x157: {  	s8 =	simm.s32 $0x0;
	[sflag:s16] =	ssyncadd.s32 $0xFFFFF000  }
0x158: {  	v1 =	vld [tilespmem:s8+$0x10000]  }
0x159: {  	s7 =	simm.s32 $0x40;
	v2 =	vld [tilespmem:s8+$0x11000]  }
.LBB2_4:
0x15a: {  	_ = 	snop  }
0x15b: {  	p0 =	sne.s32 s7, $0x3FC0  }
.Ltmp1:
0x15c: {  	_ = 	snop;
	(pc) =	sbr.rel @p0 .LBB2_4-.Ltmp1, $4  }
0x15d: {  	_ = 	snop  }
0x15e: {  	s9 =	sshra.s32 s7, $0x2;
	v3 =	vadd.f32 v2, v1  }
0x15f: {  	v1 =	vld [tilespmem:s9+$0x10000]  }
0x160: {  	s7 =	sadd.s32 $0x40, s7;
	v2 =	vld [tilespmem:s9+$0x11000];
	[tilespmem:s8+$0x12000] =	vst v3;
	s8 =	smov.u32 s9  }
0x161: {  	_ =	sdelay $0x3  }
0x162: {  	v1 =	vadd.f32 v2, v1  }
0x163: {  	s7 =	simm.s32 $0x0  }
0x164: {  	s9 =	simm.s32 $0x0;
	s10 =	simm.s32 $0x0;
	[tilespmem:s8+$0x12000] =	vst v1;
	s8 =	simm.s32 $0x0  }
.LBB2_6:
0x165: {  	s11 =	sshra.s32 s10, $0x2  }
0x166: {  	v1 =	vld [tilespmem:s11+$0x6000]  }
0x167: {  	v2 =	vld [tilespmem:s11+$0x7400];
	_ =	sdelay $0x1  }
0x168: {  	v3 =	vld [tilespmem:s11+$0x8800];
	_ =	sdelay $0x1  }
0x169: {  	v4 =	vld [tilespmem:s11+$0x9C00]  }
0x16a: {  	v5 =	vld [tilespmem:s11+$0xB000]  }
0x16b: {  	v6 =	vld [tilespmem:s11+$0xC400]  }
0x16c: {  	v1 =	vld.idx.msk [tilespmem:v1+s26+$0x0], $0xffff  }
0x16d: {  	v2 =	vld.idx.msk [tilespmem:v2+s26+$0x0], $0xffff  }
0x16e: {  	v7 =	vld [tilespmem:s11+$0xD800]  }
0x16f: {  	v3 =	vld.idx.msk [tilespmem:v3+s26+$0x0], $0xffff  }
0x170: {  	v8 =	vld [tilespmem:s11+$0xEC00]  }
0x171: {  	v4 =	vld.idx.msk [tilespmem:v4+s26+$0x0], $0xffff  }
0x172: {  	v1 =	vmul.f32 v5, v1;
	v2 =	vmul.f32 v6, v2;
	_ =	sdelay $0x1  }
0x173: {  	v1 =	vadd.f32 v2, v1;
	v2 =	vmul.f32 v7, v3;
	_ =	sdelay $0x1  }
0x174: {  	v1 =	vadd.f32 v2, v1;
	v2 =	vmul.f32 v8, v4;
	_ =	sdelay $0x1  }
0x175: {  	s15 =	sand.u32 $0x1800, s8;
	s20 =	sand.u32 $0x380, s9;
	v1 =	vadd.f32 v2, v1  }
0x176: {  	s15 =	sor.u32 s20, s15  }
0x177: {  	[tilespmem:s15+$0x13000] =	vst v1  }
0x178: {  	v1 =	vld [tilespmem:s11+$0x6010]  }
0x179: {  	v2 =	vld [tilespmem:s11+$0x7410];
	_ =	sdelay $0x1  }
0x17a: {  	v3 =	vld [tilespmem:s11+$0x8810];
	_ =	sdelay $0x1  }
0x17b: {  	v19 =	vld [tilespmem:s11+$0x9C10]  }
0x17c: {  	v20 =	vld [tilespmem:s11+$0xB010]  }
0x17d: {  	v21 =	vld [tilespmem:s11+$0xC410]  }
0x17e: {  	v1 =	vld.idx.msk [tilespmem:v1+s26+$0x0], $0xffff  }
0x17f: {  	v2 =	vld.idx.msk [tilespmem:v2+s26+$0x0], $0xffff  }
0x180: {  	v22 =	vld [tilespmem:s11+$0xD810]  }
0x181: {  	v3 =	vld.idx.msk [tilespmem:v3+s26+$0x0], $0xffff  }
0x182: {  	v23 =	vld [tilespmem:s11+$0xEC10]  }
0x183: {  	v4 =	vld.idx.msk [tilespmem:v19+s26+$0x0], $0xffff  }
0x184: {  	v1 =	vmul.f32 v20, v1;
	v2 =	vmul.f32 v21, v2;
	_ =	sdelay $0x1  }
0x185: {  	v1 =	vadd.f32 v2, v1;
	v2 =	vmul.f32 v22, v3;
	_ =	sdelay $0x1  }
0x186: {  	v1 =	vadd.f32 v2, v1;
	v2 =	vmul.f32 v23, v4;
	_ =	sdelay $0x1  }
0x187: {  	v1 =	vadd.f32 v2, v1  }
0x188: {  	s15 =	sadd.s32 $0x13000, s15  }
0x189: {  	[tilespmem:s15+$0x10] =	vst v1  }
0x18a: {  	v1 =	vld [tilespmem:s11+$0x6020]  }
0x18b: {  	v2 =	vld [tilespmem:s11+$0x7420];
	_ =	sdelay $0x1  }
0x18c: {  	v3 =	vld [tilespmem:s11+$0x8820];
	_ =	sdelay $0x1  }
0x18d: {  	v24 =	vld [tilespmem:s11+$0x9C20]  }
0x18e: {  	v25 =	vld [tilespmem:s11+$0xB020]  }
0x18f: {  	v26 =	vld [tilespmem:s11+$0xC420]  }
0x190: {  	v1 =	vld.idx.msk [tilespmem:v1+s26+$0x0], $0xffff  }
0x191: {  	v2 =	vld.idx.msk [tilespmem:v2+s26+$0x0], $0xffff  }
0x192: {  	v27 =	vld [tilespmem:s11+$0xD820]  }
0x193: {  	v3 =	vld.idx.msk [tilespmem:v3+s26+$0x0], $0xffff  }
0x194: {  	v28 =	vld [tilespmem:s11+$0xEC20]  }
0x195: {  	v4 =	vld.idx.msk [tilespmem:v24+s26+$0x0], $0xffff  }
0x196: {  	v1 =	vmul.f32 v25, v1;
	v2 =	vmul.f32 v26, v2;
	_ =	sdelay $0x1  }
0x197: {  	v1 =	vadd.f32 v2, v1;
	v2 =	vmul.f32 v27, v3;
	_ =	sdelay $0x1  }
0x198: {  	v1 =	vadd.f32 v2, v1;
	v2 =	vmul.f32 v28, v4;
	_ =	sdelay $0x1  }
0x199: {  	v1 =	vadd.f32 v2, v1;
	_ =	sdelay $0x1  }
0x19a: {  	[tilespmem:s15+$0x20] =	vst v1  }
0x19b: {  	v1 =	vld [tilespmem:s11+$0x6030]  }
0x19c: {  	v2 =	vld [tilespmem:s11+$0x7430];
	_ =	sdelay $0x1  }
0x19d: {  	v3 =	vld [tilespmem:s11+$0x8830];
	_ =	sdelay $0x1  }
0x19e: {  	v29 =	vld [tilespmem:s11+$0x9C30]  }
0x19f: {  	v30 =	vld [tilespmem:s11+$0xB030]  }
0x1a0: {  	v31 =	vld [tilespmem:s11+$0xC430]  }
0x1a1: {  	v1 =	vld.idx.msk [tilespmem:v1+s26+$0x0], $0xffff  }
0x1a2: {  	v2 =	vld.idx.msk [tilespmem:v2+s26+$0x0], $0xffff  }
0x1a3: {  	v32 =	vld [tilespmem:s11+$0xD830]  }
0x1a4: {  	v3 =	vld.idx.msk [tilespmem:v3+s26+$0x0], $0xffff  }
0x1a5: {  	v33 =	vld [tilespmem:s11+$0xEC30]  }
0x1a6: {  	v4 =	vld.idx.msk [tilespmem:v29+s26+$0x0], $0xffff  }
0x1a7: {  	v1 =	vmul.f32 v30, v1;
	v2 =	vmul.f32 v31, v2;
	_ =	sdelay $0x1  }
0x1a8: {  	v1 =	vadd.f32 v2, v1;
	v2 =	vmul.f32 v32, v3;
	_ =	sdelay $0x1  }
0x1a9: {  	v1 =	vadd.f32 v2, v1;
	v2 =	vmul.f32 v33, v4;
	_ =	sdelay $0x1  }
0x1aa: {  	v1 =	vadd.f32 v2, v1;
	_ =	sdelay $0x1  }
0x1ab: {  	[tilespmem:s15+$0x30] =	vst v1  }
0x1ac: {  	v1 =	vld [tilespmem:s11+$0x6040]  }
0x1ad: {  	v2 =	vld [tilespmem:s11+$0x7440];
	_ =	sdelay $0x1  }
0x1ae: {  	v3 =	vld [tilespmem:s11+$0x8840];
	_ =	sdelay $0x1  }
0x1af: {  	v34 =	vld [tilespmem:s11+$0x9C40]  }
0x1b0: {  	v35 =	vld [tilespmem:s11+$0xB040]  }
0x1b1: {  	v36 =	vld [tilespmem:s11+$0xC440]  }
0x1b2: {  	v1 =	vld.idx.msk [tilespmem:v1+s26+$0x0], $0xffff  }
0x1b3: {  	v2 =	vld.idx.msk [tilespmem:v2+s26+$0x0], $0xffff  }
0x1b4: {  	v37 =	vld [tilespmem:s11+$0xD840]  }
0x1b5: {  	v3 =	vld.idx.msk [tilespmem:v3+s26+$0x0], $0xffff  }
0x1b6: {  	v38 =	vld [tilespmem:s11+$0xEC40]  }
0x1b7: {  	v4 =	vld.idx.msk [tilespmem:v34+s26+$0x0], $0xffff  }
0x1b8: {  	v1 =	vmul.f32 v35, v1;
	v2 =	vmul.f32 v36, v2;
	_ =	sdelay $0x1  }
0x1b9: {  	v1 =	vadd.f32 v2, v1;
	v2 =	vmul.f32 v37, v3;
	_ =	sdelay $0x1  }
0x1ba: {  	v1 =	vadd.f32 v2, v1;
	v2 =	vmul.f32 v38, v4;
	_ =	sdelay $0x1  }
0x1bb: {  	v1 =	vadd.f32 v2, v1;
	_ =	sdelay $0x1  }
0x1bc: {  	[tilespmem:s15+$0x40] =	vst v1  }
0x1bd: {  	v1 =	vld [tilespmem:s11+$0x6050]  }
0x1be: {  	v2 =	vld [tilespmem:s11+$0x7450];
	_ =	sdelay $0x1  }
0x1bf: {  	v3 =	vld [tilespmem:s11+$0x8850];
	_ =	sdelay $0x1  }
0x1c0: {  	v39 =	vld [tilespmem:s11+$0x9C50]  }
0x1c1: {  	v40 =	vld [tilespmem:s11+$0xB050]  }
0x1c2: {  	v41 =	vld [tilespmem:s11+$0xC450]  }
0x1c3: {  	v1 =	vld.idx.msk [tilespmem:v1+s26+$0x0], $0xffff  }
0x1c4: {  	v2 =	vld.idx.msk [tilespmem:v2+s26+$0x0], $0xffff  }
0x1c5: {  	v42 =	vld [tilespmem:s11+$0xD850]  }
0x1c6: {  	v3 =	vld.idx.msk [tilespmem:v3+s26+$0x0], $0xffff  }
0x1c7: {  	v43 =	vld [tilespmem:s11+$0xEC50]  }
0x1c8: {  	v4 =	vld.idx.msk [tilespmem:v39+s26+$0x0], $0xffff  }
0x1c9: {  	v1 =	vmul.f32 v40, v1;
	v2 =	vmul.f32 v41, v2;
	_ =	sdelay $0x1  }
0x1ca: {  	v1 =	vadd.f32 v2, v1;
	v2 =	vmul.f32 v42, v3;
	_ =	sdelay $0x1  }
0x1cb: {  	v1 =	vadd.f32 v2, v1;
	v2 =	vmul.f32 v43, v4;
	_ =	sdelay $0x1  }
0x1cc: {  	v1 =	vadd.f32 v2, v1;
	_ =	sdelay $0x1  }
0x1cd: {  	[tilespmem:s15+$0x50] =	vst v1  }
0x1ce: {  	v1 =	vld [tilespmem:s11+$0x6060]  }
0x1cf: {  	v2 =	vld [tilespmem:s11+$0x7460];
	_ =	sdelay $0x1  }
0x1d0: {  	v3 =	vld [tilespmem:s11+$0x8860];
	_ =	sdelay $0x1  }
0x1d1: {  	v44 =	vld [tilespmem:s11+$0x9C60]  }
0x1d2: {  	v45 =	vld [tilespmem:s11+$0xB060]  }
0x1d3: {  	v46 =	vld [tilespmem:s11+$0xC460]  }
0x1d4: {  	v1 =	vld.idx.msk [tilespmem:v1+s26+$0x0], $0xffff  }
0x1d5: {  	v2 =	vld.idx.msk [tilespmem:v2+s26+$0x0], $0xffff  }
0x1d6: {  	v47 =	vld [tilespmem:s11+$0xD860]  }
0x1d7: {  	v3 =	vld.idx.msk [tilespmem:v3+s26+$0x0], $0xffff  }
0x1d8: {  	v48 =	vld [tilespmem:s11+$0xEC60]  }
0x1d9: {  	v4 =	vld.idx.msk [tilespmem:v44+s26+$0x0], $0xffff  }
0x1da: {  	v1 =	vmul.f32 v45, v1;
	v2 =	vmul.f32 v46, v2;
	_ =	sdelay $0x1  }
0x1db: {  	v1 =	vadd.f32 v2, v1;
	v2 =	vmul.f32 v47, v3;
	_ =	sdelay $0x1  }
0x1dc: {  	v1 =	vadd.f32 v2, v1;
	v2 =	vmul.f32 v48, v4;
	_ =	sdelay $0x1  }
0x1dd: {  	v1 =	vadd.f32 v2, v1;
	_ =	sdelay $0x1  }
0x1de: {  	[tilespmem:s15+$0x60] =	vst v1  }
0x1df: {  	v1 =	vld [tilespmem:s11+$0x6070]  }
0x1e0: {  	v2 =	vld [tilespmem:s11+$0x7470];
	_ =	sdelay $0x1  }
0x1e1: {  	v3 =	vld [tilespmem:s11+$0x8870];
	_ =	sdelay $0x1  }
0x1e2: {  	v49 =	vld [tilespmem:s11+$0x9C70]  }
0x1e3: {  	v50 =	vld [tilespmem:s11+$0xB070]  }
0x1e4: {  	v51 =	vld [tilespmem:s11+$0xC470]  }
0x1e5: {  	v1 =	vld.idx.msk [tilespmem:v1+s26+$0x0], $0xffff  }
0x1e6: {  	v2 =	vld.idx.msk [tilespmem:v2+s26+$0x0], $0xffff  }
0x1e7: {  	v52 =	vld [tilespmem:s11+$0xD870]  }
0x1e8: {  	v3 =	vld.idx.msk [tilespmem:v3+s26+$0x0], $0xffff  }
0x1e9: {  	v53 =	vld [tilespmem:s11+$0xEC70]  }
0x1ea: {  	v4 =	vld.idx.msk [tilespmem:v49+s26+$0x0], $0xffff  }
0x1eb: {  	v1 =	vmul.f32 v50, v1;
	v2 =	vmul.f32 v51, v2;
	_ =	sdelay $0x1  }
0x1ec: {  	v1 =	vadd.f32 v2, v1;
	v2 =	vmul.f32 v52, v3;
	_ =	sdelay $0x1  }
0x1ed: {  	v1 =	vadd.f32 v2, v1;
	v2 =	vmul.f32 v53, v4;
	_ =	sdelay $0x1  }
0x1ee: {  	v1 =	vadd.f32 v2, v1;
	_ =	sdelay $0x1  }
0x1ef: {  	s21 =	sand.u32 $0x1FE0, s7;
	[tilespmem:s15+$0x70] =	vst v1  }
0x1f0: {  	v1 =	vld [tilespmem:s21+$0x6080]  }
0x1f1: {  	v2 =	vld [tilespmem:s21+$0x7480];
	_ =	sdelay $0x1  }
0x1f2: {  	v3 =	vld [tilespmem:s21+$0x8880];
	_ =	sdelay $0x1  }
0x1f3: {  	v54 =	vld [tilespmem:s21+$0x9C80]  }
0x1f4: {  	v55 =	vld [tilespmem:s21+$0xB080]  }
0x1f5: {  	v56 =	vld [tilespmem:s21+$0xC480]  }
0x1f6: {  	v1 =	vld.idx.msk [tilespmem:v1+s26+$0x0], $0xffff  }
0x1f7: {  	v2 =	vld.idx.msk [tilespmem:v2+s26+$0x0], $0xffff  }
0x1f8: {  	v57 =	vld [tilespmem:s21+$0xD880]  }
0x1f9: {  	v3 =	vld.idx.msk [tilespmem:v3+s26+$0x0], $0xffff  }
0x1fa: {  	v58 =	vld [tilespmem:s21+$0xEC80]  }
0x1fb: {  	v4 =	vld.idx.msk [tilespmem:v54+s26+$0x0], $0xffff  }
0x1fc: {  	v1 =	vmul.f32 v55, v1;
	v2 =	vmul.f32 v56, v2;
	_ =	sdelay $0x1  }
0x1fd: {  	v1 =	vadd.f32 v2, v1;
	v2 =	vmul.f32 v57, v3;
	_ =	sdelay $0x1  }
0x1fe: {  	v1 =	vadd.f32 v2, v1;
	v2 =	vmul.f32 v58, v4;
	_ =	sdelay $0x1  }
0x1ff: {  	v1 =	vadd.f32 v2, v1;
	_ =	sdelay $0x1  }
0x200: {  	[tilespmem:s15+$0x400] =	vst v1  }
0x201: {  	v1 =	vld [tilespmem:s11+$0x6090]  }
0x202: {  	v2 =	vld [tilespmem:s11+$0x7490];
	_ =	sdelay $0x1  }
0x203: {  	v3 =	vld [tilespmem:s11+$0x8890];
	_ =	sdelay $0x1  }
0x204: {  	v59 =	vld [tilespmem:s11+$0x9C90]  }
0x205: {  	v60 =	vld [tilespmem:s11+$0xB090]  }
0x206: {  	v61 =	vld [tilespmem:s11+$0xC490]  }
0x207: {  	v1 =	vld.idx.msk [tilespmem:v1+s26+$0x0], $0xffff  }
0x208: {  	v2 =	vld.idx.msk [tilespmem:v2+s26+$0x0], $0xffff  }
0x209: {  	v62 =	vld [tilespmem:s11+$0xD890]  }
0x20a: {  	v3 =	vld.idx.msk [tilespmem:v3+s26+$0x0], $0xffff  }
0x20b: {  	v63 =	vld [tilespmem:s11+$0xEC90]  }
0x20c: {  	v4 =	vld.idx.msk [tilespmem:v59+s26+$0x0], $0xffff  }
0x20d: {  	v1 =	vmul.f32 v60, v1;
	v2 =	vmul.f32 v61, v2;
	_ =	sdelay $0x1  }
0x20e: {  	v1 =	vadd.f32 v2, v1;
	v2 =	vmul.f32 v62, v3  }
0x20f: {  	p0 =	sne.s32 s10, $0x4D80  }
.Ltmp2:
0x210: {  	v1 =	vadd.f32 v2, v1;
	v2 =	vmul.f32 v63, v4;
	(pc) =	sbr.rel @p0 .LBB2_6-.Ltmp2, $4  }
0x211: {  	_ = 	snop  }
0x212: {  	v1 =	vadd.f32 v2, v1  }
0x213: {  	s9 =	sadd.s32 $0x80, s9  }
0x214: {  	s8 =	sadd.s32 $0x100, s8;
	s7 =	sadd.s32 $0xA0, s7;
	s10 =	sadd.s32 $0x280, s10;
	[tilespmem:s15+$0x410] =	vst v1  }
0x215: {  	s7 =	sshll.u32 s6, $0x8  }
0x216: {  	s10 =	sshll.u32 s6, $0x7;
	s7 =	sand.u32 $0x1F800, s7  }
0x217: {  	s6 =	sand.u32 $0x380, s10;
	s7 =	sor.u32 s14, s7  }
0x218: {  	s6 =	sor.u32 s6, s7  }
0x219: {  	s6 =	sshrl.u32 s6, $0x3  }
0x21a: {  	s6 =	sadd.s32 s4, s6  }
0x21b: {  	[hbm4b:s6+s22] =	stream.strided.scatter [tilespmem:s29], [sflag:$0x1], $0x400, s28, s22, $0x38;
	[tilespmem:$0x15000] =	vst v63  }
0x21c: {  	s11 =	sadd.s32 $0x80, s6  }
0x21d: {  	[hbm4b:s11+s22] =	stream.strided.scatter [tilespmem:s30], [sflag:$0x1], $0x400, s28, s22, $0x38;
	[tilespmem:$0x15000] =	vst v63  }
0x21e: {  	s15 =	sadd.s32 $0xC000, s6  }
0x21f: {  	[hbm4b:s15+s22] =	stream.strided.scatter [tilespmem:s31], [sflag:$0x1], $0x400, s28, s22, $0x38;
	[tilespmem:$0x15000] =	vst v63  }
0x220: {  	s20 =	sadd.s32 $0xC080, s6  }
0x221: {  	[hbm4b:s20+s22] =	stream.strided.scatter [tilespmem:s0], [sflag:$0x1], $0x400, s28, s22, $0x38;
	[tilespmem:$0x15000] =	vst v63  }
0x222: {  	s21 =	sadd.s32 $0x18000, s6  }
0x223: {  	[hbm4b:s21+s22] =	stream.strided.scatter [tilespmem:s2], [sflag:$0x1], $0x400, s28, s22, $0x38;
	[tilespmem:$0x15000] =	vst v63  }
0x224: {  	s1 =	sadd.s32 $0x1, s1;
	s7 =	sadd.s32 $0x80, s21  }
0x225: {  	[hbm4b:s7+s22] =	stream.strided.scatter [tilespmem:s17], [sflag:$0x1], $0x400, s28, s22, $0x38;
	[tilespmem:$0x15000] =	vst v63  }
0x226: {  	p0 =	sne.s32 s1, $0xC;
	s6 =	sadd.s32 $0x24000, s6  }
0x227: {  	[hbm4b:s6+s22] =	stream.strided.scatter [tilespmem:s18], [sflag:$0x1], $0x400, s28, s22, $0x38;
	[tilespmem:$0x15000] =	vst v63  }
.Ltmp3:
0x228: {  	s6 =	sadd.s32 $0x80, s6;
	(pc) =	sbr.rel @p0 .LBB2_3-.Ltmp3, $4  }
0x229: {  	[hbm4b:s6+s22] =	stream.strided.scatter [tilespmem:s19], [sflag:$0x1], $0x400, s28, s22, $0x38;
	[tilespmem:$0x15000] =	vst v63  }
0x22a: {  	_ =	swait.ge [sflag:s16], $0x2000  }
0x22b: {  	[sflag:s16] =	ssyncset.done $0x0  }
0x22c: {  	[sflag:s16] =	ssyncadd.s32 $0xFFFFE000  }
0x22d: {  	s6 =	rddreg [dreg:$0xb]  }
0x22e: {  	s1 =	rddreg [dreg:$0xa];
	s6 =	sadd.s32 $0x1, s6  }
0x22f: {  	p0 =	sne.s32 s6, s1  }
.Ltmp4:
0x230: {  	_ = 	snop;
	(pc) =	sbr.rel @p0 .LBB2_1-.Ltmp4, $1  }
0x231: {  	_ =	sdelay $0x3  }
0x232: {  	_ =	sfence.sel $0x180000  }
0x233: {  	[bflag:$0x0] =	sbarrier.arrive $0xFFFF  }
0x234: {  	_ =	strace $0x90000047  }
0x235: {  	s0 =	stileid.u32;
	[bflag:$0x2] =	sbarrier.arrive $0xFFFF  }
0x236: {  	p0 =	sne.s32 s0, $0x0;
	s0 =	rddreg [dreg:$0x3]  }
0x237: {  	s0 =	sadd.s32 @!p0 $0x100000, s0  }
0x238: {  	[sflag:s0] =	ssyncadd.tile.s32 @!p0 $0x1;
	_ =	shalt  }
.Lfunc_end2:
_tile_overlayer_lowered:
.L_overlay_start_2:
0x239: {  	(tag) =	ssettag $0x2  }
0x23a: {  	s0 =	rddreg [dreg:$0x0];
	s2 =	stileid.u32  }
0x23b: {  	s1 =	rddreg [dreg:$0x1];
	p0 =	sne.s32 s2, $0x0  }
0x23c: {  	s3 =	rddreg [dreg:$0x2];
	[bflag:$0x3] =	sbarrier.arrive $0xFFFF;
	s2 =	simm.s32 @!p0 $0x1C01  }
0x23d: {  	[timem:s3], [sflag:s2] =	dma.local @!p0 [hbm:s0], s1  }
0x23e: {  	s0 =	simm.s32 @!p0 $0x1  }
0x23f: {  	_ =	swait.ge @!p0 [sflag:s0], s1  }
0x240: {  	s1 =	ssub.s32 @!p0 $0x0, s1;
	[sflag:s0] =	ssyncset.done @!p0 $0x0  }
0x241: {  	[sflag:s0] =	ssyncadd.s32 @!p0 s1  }
0x242: {  	[bflag:$0x3] =	sbarrier.arrive $0xFFFF  }
0x243: {  	_ =	shalt  }

</sc_bundles>
